<compile_context>
chip_gen: v7x
topology: tpu7x:2x2x1
jax: 0.10.2.dev20260603
libtpu: 0.0.44.dev20260713+nightly
codegen_flags: <defaults>
</compile_context>

<pallas_src>
import functools
import jax
import jax.numpy as jnp
from jax import lax
from jax.experimental import pallas as pl
from jax.experimental.pallas import tpu as pltpu, tpu_sc as plsc

_B = 16384
_D = 32
_NC = 2
_NS = 16
_NW = _NC * _NS
_CHUNK = _B // _NW

_mesh = plsc.VectorSubcoreMesh(core_axis_name="c", subcore_axis_name="s")


@functools.partial(
    pl.kernel,
    out_type=jax.ShapeDtypeStruct((_B, _D), jnp.float32),
    mesh=_mesh,
    scratch_types=[
        pltpu.VMEM((_CHUNK,), jnp.int32),
        pltpu.VMEM((_CHUNK,), jnp.int32),
        pltpu.VMEM((_CHUNK,), jnp.float32),
        pltpu.VMEM((6 * _CHUNK,), jnp.float32),
        pltpu.VMEM((36 * _D,), jnp.float32),
        pltpu.VMEM((6, _D), jnp.float32),
        pltpu.VMEM((6, _D), jnp.float32),
        pltpu.VMEM((_D,), jnp.float32),
        pltpu.VMEM((6 * _D,), jnp.float32),
        pltpu.VMEM((_D,), jnp.float32),
        pltpu.VMEM((_D,), jnp.float32),
        pltpu.VMEM((_CHUNK, _D), jnp.float32),
    ],
)
def _sc_kernel(col_hbm, row_hbm, w_hbm, port_hbm, ce_hbm, re_hbm, ww_hbm,
               bw_hbm, wp_hbm, bp_hbm, out_hbm,
               colv, rowv, wv, portv, tabv, cev, rev, wwv, wpv, bwv, bpv, outv):
    wid = lax.axis_index("s") * _NC + lax.axis_index("c")
    base = wid * _CHUNK
    pltpu.sync_copy(col_hbm.at[pl.ds(base, _CHUNK)], colv)
    pltpu.sync_copy(row_hbm.at[pl.ds(base, _CHUNK)], rowv)
    pltpu.sync_copy(w_hbm.at[pl.ds(base, _CHUNK)], wv)
    pltpu.sync_copy(port_hbm.at[pl.ds(base * 6, _CHUNK * 6)], portv)
    pltpu.sync_copy(ce_hbm, cev)
    pltpu.sync_copy(re_hbm, rev)
    pltpu.sync_copy(ww_hbm, wwv)
    pltpu.sync_copy(wp_hbm, wpv)
    pltpu.sync_copy(bw_hbm, bwv)
    pltpu.sync_copy(bp_hbm, bpv)

    wv0 = wwv[pl.ds(0, 16)]
    wv1 = wwv[pl.ds(16, 16)]
    wp = [wpv[pl.ds(j * _D + h * 16, 16)] for j in range(6) for h in range(2)]
    bias0 = bwv[pl.ds(0, 16)] + bpv[pl.ds(0, 16)]
    bias1 = bwv[pl.ds(16, 16)] + bpv[pl.ds(16, 16)]

    for c in range(6):
        ce0 = cev[c, pl.ds(0, 16)] + bias0
        ce1 = cev[c, pl.ds(16, 16)] + bias1
        for r in range(6):
            tabv[pl.ds((c * 6 + r) * _D, 16)] = ce0 + rev[r, pl.ds(0, 16)]
            tabv[pl.ds((c * 6 + r) * _D + 16, 16)] = ce1 + rev[r, pl.ds(16, 16)]

    @plsc.parallel_loop(0, _CHUNK // 16, 1, unroll=2)
    def group(g):
        c16 = colv[pl.ds(g * 16, 16)]
        r16 = rowv[pl.ds(g * 16, 16)]
        w16 = wv[pl.ds(g * 16, 16)]
        cb16 = (c16 * 6 + r16) * _D
        q = [portv[pl.ds(g * 96 + k * 16, 16)] for k in range(6)]
        for i in range(16):
            e = g * 16 + i
            cb = cb16[i]
            w = w16[i]
            p = [q[(6 * i + j) // 16][(6 * i + j) % 16] for j in range(6)]
            t0 = tabv[pl.ds(cb, 16)]
            t1 = tabv[pl.ds(cb + 16, 16)]
            a0 = ((t0 + w * wv0) + (p[0] * wp[0] + p[1] * wp[2])) + (
                (p[2] * wp[4] + p[3] * wp[6]) + (p[4] * wp[8] + p[5] * wp[10]))
            a1 = ((t1 + w * wv1) + (p[0] * wp[1] + p[1] * wp[3])) + (
                (p[2] * wp[5] + p[3] * wp[7]) + (p[4] * wp[9] + p[5] * wp[11]))
            outv[e, pl.ds(0, 16)] = a0
            outv[e, pl.ds(16, 16)] = a1

    pltpu.sync_copy(outv, out_hbm.at[pl.ds(base, _CHUNK), :])


def kernel(col, row, weight, port, col_embed, row_embed, W_weight, b_weight, W_port, b_port):
    return _sc_kernel(col.astype(jnp.int32), row.astype(jnp.int32),
                      weight.reshape(_B), port.reshape(_B * 6), col_embed, row_embed,
                      W_weight.reshape(_D), b_weight,
                      W_port.T.reshape(6 * _D), b_port)

# --- scband reference (transcript-rebuilt; emitter-appended) ---
"""Pipeline reference for scband-box-embedding-17712445129042 (READ-ONLY COPY).

The authoritative reference and input builder live on the scoring server;
editing this copy changes nothing except your own understanding.
"""

import jax, jax.numpy as jnp
import numpy as np

EMBED_DIM = 32
B = 16384

def setup_inputs(seed: int = 0) -> dict:
    key = jax.random.key(seed)
    k_col, k_row, k_w, k_p, k_ce, k_re, k_ww, k_wp = jax.random.split(key, 8)
    col = jax.random.randint(k_col, (B,), 0, 6, dtype=jnp.int64 if jax.config.read('jax_enable_x64') else jnp.int32)
    row = jax.random.randint(k_row, (B,), 0, 6, dtype=jnp.int64 if jax.config.read('jax_enable_x64') else jnp.int32)
    weight = jax.random.normal(k_w, (B, 1), dtype=jnp.float32)
    port = jax.random.normal(k_p, (B, 6), dtype=jnp.float32)
    # learned parameters
    col_embed = jax.random.normal(k_ce, (6, EMBED_DIM), dtype=jnp.float32)
    row_embed = jax.random.normal(k_re, (6, EMBED_DIM), dtype=jnp.float32)
    W_weight = jax.random.normal(k_ww, (EMBED_DIM, 1), dtype=jnp.float32) * (1.0 / np.sqrt(1.0))
    b_weight = jnp.zeros((EMBED_DIM,), dtype=jnp.float32)
    W_port = jax.random.normal(k_wp, (EMBED_DIM, 6), dtype=jnp.float32) * (1.0 / np.sqrt(6.0))
    b_port = jnp.zeros((EMBED_DIM,), dtype=jnp.float32)
    return {"col": col, "row": row, "weight": weight, "port": port,
            "col_embed": col_embed, "row_embed": row_embed,
            "W_weight": W_weight, "b_weight": b_weight,
            "W_port": W_port, "b_port": b_port}

def reference(col, row, weight, port, col_embed, row_embed, W_weight, b_weight, W_port, b_port):
    col_e = jnp.take(col_embed, col, axis=0)            # [B, 32] gather
    row_e = jnp.take(row_embed, row, axis=0)            # [B, 32] gather
    w_e = weight @ W_weight.T + b_weight                 # Linear(1 -> 32)
    p_e = port @ W_port.T + b_port                       # Linear(6 -> 32)
    return col_e + row_e + w_e + p_e

if __name__ == "__main__":
    import jax
    _d = setup_inputs()
    print(jax.jit(kernel)(*tuple(_d.values())))

</pallas_src>

<mosaic_0001>
#map = affine_map<(d0, d1) -> (0)>
#map1 = affine_map<(d0, d1) -> (0, 0)>
module attributes {stable_mosaic.version = 14 : i64} {
  func.func @_sc_kernel(%arg0: i32, %arg1: i32, %arg2: memref<16384xi32, #tpu.memory_space<hbm>>, %arg3: memref<16384xi32, #tpu.memory_space<hbm>>, %arg4: memref<16384xf32, #tpu.memory_space<hbm>>, %arg5: memref<98304xf32, #tpu.memory_space<hbm>>, %arg6: memref<6x32xf32, #tpu.memory_space<hbm>>, %arg7: memref<6x32xf32, #tpu.memory_space<hbm>>, %arg8: memref<32xf32, #tpu.memory_space<hbm>>, %arg9: memref<32xf32, #tpu.memory_space<hbm>>, %arg10: memref<192xf32, #tpu.memory_space<hbm>>, %arg11: memref<32xf32, #tpu.memory_space<hbm>>, %arg12: memref<16384x32xf32, #tpu.memory_space<hbm>>, %arg13: memref<512xi32, #tpu.memory_space<vmem>>, %arg14: memref<512xi32, #tpu.memory_space<vmem>>, %arg15: memref<512xf32, #tpu.memory_space<vmem>>, %arg16: memref<3072xf32, #tpu.memory_space<vmem>>, %arg17: memref<1152xf32, #tpu.memory_space<vmem>>, %arg18: memref<6x32xf32, #tpu.memory_space<vmem>>, %arg19: memref<6x32xf32, #tpu.memory_space<vmem>>, %arg20: memref<32xf32, #tpu.memory_space<vmem>>, %arg21: memref<192xf32, #tpu.memory_space<vmem>>, %arg22: memref<32xf32, #tpu.memory_space<vmem>>, %arg23: memref<32xf32, #tpu.memory_space<vmem>>, %arg24: memref<512x32xf32, #tpu.memory_space<vmem>>) attributes {dimension_semantics = [#tpu.dimension_semantics<core_parallel>, #tpu.dimension_semantics<subcore_parallel>], iteration_bounds = array<i64: 2, 16>, scalar_prefetch = 0 : i64, scratch_operands = 12 : i64, tpu.core_type = #tpu.core_type<sc_vector_subcore>, window_params = [{transform_indices = #map}, {transform_indices = #map}, {transform_indices = #map}, {transform_indices = #map}, {transform_indices = #map1}, {transform_indices = #map1}, {transform_indices = #map}, {transform_indices = #map}, {transform_indices = #map}, {transform_indices = #map}, {transform_indices = #map1}]} {
    %mul3A = arith.constant 2 : i32
    %mul3A_0 = arith.muli %arg1, %mul3A : i32
    %add3A = arith.addi %mul3A_0, %arg0 : i32
    %mul3A_1 = arith.constant 512 : i32
    %mul3A_2 = arith.muli %add3A, %mul3A_1 : i32
    "tpu.region"() ({
      %run_scoped3A = tpu.sem_alloc : memref<!tpu.dma_semaphore, #tpu.memory_space<semaphore_mem>>
      %dma_start3A = tpu.memref_slice %arg2[%mul3A_2] : memref<16384xi32, #tpu.memory_space<hbm>> -> memref<512xi32, #tpu.memory_space<hbm>>
      %dma_start3A_853 = tpu.memref_slice %arg2[%mul3A_2] : memref<16384xi32, #tpu.memory_space<hbm>> -> memref<512xi32, #tpu.memory_space<hbm>>
      tpu.enqueue_dma source(%dma_start3A_853 : memref<512xi32, #tpu.memory_space<hbm>>) target(%arg13 : memref<512xi32, #tpu.memory_space<vmem>>) target_semaphore(%run_scoped3A : memref<!tpu.dma_semaphore, #tpu.memory_space<semaphore_mem>>)
      %dma_wait3A = tpu.memref_slice %arg2[%mul3A_2] : memref<16384xi32, #tpu.memory_space<hbm>> -> memref<512xi32, #tpu.memory_space<hbm>>
      %dma_wait3A_854 = tpu.memref_slice %arg2[%mul3A_2] : memref<16384xi32, #tpu.memory_space<hbm>> -> memref<512xi32, #tpu.memory_space<hbm>>
      tpu.wait_dma2 semaphore(%run_scoped3A : memref<!tpu.dma_semaphore, #tpu.memory_space<semaphore_mem>>) src(%dma_wait3A_854 : memref<512xi32, #tpu.memory_space<hbm>>) dst(%arg13 : memref<512xi32, #tpu.memory_space<vmem>>)
      tpu.yield
    }) : () -> ()
    "tpu.region"() ({
      %run_scoped3A = tpu.sem_alloc : memref<!tpu.dma_semaphore, #tpu.memory_space<semaphore_mem>>
      %dma_start3A = tpu.memref_slice %arg3[%mul3A_2] : memref<16384xi32, #tpu.memory_space<hbm>> -> memref<512xi32, #tpu.memory_space<hbm>>
      %dma_start3A_853 = tpu.memref_slice %arg3[%mul3A_2] : memref<16384xi32, #tpu.memory_space<hbm>> -> memref<512xi32, #tpu.memory_space<hbm>>
      tpu.enqueue_dma source(%dma_start3A_853 : memref<512xi32, #tpu.memory_space<hbm>>) target(%arg14 : memref<512xi32, #tpu.memory_space<vmem>>) target_semaphore(%run_scoped3A : memref<!tpu.dma_semaphore, #tpu.memory_space<semaphore_mem>>)
      %dma_wait3A = tpu.memref_slice %arg3[%mul3A_2] : memref<16384xi32, #tpu.memory_space<hbm>> -> memref<512xi32, #tpu.memory_space<hbm>>
      %dma_wait3A_854 = tpu.memref_slice %arg3[%mul3A_2] : memref<16384xi32, #tpu.memory_space<hbm>> -> memref<512xi32, #tpu.memory_space<hbm>>
      tpu.wait_dma2 semaphore(%run_scoped3A : memref<!tpu.dma_semaphore, #tpu.memory_space<semaphore_mem>>) src(%dma_wait3A_854 : memref<512xi32, #tpu.memory_space<hbm>>) dst(%arg14 : memref<512xi32, #tpu.memory_space<vmem>>)
      tpu.yield
    }) : () -> ()
    "tpu.region"() ({
      %run_scoped3A = tpu.sem_alloc : memref<!tpu.dma_semaphore, #tpu.memory_space<semaphore_mem>>
      %dma_start3A = tpu.memref_slice %arg4[%mul3A_2] : memref<16384xf32, #tpu.memory_space<hbm>> -> memref<512xf32, #tpu.memory_space<hbm>>
      %dma_start3A_853 = tpu.memref_slice %arg4[%mul3A_2] : memref<16384xf32, #tpu.memory_space<hbm>> -> memref<512xf32, #tpu.memory_space<hbm>>
      tpu.enqueue_dma source(%dma_start3A_853 : memref<512xf32, #tpu.memory_space<hbm>>) target(%arg15 : memref<512xf32, #tpu.memory_space<vmem>>) target_semaphore(%run_scoped3A : memref<!tpu.dma_semaphore, #tpu.memory_space<semaphore_mem>>)
      %dma_wait3A = tpu.memref_slice %arg4[%mul3A_2] : memref<16384xf32, #tpu.memory_space<hbm>> -> memref<512xf32, #tpu.memory_space<hbm>>
      %dma_wait3A_854 = tpu.memref_slice %arg4[%mul3A_2] : memref<16384xf32, #tpu.memory_space<hbm>> -> memref<512xf32, #tpu.memory_space<hbm>>
      tpu.wait_dma2 semaphore(%run_scoped3A : memref<!tpu.dma_semaphore, #tpu.memory_space<semaphore_mem>>) src(%dma_wait3A_854 : memref<512xf32, #tpu.memory_space<hbm>>) dst(%arg15 : memref<512xf32, #tpu.memory_space<vmem>>)
      tpu.yield
    }) : () -> ()
    %mul3A_3 = arith.constant 6 : i32
    %mul3A_4 = arith.muli %mul3A_2, %mul3A_3 : i32
    "tpu.region"() ({
      %run_scoped3A = tpu.sem_alloc : memref<!tpu.dma_semaphore, #tpu.memory_space<semaphore_mem>>
      %dma_start3A = tpu.memref_slice %arg5[%mul3A_4] : memref<98304xf32, #tpu.memory_space<hbm>> -> memref<3072xf32, #tpu.memory_space<hbm>>
      %dma_start3A_853 = tpu.memref_slice %arg5[%mul3A_4] : memref<98304xf32, #tpu.memory_space<hbm>> -> memref<3072xf32, #tpu.memory_space<hbm>>
      tpu.enqueue_dma source(%dma_start3A_853 : memref<3072xf32, #tpu.memory_space<hbm>>) target(%arg16 : memref<3072xf32, #tpu.memory_space<vmem>>) target_semaphore(%run_scoped3A : memref<!tpu.dma_semaphore, #tpu.memory_space<semaphore_mem>>)
      %dma_wait3A = tpu.memref_slice %arg5[%mul3A_4] : memref<98304xf32, #tpu.memory_space<hbm>> -> memref<3072xf32, #tpu.memory_space<hbm>>
      %dma_wait3A_854 = tpu.memref_slice %arg5[%mul3A_4] : memref<98304xf32, #tpu.memory_space<hbm>> -> memref<3072xf32, #tpu.memory_space<hbm>>
      tpu.wait_dma2 semaphore(%run_scoped3A : memref<!tpu.dma_semaphore, #tpu.memory_space<semaphore_mem>>) src(%dma_wait3A_854 : memref<3072xf32, #tpu.memory_space<hbm>>) dst(%arg16 : memref<3072xf32, #tpu.memory_space<vmem>>)
      tpu.yield
    }) : () -> ()
    "tpu.region"() ({
      %run_scoped3A = tpu.sem_alloc : memref<!tpu.dma_semaphore, #tpu.memory_space<semaphore_mem>>
      tpu.enqueue_dma source(%arg6 : memref<6x32xf32, #tpu.memory_space<hbm>>) target(%arg18 : memref<6x32xf32, #tpu.memory_space<vmem>>) target_semaphore(%run_scoped3A : memref<!tpu.dma_semaphore, #tpu.memory_space<semaphore_mem>>)
      tpu.wait_dma2 semaphore(%run_scoped3A : memref<!tpu.dma_semaphore, #tpu.memory_space<semaphore_mem>>) src(%arg6 : memref<6x32xf32, #tpu.memory_space<hbm>>) dst(%arg18 : memref<6x32xf32, #tpu.memory_space<vmem>>)
      tpu.yield
    }) : () -> ()
    "tpu.region"() ({
      %run_scoped3A = tpu.sem_alloc : memref<!tpu.dma_semaphore, #tpu.memory_space<semaphore_mem>>
      tpu.enqueue_dma source(%arg7 : memref<6x32xf32, #tpu.memory_space<hbm>>) target(%arg19 : memref<6x32xf32, #tpu.memory_space<vmem>>) target_semaphore(%run_scoped3A : memref<!tpu.dma_semaphore, #tpu.memory_space<semaphore_mem>>)
      tpu.wait_dma2 semaphore(%run_scoped3A : memref<!tpu.dma_semaphore, #tpu.memory_space<semaphore_mem>>) src(%arg7 : memref<6x32xf32, #tpu.memory_space<hbm>>) dst(%arg19 : memref<6x32xf32, #tpu.memory_space<vmem>>)
      tpu.yield
    }) : () -> ()
    "tpu.region"() ({
      %run_scoped3A = tpu.sem_alloc : memref<!tpu.dma_semaphore, #tpu.memory_space<semaphore_mem>>
      tpu.enqueue_dma source(%arg8 : memref<32xf32, #tpu.memory_space<hbm>>) target(%arg20 : memref<32xf32, #tpu.memory_space<vmem>>) target_semaphore(%run_scoped3A : memref<!tpu.dma_semaphore, #tpu.memory_space<semaphore_mem>>)
      tpu.wait_dma2 semaphore(%run_scoped3A : memref<!tpu.dma_semaphore, #tpu.memory_space<semaphore_mem>>) src(%arg8 : memref<32xf32, #tpu.memory_space<hbm>>) dst(%arg20 : memref<32xf32, #tpu.memory_space<vmem>>)
      tpu.yield
    }) : () -> ()
    "tpu.region"() ({
      %run_scoped3A = tpu.sem_alloc : memref<!tpu.dma_semaphore, #tpu.memory_space<semaphore_mem>>
      tpu.enqueue_dma source(%arg10 : memref<192xf32, #tpu.memory_space<hbm>>) target(%arg21 : memref<192xf32, #tpu.memory_space<vmem>>) target_semaphore(%run_scoped3A : memref<!tpu.dma_semaphore, #tpu.memory_space<semaphore_mem>>)
      tpu.wait_dma2 semaphore(%run_scoped3A : memref<!tpu.dma_semaphore, #tpu.memory_space<semaphore_mem>>) src(%arg10 : memref<192xf32, #tpu.memory_space<hbm>>) dst(%arg21 : memref<192xf32, #tpu.memory_space<vmem>>)
      tpu.yield
    }) : () -> ()
    "tpu.region"() ({
      %run_scoped3A = tpu.sem_alloc : memref<!tpu.dma_semaphore, #tpu.memory_space<semaphore_mem>>
      tpu.enqueue_dma source(%arg9 : memref<32xf32, #tpu.memory_space<hbm>>) target(%arg22 : memref<32xf32, #tpu.memory_space<vmem>>) target_semaphore(%run_scoped3A : memref<!tpu.dma_semaphore, #tpu.memory_space<semaphore_mem>>)
      tpu.wait_dma2 semaphore(%run_scoped3A : memref<!tpu.dma_semaphore, #tpu.memory_space<semaphore_mem>>) src(%arg9 : memref<32xf32, #tpu.memory_space<hbm>>) dst(%arg22 : memref<32xf32, #tpu.memory_space<vmem>>)
      tpu.yield
    }) : () -> ()
    "tpu.region"() ({
      %run_scoped3A = tpu.sem_alloc : memref<!tpu.dma_semaphore, #tpu.memory_space<semaphore_mem>>
      tpu.enqueue_dma source(%arg11 : memref<32xf32, #tpu.memory_space<hbm>>) target(%arg23 : memref<32xf32, #tpu.memory_space<vmem>>) target_semaphore(%run_scoped3A : memref<!tpu.dma_semaphore, #tpu.memory_space<semaphore_mem>>)
      tpu.wait_dma2 semaphore(%run_scoped3A : memref<!tpu.dma_semaphore, #tpu.memory_space<semaphore_mem>>) src(%arg11 : memref<32xf32, #tpu.memory_space<hbm>>) dst(%arg23 : memref<32xf32, #tpu.memory_space<vmem>>)
      tpu.yield
    }) : () -> ()
    %get3A = arith.constant 0 : index
    %get3A_5 = tpu.vector_load %arg20[%get3A] {strides = array<i32>} : memref<32xf32, #tpu.memory_space<vmem>>, vector<16xf32>,
    %get3A_6 = vector.shape_cast %get3A_5 : vector<16xf32> to vector<16xf32>
    %get3A_7 = arith.constant 16 : index
    %get3A_8 = tpu.vector_load %arg20[%get3A_7] {strides = array<i32>} : memref<32xf32, #tpu.memory_space<vmem>>, vector<16xf32>,
    %get3A_9 = vector.shape_cast %get3A_8 : vector<16xf32> to vector<16xf32>
    %get3A_10 = arith.constant 0 : index
    %get3A_11 = tpu.vector_load %arg21[%get3A_10] {strides = array<i32>} : memref<192xf32, #tpu.memory_space<vmem>>, vector<16xf32>,
    %get3A_12 = vector.shape_cast %get3A_11 : vector<16xf32> to vector<16xf32>
    %get3A_13 = arith.constant 16 : index
    %get3A_14 = tpu.vector_load %arg21[%get3A_13] {strides = array<i32>} : memref<192xf32, #tpu.memory_space<vmem>>, vector<16xf32>,
    %get3A_15 = vector.shape_cast %get3A_14 : vector<16xf32> to vector<16xf32>
    %get3A_16 = arith.constant 32 : index
    %get3A_17 = tpu.vector_load %arg21[%get3A_16] {strides = array<i32>} : memref<192xf32, #tpu.memory_space<vmem>>, vector<16xf32>,
    %get3A_18 = vector.shape_cast %get3A_17 : vector<16xf32> to vector<16xf32>
    %get3A_19 = arith.constant 48 : index
    %get3A_20 = tpu.vector_load %arg21[%get3A_19] {strides = array<i32>} : memref<192xf32, #tpu.memory_space<vmem>>, vector<16xf32>,
    %get3A_21 = vector.shape_cast %get3A_20 : vector<16xf32> to vector<16xf32>
    %get3A_22 = arith.constant 64 : index
    %get3A_23 = tpu.vector_load %arg21[%get3A_22] {strides = array<i32>} : memref<192xf32, #tpu.memory_space<vmem>>, vector<16xf32>,
    %get3A_24 = vector.shape_cast %get3A_23 : vector<16xf32> to vector<16xf32>
    %get3A_25 = arith.constant 80 : index
    %get3A_26 = tpu.vector_load %arg21[%get3A_25] {strides = array<i32>} : memref<192xf32, #tpu.memory_space<vmem>>, vector<16xf32>,
    %get3A_27 = vector.shape_cast %get3A_26 : vector<16xf32> to vector<16xf32>
    %get3A_28 = arith.constant 96 : index
    %get3A_29 = tpu.vector_load %arg21[%get3A_28] {strides = array<i32>} : memref<192xf32, #tpu.memory_space<vmem>>, vector<16xf32>,
    %get3A_30 = vector.shape_cast %get3A_29 : vector<16xf32> to vector<16xf32>
    %get3A_31 = arith.constant 112 : index
    %get3A_32 = tpu.vector_load %arg21[%get3A_31] {strides = array<i32>} : memref<192xf32, #tpu.memory_space<vmem>>, vector<16xf32>,
    %get3A_33 = vector.shape_cast %get3A_32 : vector<16xf32> to vector<16xf32>
    %get3A_34 = arith.constant 128 : index
    %get3A_35 = tpu.vector_load %arg21[%get3A_34] {strides = array<i32>} : memref<192xf32, #tpu.memory_space<vmem>>, vector<16xf32>,
    %get3A_36 = vector.shape_cast %get3A_35 : vector<16xf32> to vector<16xf32>
    %get3A_37 = arith.constant 144 : index
    %get3A_38 = tpu.vector_load %arg21[%get3A_37] {strides = array<i32>} : memref<192xf32, #tpu.memory_space<vmem>>, vector<16xf32>,
    %get3A_39 = vector.shape_cast %get3A_38 : vector<16xf32> to vector<16xf32>
    %get3A_40 = arith.constant 160 : index
    %get3A_41 = tpu.vector_load %arg21[%get3A_40] {strides = array<i32>} : memref<192xf32, #tpu.memory_space<vmem>>, vector<16xf32>,
    %get3A_42 = vector.shape_cast %get3A_41 : vector<16xf32> to vector<16xf32>
    %get3A_43 = arith.constant 176 : index
    %get3A_44 = tpu.vector_load %arg21[%get3A_43] {strides = array<i32>} : memref<192xf32, #tpu.memory_space<vmem>>, vector<16xf32>,
    %get3A_45 = vector.shape_cast %get3A_44 : vector<16xf32> to vector<16xf32>
    %get3A_46 = arith.constant 0 : index
    %get3A_47 = tpu.vector_load %arg22[%get3A_46] {strides = array<i32>} : memref<32xf32, #tpu.memory_space<vmem>>, vector<16xf32>,
    %get3A_48 = vector.shape_cast %get3A_47 : vector<16xf32> to vector<16xf32>
    %get3A_49 = arith.constant 0 : index
    %get3A_50 = tpu.vector_load %arg23[%get3A_49] {strides = array<i32>} : memref<32xf32, #tpu.memory_space<vmem>>, vector<16xf32>,
    %get3A_51 = vector.shape_cast %get3A_50 : vector<16xf32> to vector<16xf32>
    %add3A_52 = arith.addf %get3A_48, %get3A_51 : vector<16xf32>
    %get3A_53 = arith.constant 16 : index
    %get3A_54 = tpu.vector_load %arg22[%get3A_53] {strides = array<i32>} : memref<32xf32, #tpu.memory_space<vmem>>, vector<16xf32>,
    %get3A_55 = vector.shape_cast %get3A_54 : vector<16xf32> to vector<16xf32>
    %get3A_56 = arith.constant 16 : index
    %get3A_57 = tpu.vector_load %arg23[%get3A_56] {strides = array<i32>} : memref<32xf32, #tpu.memory_space<vmem>>, vector<16xf32>,
    %get3A_58 = vector.shape_cast %get3A_57 : vector<16xf32> to vector<16xf32>
    %add3A_59 = arith.addf %get3A_55, %get3A_58 : vector<16xf32>
    %get3A_60 = arith.constant 0 : i32
    %get3A_61 = arith.index_cast %get3A_60 : i32 to index
    %get3A_62 = arith.constant 0 : index
    %get3A_63 = tpu.vector_load %arg18[%get3A_61, %get3A_62] {strides = array<i32>} : memref<6x32xf32, #tpu.memory_space<vmem>>, vector<1x16xf32>,
    %get3A_64 = vector.shape_cast %get3A_63 : vector<1x16xf32> to vector<16xf32>
    %add3A_65 = arith.addf %get3A_64, %add3A_52 : vector<16xf32>
    %get3A_66 = arith.constant 0 : i32
    %get3A_67 = arith.index_cast %get3A_66 : i32 to index
    %get3A_68 = arith.constant 16 : index
    %get3A_69 = tpu.vector_load %arg18[%get3A_67, %get3A_68] {strides = array<i32>} : memref<6x32xf32, #tpu.memory_space<vmem>>, vector<1x16xf32>,
    %get3A_70 = vector.shape_cast %get3A_69 : vector<1x16xf32> to vector<16xf32>
    %add3A_71 = arith.addf %get3A_70, %add3A_59 : vector<16xf32>
    %get3A_72 = arith.constant 0 : i32
    %get3A_73 = arith.index_cast %get3A_72 : i32 to index
    %get3A_74 = arith.constant 0 : index
    %get3A_75 = tpu.vector_load %arg19[%get3A_73, %get3A_74] {strides = array<i32>} : memref<6x32xf32, #tpu.memory_space<vmem>>, vector<1x16xf32>,
    %get3A_76 = vector.shape_cast %get3A_75 : vector<1x16xf32> to vector<16xf32>
    %add3A_77 = arith.addf %add3A_65, %get3A_76 : vector<16xf32>
    %swap3A = arith.constant 0 : index
    %swap3A_78 = tpu.vector_load %arg17[%swap3A] {strides = array<i32>} : memref<1152xf32, #tpu.memory_space<vmem>>, vector<16xf32>,
    %swap3A_79 = vector.shape_cast %swap3A_78 : vector<16xf32> to vector<16xf32>
    %swap3A_80 = vector.shape_cast %add3A_77 : vector<16xf32> to vector<16xf32>
    tpu.vector_store %arg17[%swap3A], %swap3A_80 {strides = array<i32>} : memref<1152xf32, #tpu.memory_space<vmem>>, vector<16xf32>,
    %get3A_81 = arith.constant 0 : i32
    %get3A_82 = arith.index_cast %get3A_81 : i32 to index
    %get3A_83 = arith.constant 16 : index
    %get3A_84 = tpu.vector_load %arg19[%get3A_82, %get3A_83] {strides = array<i32>} : memref<6x32xf32, #tpu.memory_space<vmem>>, vector<1x16xf32>,
    %get3A_85 = vector.shape_cast %get3A_84 : vector<1x16xf32> to vector<16xf32>
    %add3A_86 = arith.addf %add3A_71, %get3A_85 : vector<16xf32>
    %swap3A_87 = arith.constant 16 : index
    %swap3A_88 = tpu.vector_load %arg17[%swap3A_87] {strides = array<i32>} : memref<1152xf32, #tpu.memory_space<vmem>>, vector<16xf32>,
    %swap3A_89 = vector.shape_cast %swap3A_88 : vector<16xf32> to vector<16xf32>
    %swap3A_90 = vector.shape_cast %add3A_86 : vector<16xf32> to vector<16xf32>
    tpu.vector_store %arg17[%swap3A_87], %swap3A_90 {strides = array<i32>} : memref<1152xf32, #tpu.memory_space<vmem>>, vector<16xf32>,
    %get3A_91 = arith.constant 1 : i32
    %get3A_92 = arith.index_cast %get3A_91 : i32 to index
    %get3A_93 = arith.constant 0 : index
    %get3A_94 = tpu.vector_load %arg19[%get3A_92, %get3A_93] {strides = array<i32>} : memref<6x32xf32, #tpu.memory_space<vmem>>, vector<1x16xf32>,
    %get3A_95 = vector.shape_cast %get3A_94 : vector<1x16xf32> to vector<16xf32>
    %add3A_96 = arith.addf %add3A_65, %get3A_95 : vector<16xf32>
    %swap3A_97 = arith.constant 32 : index
    %swap3A_98 = tpu.vector_load %arg17[%swap3A_97] {strides = array<i32>} : memref<1152xf32, #tpu.memory_space<vmem>>, vector<16xf32>,
    %swap3A_99 = vector.shape_cast %swap3A_98 : vector<16xf32> to vector<16xf32>
    %swap3A_100 = vector.shape_cast %add3A_96 : vector<16xf32> to vector<16xf32>
    tpu.vector_store %arg17[%swap3A_97], %swap3A_100 {strides = array<i32>} : memref<1152xf32, #tpu.memory_space<vmem>>, vector<16xf32>,
    %get3A_101 = arith.constant 1 : i32
    %get3A_102 = arith.index_cast %get3A_101 : i32 to index
    %get3A_103 = arith.constant 16 : index
    %get3A_104 = tpu.vector_load %arg19[%get3A_102, %get3A_103] {strides = array<i32>} : memref<6x32xf32, #tpu.memory_space<vmem>>, vector<1x16xf32>,
    %get3A_105 = vector.shape_cast %get3A_104 : vector<1x16xf32> to vector<16xf32>
    %add3A_106 = arith.addf %add3A_71, %get3A_105 : vector<16xf32>
    %swap3A_107 = arith.constant 48 : index
    %swap3A_108 = tpu.vector_load %arg17[%swap3A_107] {strides = array<i32>} : memref<1152xf32, #tpu.memory_space<vmem>>, vector<16xf32>,
    %swap3A_109 = vector.shape_cast %swap3A_108 : vector<16xf32> to vector<16xf32>
    %swap3A_110 = vector.shape_cast %add3A_106 : vector<16xf32> to vector<16xf32>
    tpu.vector_store %arg17[%swap3A_107], %swap3A_110 {strides = array<i32>} : memref<1152xf32, #tpu.memory_space<vmem>>, vector<16xf32>,
    %get3A_111 = arith.constant 2 : i32
    %get3A_112 = arith.index_cast %get3A_111 : i32 to index
    %get3A_113 = arith.constant 0 : index
    %get3A_114 = tpu.vector_load %arg19[%get3A_112, %get3A_113] {strides = array<i32>} : memref<6x32xf32, #tpu.memory_space<vmem>>, vector<1x16xf32>,
    %get3A_115 = vector.shape_cast %get3A_114 : vector<1x16xf32> to vector<16xf32>
    %add3A_116 = arith.addf %add3A_65, %get3A_115 : vector<16xf32>
    %swap3A_117 = arith.constant 64 : index
    %swap3A_118 = tpu.vector_load %arg17[%swap3A_117] {strides = array<i32>} : memref<1152xf32, #tpu.memory_space<vmem>>, vector<16xf32>,
    %swap3A_119 = vector.shape_cast %swap3A_118 : vector<16xf32> to vector<16xf32>
    %swap3A_120 = vector.shape_cast %add3A_116 : vector<16xf32> to vector<16xf32>
    tpu.vector_store %arg17[%swap3A_117], %swap3A_120 {strides = array<i32>} : memref<1152xf32, #tpu.memory_space<vmem>>, vector<16xf32>,
    %get3A_121 = arith.constant 2 : i32
    %get3A_122 = arith.index_cast %get3A_121 : i32 to index
    %get3A_123 = arith.constant 16 : index
    %get3A_124 = tpu.vector_load %arg19[%get3A_122, %get3A_123] {strides = array<i32>} : memref<6x32xf32, #tpu.memory_space<vmem>>, vector<1x16xf32>,
    %get3A_125 = vector.shape_cast %get3A_124 : vector<1x16xf32> to vector<16xf32>
    %add3A_126 = arith.addf %add3A_71, %get3A_125 : vector<16xf32>
    %swap3A_127 = arith.constant 80 : index
    %swap3A_128 = tpu.vector_load %arg17[%swap3A_127] {strides = array<i32>} : memref<1152xf32, #tpu.memory_space<vmem>>, vector<16xf32>,
    %swap3A_129 = vector.shape_cast %swap3A_128 : vector<16xf32> to vector<16xf32>
    %swap3A_130 = vector.shape_cast %add3A_126 : vector<16xf32> to vector<16xf32>
    tpu.vector_store %arg17[%swap3A_127], %swap3A_130 {strides = array<i32>} : memref<1152xf32, #tpu.memory_space<vmem>>, vector<16xf32>,
    %get3A_131 = arith.constant 3 : i32
    %get3A_132 = arith.index_cast %get3A_131 : i32 to index
    %get3A_133 = arith.constant 0 : index
    %get3A_134 = tpu.vector_load %arg19[%get3A_132, %get3A_133] {strides = array<i32>} : memref<6x32xf32, #tpu.memory_space<vmem>>, vector<1x16xf32>,
    %get3A_135 = vector.shape_cast %get3A_134 : vector<1x16xf32> to vector<16xf32>
    %add3A_136 = arith.addf %add3A_65, %get3A_135 : vector<16xf32>
    %swap3A_137 = arith.constant 96 : index
    %swap3A_138 = tpu.vector_load %arg17[%swap3A_137] {strides = array<i32>} : memref<1152xf32, #tpu.memory_space<vmem>>, vector<16xf32>,
    %swap3A_139 = vector.shape_cast %swap3A_138 : vector<16xf32> to vector<16xf32>
    %swap3A_140 = vector.shape_cast %add3A_136 : vector<16xf32> to vector<16xf32>
    tpu.vector_store %arg17[%swap3A_137], %swap3A_140 {strides = array<i32>} : memref<1152xf32, #tpu.memory_space<vmem>>, vector<16xf32>,
    %get3A_141 = arith.constant 3 : i32
    %get3A_142 = arith.index_cast %get3A_141 : i32 to index
    %get3A_143 = arith.constant 16 : index
    %get3A_144 = tpu.vector_load %arg19[%get3A_142, %get3A_143] {strides = array<i32>} : memref<6x32xf32, #tpu.memory_space<vmem>>, vector<1x16xf32>,
    %get3A_145 = vector.shape_cast %get3A_144 : vector<1x16xf32> to vector<16xf32>
    %add3A_146 = arith.addf %add3A_71, %get3A_145 : vector<16xf32>
    %swap3A_147 = arith.constant 112 : index
    %swap3A_148 = tpu.vector_load %arg17[%swap3A_147] {strides = array<i32>} : memref<1152xf32, #tpu.memory_space<vmem>>, vector<16xf32>,
    %swap3A_149 = vector.shape_cast %swap3A_148 : vector<16xf32> to vector<16xf32>
    %swap3A_150 = vector.shape_cast %add3A_146 : vector<16xf32> to vector<16xf32>
    tpu.vector_store %arg17[%swap3A_147], %swap3A_150 {strides = array<i32>} : memref<1152xf32, #tpu.memory_space<vmem>>, vector<16xf32>,
    %get3A_151 = arith.constant 4 : i32
    %get3A_152 = arith.index_cast %get3A_151 : i32 to index
    %get3A_153 = arith.constant 0 : index
    %get3A_154 = tpu.vector_load %arg19[%get3A_152, %get3A_153] {strides = array<i32>} : memref<6x32xf32, #tpu.memory_space<vmem>>, vector<1x16xf32>,
    %get3A_155 = vector.shape_cast %get3A_154 : vector<1x16xf32> to vector<16xf32>
    %add3A_156 = arith.addf %add3A_65, %get3A_155 : vector<16xf32>
    %swap3A_157 = arith.constant 128 : index
    %swap3A_158 = tpu.vector_load %arg17[%swap3A_157] {strides = array<i32>} : memref<1152xf32, #tpu.memory_space<vmem>>, vector<16xf32>,
    %swap3A_159 = vector.shape_cast %swap3A_158 : vector<16xf32> to vector<16xf32>
    %swap3A_160 = vector.shape_cast %add3A_156 : vector<16xf32> to vector<16xf32>
    tpu.vector_store %arg17[%swap3A_157], %swap3A_160 {strides = array<i32>} : memref<1152xf32, #tpu.memory_space<vmem>>, vector<16xf32>,
    %get3A_161 = arith.constant 4 : i32
    %get3A_162 = arith.index_cast %get3A_161 : i32 to index
    %get3A_163 = arith.constant 16 : index
    %get3A_164 = tpu.vector_load %arg19[%get3A_162, %get3A_163] {strides = array<i32>} : memref<6x32xf32, #tpu.memory_space<vmem>>, vector<1x16xf32>,
    %get3A_165 = vector.shape_cast %get3A_164 : vector<1x16xf32> to vector<16xf32>
    %add3A_166 = arith.addf %add3A_71, %get3A_165 : vector<16xf32>
    %swap3A_167 = arith.constant 144 : index
    %swap3A_168 = tpu.vector_load %arg17[%swap3A_167] {strides = array<i32>} : memref<1152xf32, #tpu.memory_space<vmem>>, vector<16xf32>,
    %swap3A_169 = vector.shape_cast %swap3A_168 : vector<16xf32> to vector<16xf32>
    %swap3A_170 = vector.shape_cast %add3A_166 : vector<16xf32> to vector<16xf32>
    tpu.vector_store %arg17[%swap3A_167], %swap3A_170 {strides = array<i32>} : memref<1152xf32, #tpu.memory_space<vmem>>, vector<16xf32>,
    %get3A_171 = arith.constant 5 : i32
    %get3A_172 = arith.index_cast %get3A_171 : i32 to index
    %get3A_173 = arith.constant 0 : index
    %get3A_174 = tpu.vector_load %arg19[%get3A_172, %get3A_173] {strides = array<i32>} : memref<6x32xf32, #tpu.memory_space<vmem>>, vector<1x16xf32>,
    %get3A_175 = vector.shape_cast %get3A_174 : vector<1x16xf32> to vector<16xf32>
    %add3A_176 = arith.addf %add3A_65, %get3A_175 : vector<16xf32>
    %swap3A_177 = arith.constant 160 : index
    %swap3A_178 = tpu.vector_load %arg17[%swap3A_177] {strides = array<i32>} : memref<1152xf32, #tpu.memory_space<vmem>>, vector<16xf32>,
    %swap3A_179 = vector.shape_cast %swap3A_178 : vector<16xf32> to vector<16xf32>
    %swap3A_180 = vector.shape_cast %add3A_176 : vector<16xf32> to vector<16xf32>
    tpu.vector_store %arg17[%swap3A_177], %swap3A_180 {strides = array<i32>} : memref<1152xf32, #tpu.memory_space<vmem>>, vector<16xf32>,
    %get3A_181 = arith.constant 5 : i32
    %get3A_182 = arith.index_cast %get3A_181 : i32 to index
    %get3A_183 = arith.constant 16 : index
    %get3A_184 = tpu.vector_load %arg19[%get3A_182, %get3A_183] {strides = array<i32>} : memref<6x32xf32, #tpu.memory_space<vmem>>, vector<1x16xf32>,
    %get3A_185 = vector.shape_cast %get3A_184 : vector<1x16xf32> to vector<16xf32>
    %add3A_186 = arith.addf %add3A_71, %get3A_185 : vector<16xf32>
    %swap3A_187 = arith.constant 176 : index
    %swap3A_188 = tpu.vector_load %arg17[%swap3A_187] {strides = array<i32>} : memref<1152xf32, #tpu.memory_space<vmem>>, vector<16xf32>,
    %swap3A_189 = vector.shape_cast %swap3A_188 : vector<16xf32> to vector<16xf32>
    %swap3A_190 = vector.shape_cast %add3A_186 : vector<16xf32> to vector<16xf32>
    tpu.vector_store %arg17[%swap3A_187], %swap3A_190 {strides = array<i32>} : memref<1152xf32, #tpu.memory_space<vmem>>, vector<16xf32>,
    %get3A_191 = arith.constant 1 : i32
    %get3A_192 = arith.index_cast %get3A_191 : i32 to index
    %get3A_193 = arith.constant 0 : index
    %get3A_194 = tpu.vector_load %arg18[%get3A_192, %get3A_193] {strides = array<i32>} : memref<6x32xf32, #tpu.memory_space<vmem>>, vector<1x16xf32>,
    %get3A_195 = vector.shape_cast %get3A_194 : vector<1x16xf32> to vector<16xf32>
    %add3A_196 = arith.addf %get3A_195, %add3A_52 : vector<16xf32>
    %get3A_197 = arith.constant 1 : i32
    %get3A_198 = arith.index_cast %get3A_197 : i32 to index
    %get3A_199 = arith.constant 16 : index
    %get3A_200 = tpu.vector_load %arg18[%get3A_198, %get3A_199] {strides = array<i32>} : memref<6x32xf32, #tpu.memory_space<vmem>>, vector<1x16xf32>,
    %get3A_201 = vector.shape_cast %get3A_200 : vector<1x16xf32> to vector<16xf32>
    %add3A_202 = arith.addf %get3A_201, %add3A_59 : vector<16xf32>
    %get3A_203 = arith.constant 0 : i32
    %get3A_204 = arith.index_cast %get3A_203 : i32 to index
    %get3A_205 = arith.constant 0 : index
    %get3A_206 = tpu.vector_load %arg19[%get3A_204, %get3A_205] {strides = array<i32>} : memref<6x32xf32, #tpu.memory_space<vmem>>, vector<1x16xf32>,
    %get3A_207 = vector.shape_cast %get3A_206 : vector<1x16xf32> to vector<16xf32>
    %add3A_208 = arith.addf %add3A_196, %get3A_207 : vector<16xf32>
    %swap3A_209 = arith.constant 192 : index
    %swap3A_210 = tpu.vector_load %arg17[%swap3A_209] {strides = array<i32>} : memref<1152xf32, #tpu.memory_space<vmem>>, vector<16xf32>,
    %swap3A_211 = vector.shape_cast %swap3A_210 : vector<16xf32> to vector<16xf32>
    %swap3A_212 = vector.shape_cast %add3A_208 : vector<16xf32> to vector<16xf32>
    tpu.vector_store %arg17[%swap3A_209], %swap3A_212 {strides = array<i32>} : memref<1152xf32, #tpu.memory_space<vmem>>, vector<16xf32>,
    %get3A_213 = arith.constant 0 : i32
    %get3A_214 = arith.index_cast %get3A_213 : i32 to index
    %get3A_215 = arith.constant 16 : index
    %get3A_216 = tpu.vector_load %arg19[%get3A_214, %get3A_215] {strides = array<i32>} : memref<6x32xf32, #tpu.memory_space<vmem>>, vector<1x16xf32>,
    %get3A_217 = vector.shape_cast %get3A_216 : vector<1x16xf32> to vector<16xf32>
    %add3A_218 = arith.addf %add3A_202, %get3A_217 : vector<16xf32>
    %swap3A_219 = arith.constant 208 : index
    %swap3A_220 = tpu.vector_load %arg17[%swap3A_219] {strides = array<i32>} : memref<1152xf32, #tpu.memory_space<vmem>>, vector<16xf32>,
    %swap3A_221 = vector.shape_cast %swap3A_220 : vector<16xf32> to vector<16xf32>
    %swap3A_222 = vector.shape_cast %add3A_218 : vector<16xf32> to vector<16xf32>
    tpu.vector_store %arg17[%swap3A_219], %swap3A_222 {strides = array<i32>} : memref<1152xf32, #tpu.memory_space<vmem>>, vector<16xf32>,
    %get3A_223 = arith.constant 1 : i32
    %get3A_224 = arith.index_cast %get3A_223 : i32 to index
    %get3A_225 = arith.constant 0 : index
    %get3A_226 = tpu.vector_load %arg19[%get3A_224, %get3A_225] {strides = array<i32>} : memref<6x32xf32, #tpu.memory_space<vmem>>, vector<1x16xf32>,
    %get3A_227 = vector.shape_cast %get3A_226 : vector<1x16xf32> to vector<16xf32>
    %add3A_228 = arith.addf %add3A_196, %get3A_227 : vector<16xf32>
    %swap3A_229 = arith.constant 224 : index
    %swap3A_230 = tpu.vector_load %arg17[%swap3A_229] {strides = array<i32>} : memref<1152xf32, #tpu.memory_space<vmem>>, vector<16xf32>,
    %swap3A_231 = vector.shape_cast %swap3A_230 : vector<16xf32> to vector<16xf32>
    %swap3A_232 = vector.shape_cast %add3A_228 : vector<16xf32> to vector<16xf32>
    tpu.vector_store %arg17[%swap3A_229], %swap3A_232 {strides = array<i32>} : memref<1152xf32, #tpu.memory_space<vmem>>, vector<16xf32>,
    %get3A_233 = arith.constant 1 : i32
    %get3A_234 = arith.index_cast %get3A_233 : i32 to index
    %get3A_235 = arith.constant 16 : index
    %get3A_236 = tpu.vector_load %arg19[%get3A_234, %get3A_235] {strides = array<i32>} : memref<6x32xf32, #tpu.memory_space<vmem>>, vector<1x16xf32>,
    %get3A_237 = vector.shape_cast %get3A_236 : vector<1x16xf32> to vector<16xf32>
    %add3A_238 = arith.addf %add3A_202, %get3A_237 : vector<16xf32>
    %swap3A_239 = arith.constant 240 : index
    %swap3A_240 = tpu.vector_load %arg17[%swap3A_239] {strides = array<i32>} : memref<1152xf32, #tpu.memory_space<vmem>>, vector<16xf32>,
    %swap3A_241 = vector.shape_cast %swap3A_240 : vector<16xf32> to vector<16xf32>
    %swap3A_242 = vector.shape_cast %add3A_238 : vector<16xf32> to vector<16xf32>
    tpu.vector_store %arg17[%swap3A_239], %swap3A_242 {strides = array<i32>} : memref<1152xf32, #tpu.memory_space<vmem>>, vector<16xf32>,
    %get3A_243 = arith.constant 2 : i32
    %get3A_244 = arith.index_cast %get3A_243 : i32 to index
    %get3A_245 = arith.constant 0 : index
    %get3A_246 = tpu.vector_load %arg19[%get3A_244, %get3A_245] {strides = array<i32>} : memref<6x32xf32, #tpu.memory_space<vmem>>, vector<1x16xf32>,
    %get3A_247 = vector.shape_cast %get3A_246 : vector<1x16xf32> to vector<16xf32>
    %add3A_248 = arith.addf %add3A_196, %get3A_247 : vector<16xf32>
    %swap3A_249 = arith.constant 256 : index
    %swap3A_250 = tpu.vector_load %arg17[%swap3A_249] {strides = array<i32>} : memref<1152xf32, #tpu.memory_space<vmem>>, vector<16xf32>,
    %swap3A_251 = vector.shape_cast %swap3A_250 : vector<16xf32> to vector<16xf32>
    %swap3A_252 = vector.shape_cast %add3A_248 : vector<16xf32> to vector<16xf32>
    tpu.vector_store %arg17[%swap3A_249], %swap3A_252 {strides = array<i32>} : memref<1152xf32, #tpu.memory_space<vmem>>, vector<16xf32>,
    %get3A_253 = arith.constant 2 : i32
    %get3A_254 = arith.index_cast %get3A_253 : i32 to index
    %get3A_255 = arith.constant 16 : index
    %get3A_256 = tpu.vector_load %arg19[%get3A_254, %get3A_255] {strides = array<i32>} : memref<6x32xf32, #tpu.memory_space<vmem>>, vector<1x16xf32>,
    %get3A_257 = vector.shape_cast %get3A_256 : vector<1x16xf32> to vector<16xf32>
    %add3A_258 = arith.addf %add3A_202, %get3A_257 : vector<16xf32>
    %swap3A_259 = arith.constant 272 : index
    %swap3A_260 = tpu.vector_load %arg17[%swap3A_259] {strides = array<i32>} : memref<1152xf32, #tpu.memory_space<vmem>>, vector<16xf32>,
    %swap3A_261 = vector.shape_cast %swap3A_260 : vector<16xf32> to vector<16xf32>
    %swap3A_262 = vector.shape_cast %add3A_258 : vector<16xf32> to vector<16xf32>
    tpu.vector_store %arg17[%swap3A_259], %swap3A_262 {strides = array<i32>} : memref<1152xf32, #tpu.memory_space<vmem>>, vector<16xf32>,
    %get3A_263 = arith.constant 3 : i32
    %get3A_264 = arith.index_cast %get3A_263 : i32 to index
    %get3A_265 = arith.constant 0 : index
    %get3A_266 = tpu.vector_load %arg19[%get3A_264, %get3A_265] {strides = array<i32>} : memref<6x32xf32, #tpu.memory_space<vmem>>, vector<1x16xf32>,
    %get3A_267 = vector.shape_cast %get3A_266 : vector<1x16xf32> to vector<16xf32>
    %add3A_268 = arith.addf %add3A_196, %get3A_267 : vector<16xf32>
    %swap3A_269 = arith.constant 288 : index
    %swap3A_270 = tpu.vector_load %arg17[%swap3A_269] {strides = array<i32>} : memref<1152xf32, #tpu.memory_space<vmem>>, vector<16xf32>,
    %swap3A_271 = vector.shape_cast %swap3A_270 : vector<16xf32> to vector<16xf32>
    %swap3A_272 = vector.shape_cast %add3A_268 : vector<16xf32> to vector<16xf32>
    tpu.vector_store %arg17[%swap3A_269], %swap3A_272 {strides = array<i32>} : memref<1152xf32, #tpu.memory_space<vmem>>, vector<16xf32>,
    %get3A_273 = arith.constant 3 : i32
    %get3A_274 = arith.index_cast %get3A_273 : i32 to index
    %get3A_275 = arith.constant 16 : index
    %get3A_276 = tpu.vector_load %arg19[%get3A_274, %get3A_275] {strides = array<i32>} : memref<6x32xf32, #tpu.memory_space<vmem>>, vector<1x16xf32>,
    %get3A_277 = vector.shape_cast %get3A_276 : vector<1x16xf32> to vector<16xf32>
    %add3A_278 = arith.addf %add3A_202, %get3A_277 : vector<16xf32>
    %swap3A_279 = arith.constant 304 : index
    %swap3A_280 = tpu.vector_load %arg17[%swap3A_279] {strides = array<i32>} : memref<1152xf32, #tpu.memory_space<vmem>>, vector<16xf32>,
    %swap3A_281 = vector.shape_cast %swap3A_280 : vector<16xf32> to vector<16xf32>
    %swap3A_282 = vector.shape_cast %add3A_278 : vector<16xf32> to vector<16xf32>
    tpu.vector_store %arg17[%swap3A_279], %swap3A_282 {strides = array<i32>} : memref<1152xf32, #tpu.memory_space<vmem>>, vector<16xf32>,
    %get3A_283 = arith.constant 4 : i32
    %get3A_284 = arith.index_cast %get3A_283 : i32 to index
    %get3A_285 = arith.constant 0 : index
    %get3A_286 = tpu.vector_load %arg19[%get3A_284, %get3A_285] {strides = array<i32>} : memref<6x32xf32, #tpu.memory_space<vmem>>, vector<1x16xf32>,
    %get3A_287 = vector.shape_cast %get3A_286 : vector<1x16xf32> to vector<16xf32>
    %add3A_288 = arith.addf %add3A_196, %get3A_287 : vector<16xf32>
    %swap3A_289 = arith.constant 320 : index
    %swap3A_290 = tpu.vector_load %arg17[%swap3A_289] {strides = array<i32>} : memref<1152xf32, #tpu.memory_space<vmem>>, vector<16xf32>,
    %swap3A_291 = vector.shape_cast %swap3A_290 : vector<16xf32> to vector<16xf32>
    %swap3A_292 = vector.shape_cast %add3A_288 : vector<16xf32> to vector<16xf32>
    tpu.vector_store %arg17[%swap3A_289], %swap3A_292 {strides = array<i32>} : memref<1152xf32, #tpu.memory_space<vmem>>, vector<16xf32>,
    %get3A_293 = arith.constant 4 : i32
    %get3A_294 = arith.index_cast %get3A_293 : i32 to index
    %get3A_295 = arith.constant 16 : index
    %get3A_296 = tpu.vector_load %arg19[%get3A_294, %get3A_295] {strides = array<i32>} : memref<6x32xf32, #tpu.memory_space<vmem>>, vector<1x16xf32>,
    %get3A_297 = vector.shape_cast %get3A_296 : vector<1x16xf32> to vector<16xf32>
    %add3A_298 = arith.addf %add3A_202, %get3A_297 : vector<16xf32>
    %swap3A_299 = arith.constant 336 : index
    %swap3A_300 = tpu.vector_load %arg17[%swap3A_299] {strides = array<i32>} : memref<1152xf32, #tpu.memory_space<vmem>>, vector<16xf32>,
    %swap3A_301 = vector.shape_cast %swap3A_300 : vector<16xf32> to vector<16xf32>
    %swap3A_302 = vector.shape_cast %add3A_298 : vector<16xf32> to vector<16xf32>
    tpu.vector_store %arg17[%swap3A_299], %swap3A_302 {strides = array<i32>} : memref<1152xf32, #tpu.memory_space<vmem>>, vector<16xf32>,
    %get3A_303 = arith.constant 5 : i32
    %get3A_304 = arith.index_cast %get3A_303 : i32 to index
    %get3A_305 = arith.constant 0 : index
    %get3A_306 = tpu.vector_load %arg19[%get3A_304, %get3A_305] {strides = array<i32>} : memref<6x32xf32, #tpu.memory_space<vmem>>, vector<1x16xf32>,
    %get3A_307 = vector.shape_cast %get3A_306 : vector<1x16xf32> to vector<16xf32>
    %add3A_308 = arith.addf %add3A_196, %get3A_307 : vector<16xf32>
    %swap3A_309 = arith.constant 352 : index
    %swap3A_310 = tpu.vector_load %arg17[%swap3A_309] {strides = array<i32>} : memref<1152xf32, #tpu.memory_space<vmem>>, vector<16xf32>,
    %swap3A_311 = vector.shape_cast %swap3A_310 : vector<16xf32> to vector<16xf32>
    %swap3A_312 = vector.shape_cast %add3A_308 : vector<16xf32> to vector<16xf32>
    tpu.vector_store %arg17[%swap3A_309], %swap3A_312 {strides = array<i32>} : memref<1152xf32, #tpu.memory_space<vmem>>, vector<16xf32>,
    %get3A_313 = arith.constant 5 : i32
    %get3A_314 = arith.index_cast %get3A_313 : i32 to index
    %get3A_315 = arith.constant 16 : index
    %get3A_316 = tpu.vector_load %arg19[%get3A_314, %get3A_315] {strides = array<i32>} : memref<6x32xf32, #tpu.memory_space<vmem>>, vector<1x16xf32>,
    %get3A_317 = vector.shape_cast %get3A_316 : vector<1x16xf32> to vector<16xf32>
    %add3A_318 = arith.addf %add3A_202, %get3A_317 : vector<16xf32>
    %swap3A_319 = arith.constant 368 : index
    %swap3A_320 = tpu.vector_load %arg17[%swap3A_319] {strides = array<i32>} : memref<1152xf32, #tpu.memory_space<vmem>>, vector<16xf32>,
    %swap3A_321 = vector.shape_cast %swap3A_320 : vector<16xf32> to vector<16xf32>
    %swap3A_322 = vector.shape_cast %add3A_318 : vector<16xf32> to vector<16xf32>
    tpu.vector_store %arg17[%swap3A_319], %swap3A_322 {strides = array<i32>} : memref<1152xf32, #tpu.memory_space<vmem>>, vector<16xf32>,
    %get3A_323 = arith.constant 2 : i32
    %get3A_324 = arith.index_cast %get3A_323 : i32 to index
    %get3A_325 = arith.constant 0 : index
    %get3A_326 = tpu.vector_load %arg18[%get3A_324, %get3A_325] {strides = array<i32>} : memref<6x32xf32, #tpu.memory_space<vmem>>, vector<1x16xf32>,
    %get3A_327 = vector.shape_cast %get3A_326 : vector<1x16xf32> to vector<16xf32>
    %add3A_328 = arith.addf %get3A_327, %add3A_52 : vector<16xf32>
    %get3A_329 = arith.constant 2 : i32
    %get3A_330 = arith.index_cast %get3A_329 : i32 to index
    %get3A_331 = arith.constant 16 : index
    %get3A_332 = tpu.vector_load %arg18[%get3A_330, %get3A_331] {strides = array<i32>} : memref<6x32xf32, #tpu.memory_space<vmem>>, vector<1x16xf32>,
    %get3A_333 = vector.shape_cast %get3A_332 : vector<1x16xf32> to vector<16xf32>
    %add3A_334 = arith.addf %get3A_333, %add3A_59 : vector<16xf32>
    %get3A_335 = arith.constant 0 : i32
    %get3A_336 = arith.index_cast %get3A_335 : i32 to index
    %get3A_337 = arith.constant 0 : index
    %get3A_338 = tpu.vector_load %arg19[%get3A_336, %get3A_337] {strides = array<i32>} : memref<6x32xf32, #tpu.memory_space<vmem>>, vector<1x16xf32>,
    %get3A_339 = vector.shape_cast %get3A_338 : vector<1x16xf32> to vector<16xf32>
    %add3A_340 = arith.addf %add3A_328, %get3A_339 : vector<16xf32>
    %swap3A_341 = arith.constant 384 : index
    %swap3A_342 = tpu.vector_load %arg17[%swap3A_341] {strides = array<i32>} : memref<1152xf32, #tpu.memory_space<vmem>>, vector<16xf32>,
    %swap3A_343 = vector.shape_cast %swap3A_342 : vector<16xf32> to vector<16xf32>
    %swap3A_344 = vector.shape_cast %add3A_340 : vector<16xf32> to vector<16xf32>
    tpu.vector_store %arg17[%swap3A_341], %swap3A_344 {strides = array<i32>} : memref<1152xf32, #tpu.memory_space<vmem>>, vector<16xf32>,
    %get3A_345 = arith.constant 0 : i32
    %get3A_346 = arith.index_cast %get3A_345 : i32 to index
    %get3A_347 = arith.constant 16 : index
    %get3A_348 = tpu.vector_load %arg19[%get3A_346, %get3A_347] {strides = array<i32>} : memref<6x32xf32, #tpu.memory_space<vmem>>, vector<1x16xf32>,
    %get3A_349 = vector.shape_cast %get3A_348 : vector<1x16xf32> to vector<16xf32>
    %add3A_350 = arith.addf %add3A_334, %get3A_349 : vector<16xf32>
    %swap3A_351 = arith.constant 400 : index
    %swap3A_352 = tpu.vector_load %arg17[%swap3A_351] {strides = array<i32>} : memref<1152xf32, #tpu.memory_space<vmem>>, vector<16xf32>,
    %swap3A_353 = vector.shape_cast %swap3A_352 : vector<16xf32> to vector<16xf32>
    %swap3A_354 = vector.shape_cast %add3A_350 : vector<16xf32> to vector<16xf32>
    tpu.vector_store %arg17[%swap3A_351], %swap3A_354 {strides = array<i32>} : memref<1152xf32, #tpu.memory_space<vmem>>, vector<16xf32>,
    %get3A_355 = arith.constant 1 : i32
    %get3A_356 = arith.index_cast %get3A_355 : i32 to index
    %get3A_357 = arith.constant 0 : index
    %get3A_358 = tpu.vector_load %arg19[%get3A_356, %get3A_357] {strides = array<i32>} : memref<6x32xf32, #tpu.memory_space<vmem>>, vector<1x16xf32>,
    %get3A_359 = vector.shape_cast %get3A_358 : vector<1x16xf32> to vector<16xf32>
    %add3A_360 = arith.addf %add3A_328, %get3A_359 : vector<16xf32>
    %swap3A_361 = arith.constant 416 : index
    %swap3A_362 = tpu.vector_load %arg17[%swap3A_361] {strides = array<i32>} : memref<1152xf32, #tpu.memory_space<vmem>>, vector<16xf32>,
    %swap3A_363 = vector.shape_cast %swap3A_362 : vector<16xf32> to vector<16xf32>
    %swap3A_364 = vector.shape_cast %add3A_360 : vector<16xf32> to vector<16xf32>
    tpu.vector_store %arg17[%swap3A_361], %swap3A_364 {strides = array<i32>} : memref<1152xf32, #tpu.memory_space<vmem>>, vector<16xf32>,
    %get3A_365 = arith.constant 1 : i32
    %get3A_366 = arith.index_cast %get3A_365 : i32 to index
    %get3A_367 = arith.constant 16 : index
    %get3A_368 = tpu.vector_load %arg19[%get3A_366, %get3A_367] {strides = array<i32>} : memref<6x32xf32, #tpu.memory_space<vmem>>, vector<1x16xf32>,
    %get3A_369 = vector.shape_cast %get3A_368 : vector<1x16xf32> to vector<16xf32>
    %add3A_370 = arith.addf %add3A_334, %get3A_369 : vector<16xf32>
    %swap3A_371 = arith.constant 432 : index
    %swap3A_372 = tpu.vector_load %arg17[%swap3A_371] {strides = array<i32>} : memref<1152xf32, #tpu.memory_space<vmem>>, vector<16xf32>,
    %swap3A_373 = vector.shape_cast %swap3A_372 : vector<16xf32> to vector<16xf32>
    %swap3A_374 = vector.shape_cast %add3A_370 : vector<16xf32> to vector<16xf32>
    tpu.vector_store %arg17[%swap3A_371], %swap3A_374 {strides = array<i32>} : memref<1152xf32, #tpu.memory_space<vmem>>, vector<16xf32>,
    %get3A_375 = arith.constant 2 : i32
    %get3A_376 = arith.index_cast %get3A_375 : i32 to index
    %get3A_377 = arith.constant 0 : index
    %get3A_378 = tpu.vector_load %arg19[%get3A_376, %get3A_377] {strides = array<i32>} : memref<6x32xf32, #tpu.memory_space<vmem>>, vector<1x16xf32>,
    %get3A_379 = vector.shape_cast %get3A_378 : vector<1x16xf32> to vector<16xf32>
    %add3A_380 = arith.addf %add3A_328, %get3A_379 : vector<16xf32>
    %swap3A_381 = arith.constant 448 : index
    %swap3A_382 = tpu.vector_load %arg17[%swap3A_381] {strides = array<i32>} : memref<1152xf32, #tpu.memory_space<vmem>>, vector<16xf32>,
    %swap3A_383 = vector.shape_cast %swap3A_382 : vector<16xf32> to vector<16xf32>
    %swap3A_384 = vector.shape_cast %add3A_380 : vector<16xf32> to vector<16xf32>
    tpu.vector_store %arg17[%swap3A_381], %swap3A_384 {strides = array<i32>} : memref<1152xf32, #tpu.memory_space<vmem>>, vector<16xf32>,
    %get3A_385 = arith.constant 2 : i32
    %get3A_386 = arith.index_cast %get3A_385 : i32 to index
    %get3A_387 = arith.constant 16 : index
    %get3A_388 = tpu.vector_load %arg19[%get3A_386, %get3A_387] {strides = array<i32>} : memref<6x32xf32, #tpu.memory_space<vmem>>, vector<1x16xf32>,
    %get3A_389 = vector.shape_cast %get3A_388 : vector<1x16xf32> to vector<16xf32>
    %add3A_390 = arith.addf %add3A_334, %get3A_389 : vector<16xf32>
    %swap3A_391 = arith.constant 464 : index
    %swap3A_392 = tpu.vector_load %arg17[%swap3A_391] {strides = array<i32>} : memref<1152xf32, #tpu.memory_space<vmem>>, vector<16xf32>,
    %swap3A_393 = vector.shape_cast %swap3A_392 : vector<16xf32> to vector<16xf32>
    %swap3A_394 = vector.shape_cast %add3A_390 : vector<16xf32> to vector<16xf32>
    tpu.vector_store %arg17[%swap3A_391], %swap3A_394 {strides = array<i32>} : memref<1152xf32, #tpu.memory_space<vmem>>, vector<16xf32>,
    %get3A_395 = arith.constant 3 : i32
    %get3A_396 = arith.index_cast %get3A_395 : i32 to index
    %get3A_397 = arith.constant 0 : index
    %get3A_398 = tpu.vector_load %arg19[%get3A_396, %get3A_397] {strides = array<i32>} : memref<6x32xf32, #tpu.memory_space<vmem>>, vector<1x16xf32>,
    %get3A_399 = vector.shape_cast %get3A_398 : vector<1x16xf32> to vector<16xf32>
    %add3A_400 = arith.addf %add3A_328, %get3A_399 : vector<16xf32>
    %swap3A_401 = arith.constant 480 : index
    %swap3A_402 = tpu.vector_load %arg17[%swap3A_401] {strides = array<i32>} : memref<1152xf32, #tpu.memory_space<vmem>>, vector<16xf32>,
    %swap3A_403 = vector.shape_cast %swap3A_402 : vector<16xf32> to vector<16xf32>
    %swap3A_404 = vector.shape_cast %add3A_400 : vector<16xf32> to vector<16xf32>
    tpu.vector_store %arg17[%swap3A_401], %swap3A_404 {strides = array<i32>} : memref<1152xf32, #tpu.memory_space<vmem>>, vector<16xf32>,
    %get3A_405 = arith.constant 3 : i32
    %get3A_406 = arith.index_cast %get3A_405 : i32 to index
    %get3A_407 = arith.constant 16 : index
    %get3A_408 = tpu.vector_load %arg19[%get3A_406, %get3A_407] {strides = array<i32>} : memref<6x32xf32, #tpu.memory_space<vmem>>, vector<1x16xf32>,
    %get3A_409 = vector.shape_cast %get3A_408 : vector<1x16xf32> to vector<16xf32>
    %add3A_410 = arith.addf %add3A_334, %get3A_409 : vector<16xf32>
    %swap3A_411 = arith.constant 496 : index
    %swap3A_412 = tpu.vector_load %arg17[%swap3A_411] {strides = array<i32>} : memref<1152xf32, #tpu.memory_space<vmem>>, vector<16xf32>,
    %swap3A_413 = vector.shape_cast %swap3A_412 : vector<16xf32> to vector<16xf32>
    %swap3A_414 = vector.shape_cast %add3A_410 : vector<16xf32> to vector<16xf32>
    tpu.vector_store %arg17[%swap3A_411], %swap3A_414 {strides = array<i32>} : memref<1152xf32, #tpu.memory_space<vmem>>, vector<16xf32>,
    %get3A_415 = arith.constant 4 : i32
    %get3A_416 = arith.index_cast %get3A_415 : i32 to index
    %get3A_417 = arith.constant 0 : index
    %get3A_418 = tpu.vector_load %arg19[%get3A_416, %get3A_417] {strides = array<i32>} : memref<6x32xf32, #tpu.memory_space<vmem>>, vector<1x16xf32>,
    %get3A_419 = vector.shape_cast %get3A_418 : vector<1x16xf32> to vector<16xf32>
    %add3A_420 = arith.addf %add3A_328, %get3A_419 : vector<16xf32>
    %swap3A_421 = arith.constant 512 : index
    %swap3A_422 = tpu.vector_load %arg17[%swap3A_421] {strides = array<i32>} : memref<1152xf32, #tpu.memory_space<vmem>>, vector<16xf32>,
    %swap3A_423 = vector.shape_cast %swap3A_422 : vector<16xf32> to vector<16xf32>
    %swap3A_424 = vector.shape_cast %add3A_420 : vector<16xf32> to vector<16xf32>
    tpu.vector_store %arg17[%swap3A_421], %swap3A_424 {strides = array<i32>} : memref<1152xf32, #tpu.memory_space<vmem>>, vector<16xf32>,
    %get3A_425 = arith.constant 4 : i32
    %get3A_426 = arith.index_cast %get3A_425 : i32 to index
    %get3A_427 = arith.constant 16 : index
    %get3A_428 = tpu.vector_load %arg19[%get3A_426, %get3A_427] {strides = array<i32>} : memref<6x32xf32, #tpu.memory_space<vmem>>, vector<1x16xf32>,
    %get3A_429 = vector.shape_cast %get3A_428 : vector<1x16xf32> to vector<16xf32>
    %add3A_430 = arith.addf %add3A_334, %get3A_429 : vector<16xf32>
    %swap3A_431 = arith.constant 528 : index
    %swap3A_432 = tpu.vector_load %arg17[%swap3A_431] {strides = array<i32>} : memref<1152xf32, #tpu.memory_space<vmem>>, vector<16xf32>,
    %swap3A_433 = vector.shape_cast %swap3A_432 : vector<16xf32> to vector<16xf32>
    %swap3A_434 = vector.shape_cast %add3A_430 : vector<16xf32> to vector<16xf32>
    tpu.vector_store %arg17[%swap3A_431], %swap3A_434 {strides = array<i32>} : memref<1152xf32, #tpu.memory_space<vmem>>, vector<16xf32>,
    %get3A_435 = arith.constant 5 : i32
    %get3A_436 = arith.index_cast %get3A_435 : i32 to index
    %get3A_437 = arith.constant 0 : index
    %get3A_438 = tpu.vector_load %arg19[%get3A_436, %get3A_437] {strides = array<i32>} : memref<6x32xf32, #tpu.memory_space<vmem>>, vector<1x16xf32>,
    %get3A_439 = vector.shape_cast %get3A_438 : vector<1x16xf32> to vector<16xf32>
    %add3A_440 = arith.addf %add3A_328, %get3A_439 : vector<16xf32>
    %swap3A_441 = arith.constant 544 : index
    %swap3A_442 = tpu.vector_load %arg17[%swap3A_441] {strides = array<i32>} : memref<1152xf32, #tpu.memory_space<vmem>>, vector<16xf32>,
    %swap3A_443 = vector.shape_cast %swap3A_442 : vector<16xf32> to vector<16xf32>
    %swap3A_444 = vector.shape_cast %add3A_440 : vector<16xf32> to vector<16xf32>
    tpu.vector_store %arg17[%swap3A_441], %swap3A_444 {strides = array<i32>} : memref<1152xf32, #tpu.memory_space<vmem>>, vector<16xf32>,
    %get3A_445 = arith.constant 5 : i32
    %get3A_446 = arith.index_cast %get3A_445 : i32 to index
    %get3A_447 = arith.constant 16 : index
    %get3A_448 = tpu.vector_load %arg19[%get3A_446, %get3A_447] {strides = array<i32>} : memref<6x32xf32, #tpu.memory_space<vmem>>, vector<1x16xf32>,
    %get3A_449 = vector.shape_cast %get3A_448 : vector<1x16xf32> to vector<16xf32>
    %add3A_450 = arith.addf %add3A_334, %get3A_449 : vector<16xf32>
    %swap3A_451 = arith.constant 560 : index
    %swap3A_452 = tpu.vector_load %arg17[%swap3A_451] {strides = array<i32>} : memref<1152xf32, #tpu.memory_space<vmem>>, vector<16xf32>,
    %swap3A_453 = vector.shape_cast %swap3A_452 : vector<16xf32> to vector<16xf32>
    %swap3A_454 = vector.shape_cast %add3A_450 : vector<16xf32> to vector<16xf32>
    tpu.vector_store %arg17[%swap3A_451], %swap3A_454 {strides = array<i32>} : memref<1152xf32, #tpu.memory_space<vmem>>, vector<16xf32>,
    %get3A_455 = arith.constant 3 : i32
    %get3A_456 = arith.index_cast %get3A_455 : i32 to index
    %get3A_457 = arith.constant 0 : index
    %get3A_458 = tpu.vector_load %arg18[%get3A_456, %get3A_457] {strides = array<i32>} : memref<6x32xf32, #tpu.memory_space<vmem>>, vector<1x16xf32>,
    %get3A_459 = vector.shape_cast %get3A_458 : vector<1x16xf32> to vector<16xf32>
    %add3A_460 = arith.addf %get3A_459, %add3A_52 : vector<16xf32>
    %get3A_461 = arith.constant 3 : i32
    %get3A_462 = arith.index_cast %get3A_461 : i32 to index
    %get3A_463 = arith.constant 16 : index
    %get3A_464 = tpu.vector_load %arg18[%get3A_462, %get3A_463] {strides = array<i32>} : memref<6x32xf32, #tpu.memory_space<vmem>>, vector<1x16xf32>,
    %get3A_465 = vector.shape_cast %get3A_464 : vector<1x16xf32> to vector<16xf32>
    %add3A_466 = arith.addf %get3A_465, %add3A_59 : vector<16xf32>
    %get3A_467 = arith.constant 0 : i32
    %get3A_468 = arith.index_cast %get3A_467 : i32 to index
    %get3A_469 = arith.constant 0 : index
    %get3A_470 = tpu.vector_load %arg19[%get3A_468, %get3A_469] {strides = array<i32>} : memref<6x32xf32, #tpu.memory_space<vmem>>, vector<1x16xf32>,
    %get3A_471 = vector.shape_cast %get3A_470 : vector<1x16xf32> to vector<16xf32>
    %add3A_472 = arith.addf %add3A_460, %get3A_471 : vector<16xf32>
    %swap3A_473 = arith.constant 576 : index
    %swap3A_474 = tpu.vector_load %arg17[%swap3A_473] {strides = array<i32>} : memref<1152xf32, #tpu.memory_space<vmem>>, vector<16xf32>,
    %swap3A_475 = vector.shape_cast %swap3A_474 : vector<16xf32> to vector<16xf32>
    %swap3A_476 = vector.shape_cast %add3A_472 : vector<16xf32> to vector<16xf32>
    tpu.vector_store %arg17[%swap3A_473], %swap3A_476 {strides = array<i32>} : memref<1152xf32, #tpu.memory_space<vmem>>, vector<16xf32>,
    %get3A_477 = arith.constant 0 : i32
    %get3A_478 = arith.index_cast %get3A_477 : i32 to index
    %get3A_479 = arith.constant 16 : index
    %get3A_480 = tpu.vector_load %arg19[%get3A_478, %get3A_479] {strides = array<i32>} : memref<6x32xf32, #tpu.memory_space<vmem>>, vector<1x16xf32>,
    %get3A_481 = vector.shape_cast %get3A_480 : vector<1x16xf32> to vector<16xf32>
    %add3A_482 = arith.addf %add3A_466, %get3A_481 : vector<16xf32>
    %swap3A_483 = arith.constant 592 : index
    %swap3A_484 = tpu.vector_load %arg17[%swap3A_483] {strides = array<i32>} : memref<1152xf32, #tpu.memory_space<vmem>>, vector<16xf32>,
    %swap3A_485 = vector.shape_cast %swap3A_484 : vector<16xf32> to vector<16xf32>
    %swap3A_486 = vector.shape_cast %add3A_482 : vector<16xf32> to vector<16xf32>
    tpu.vector_store %arg17[%swap3A_483], %swap3A_486 {strides = array<i32>} : memref<1152xf32, #tpu.memory_space<vmem>>, vector<16xf32>,
    %get3A_487 = arith.constant 1 : i32
    %get3A_488 = arith.index_cast %get3A_487 : i32 to index
    %get3A_489 = arith.constant 0 : index
    %get3A_490 = tpu.vector_load %arg19[%get3A_488, %get3A_489] {strides = array<i32>} : memref<6x32xf32, #tpu.memory_space<vmem>>, vector<1x16xf32>,
    %get3A_491 = vector.shape_cast %get3A_490 : vector<1x16xf32> to vector<16xf32>
    %add3A_492 = arith.addf %add3A_460, %get3A_491 : vector<16xf32>
    %swap3A_493 = arith.constant 608 : index
    %swap3A_494 = tpu.vector_load %arg17[%swap3A_493] {strides = array<i32>} : memref<1152xf32, #tpu.memory_space<vmem>>, vector<16xf32>,
    %swap3A_495 = vector.shape_cast %swap3A_494 : vector<16xf32> to vector<16xf32>
    %swap3A_496 = vector.shape_cast %add3A_492 : vector<16xf32> to vector<16xf32>
    tpu.vector_store %arg17[%swap3A_493], %swap3A_496 {strides = array<i32>} : memref<1152xf32, #tpu.memory_space<vmem>>, vector<16xf32>,
    %get3A_497 = arith.constant 1 : i32
    %get3A_498 = arith.index_cast %get3A_497 : i32 to index
    %get3A_499 = arith.constant 16 : index
    %get3A_500 = tpu.vector_load %arg19[%get3A_498, %get3A_499] {strides = array<i32>} : memref<6x32xf32, #tpu.memory_space<vmem>>, vector<1x16xf32>,
    %get3A_501 = vector.shape_cast %get3A_500 : vector<1x16xf32> to vector<16xf32>
    %add3A_502 = arith.addf %add3A_466, %get3A_501 : vector<16xf32>
    %swap3A_503 = arith.constant 624 : index
    %swap3A_504 = tpu.vector_load %arg17[%swap3A_503] {strides = array<i32>} : memref<1152xf32, #tpu.memory_space<vmem>>, vector<16xf32>,
    %swap3A_505 = vector.shape_cast %swap3A_504 : vector<16xf32> to vector<16xf32>
    %swap3A_506 = vector.shape_cast %add3A_502 : vector<16xf32> to vector<16xf32>
    tpu.vector_store %arg17[%swap3A_503], %swap3A_506 {strides = array<i32>} : memref<1152xf32, #tpu.memory_space<vmem>>, vector<16xf32>,
    %get3A_507 = arith.constant 2 : i32
    %get3A_508 = arith.index_cast %get3A_507 : i32 to index
    %get3A_509 = arith.constant 0 : index
    %get3A_510 = tpu.vector_load %arg19[%get3A_508, %get3A_509] {strides = array<i32>} : memref<6x32xf32, #tpu.memory_space<vmem>>, vector<1x16xf32>,
    %get3A_511 = vector.shape_cast %get3A_510 : vector<1x16xf32> to vector<16xf32>
    %add3A_512 = arith.addf %add3A_460, %get3A_511 : vector<16xf32>
    %swap3A_513 = arith.constant 640 : index
    %swap3A_514 = tpu.vector_load %arg17[%swap3A_513] {strides = array<i32>} : memref<1152xf32, #tpu.memory_space<vmem>>, vector<16xf32>,
    %swap3A_515 = vector.shape_cast %swap3A_514 : vector<16xf32> to vector<16xf32>
    %swap3A_516 = vector.shape_cast %add3A_512 : vector<16xf32> to vector<16xf32>
    tpu.vector_store %arg17[%swap3A_513], %swap3A_516 {strides = array<i32>} : memref<1152xf32, #tpu.memory_space<vmem>>, vector<16xf32>,
    %get3A_517 = arith.constant 2 : i32
    %get3A_518 = arith.index_cast %get3A_517 : i32 to index
    %get3A_519 = arith.constant 16 : index
    %get3A_520 = tpu.vector_load %arg19[%get3A_518, %get3A_519] {strides = array<i32>} : memref<6x32xf32, #tpu.memory_space<vmem>>, vector<1x16xf32>,
    %get3A_521 = vector.shape_cast %get3A_520 : vector<1x16xf32> to vector<16xf32>
    %add3A_522 = arith.addf %add3A_466, %get3A_521 : vector<16xf32>
    %swap3A_523 = arith.constant 656 : index
    %swap3A_524 = tpu.vector_load %arg17[%swap3A_523] {strides = array<i32>} : memref<1152xf32, #tpu.memory_space<vmem>>, vector<16xf32>,
    %swap3A_525 = vector.shape_cast %swap3A_524 : vector<16xf32> to vector<16xf32>
    %swap3A_526 = vector.shape_cast %add3A_522 : vector<16xf32> to vector<16xf32>
    tpu.vector_store %arg17[%swap3A_523], %swap3A_526 {strides = array<i32>} : memref<1152xf32, #tpu.memory_space<vmem>>, vector<16xf32>,
    %get3A_527 = arith.constant 3 : i32
    %get3A_528 = arith.index_cast %get3A_527 : i32 to index
    %get3A_529 = arith.constant 0 : index
    %get3A_530 = tpu.vector_load %arg19[%get3A_528, %get3A_529] {strides = array<i32>} : memref<6x32xf32, #tpu.memory_space<vmem>>, vector<1x16xf32>,
    %get3A_531 = vector.shape_cast %get3A_530 : vector<1x16xf32> to vector<16xf32>
    %add3A_532 = arith.addf %add3A_460, %get3A_531 : vector<16xf32>
    %swap3A_533 = arith.constant 672 : index
    %swap3A_534 = tpu.vector_load %arg17[%swap3A_533] {strides = array<i32>} : memref<1152xf32, #tpu.memory_space<vmem>>, vector<16xf32>,
    %swap3A_535 = vector.shape_cast %swap3A_534 : vector<16xf32> to vector<16xf32>
    %swap3A_536 = vector.shape_cast %add3A_532 : vector<16xf32> to vector<16xf32>
    tpu.vector_store %arg17[%swap3A_533], %swap3A_536 {strides = array<i32>} : memref<1152xf32, #tpu.memory_space<vmem>>, vector<16xf32>,
    %get3A_537 = arith.constant 3 : i32
    %get3A_538 = arith.index_cast %get3A_537 : i32 to index
    %get3A_539 = arith.constant 16 : index
    %get3A_540 = tpu.vector_load %arg19[%get3A_538, %get3A_539] {strides = array<i32>} : memref<6x32xf32, #tpu.memory_space<vmem>>, vector<1x16xf32>,
    %get3A_541 = vector.shape_cast %get3A_540 : vector<1x16xf32> to vector<16xf32>
    %add3A_542 = arith.addf %add3A_466, %get3A_541 : vector<16xf32>
    %swap3A_543 = arith.constant 688 : index
    %swap3A_544 = tpu.vector_load %arg17[%swap3A_543] {strides = array<i32>} : memref<1152xf32, #tpu.memory_space<vmem>>, vector<16xf32>,
    %swap3A_545 = vector.shape_cast %swap3A_544 : vector<16xf32> to vector<16xf32>
    %swap3A_546 = vector.shape_cast %add3A_542 : vector<16xf32> to vector<16xf32>
    tpu.vector_store %arg17[%swap3A_543], %swap3A_546 {strides = array<i32>} : memref<1152xf32, #tpu.memory_space<vmem>>, vector<16xf32>,
    %get3A_547 = arith.constant 4 : i32
    %get3A_548 = arith.index_cast %get3A_547 : i32 to index
    %get3A_549 = arith.constant 0 : index
    %get3A_550 = tpu.vector_load %arg19[%get3A_548, %get3A_549] {strides = array<i32>} : memref<6x32xf32, #tpu.memory_space<vmem>>, vector<1x16xf32>,
    %get3A_551 = vector.shape_cast %get3A_550 : vector<1x16xf32> to vector<16xf32>
    %add3A_552 = arith.addf %add3A_460, %get3A_551 : vector<16xf32>
    %swap3A_553 = arith.constant 704 : index
    %swap3A_554 = tpu.vector_load %arg17[%swap3A_553] {strides = array<i32>} : memref<1152xf32, #tpu.memory_space<vmem>>, vector<16xf32>,
    %swap3A_555 = vector.shape_cast %swap3A_554 : vector<16xf32> to vector<16xf32>
    %swap3A_556 = vector.shape_cast %add3A_552 : vector<16xf32> to vector<16xf32>
    tpu.vector_store %arg17[%swap3A_553], %swap3A_556 {strides = array<i32>} : memref<1152xf32, #tpu.memory_space<vmem>>, vector<16xf32>,
    %get3A_557 = arith.constant 4 : i32
    %get3A_558 = arith.index_cast %get3A_557 : i32 to index
    %get3A_559 = arith.constant 16 : index
    %get3A_560 = tpu.vector_load %arg19[%get3A_558, %get3A_559] {strides = array<i32>} : memref<6x32xf32, #tpu.memory_space<vmem>>, vector<1x16xf32>,
    %get3A_561 = vector.shape_cast %get3A_560 : vector<1x16xf32> to vector<16xf32>
    %add3A_562 = arith.addf %add3A_466, %get3A_561 : vector<16xf32>
    %swap3A_563 = arith.constant 720 : index
    %swap3A_564 = tpu.vector_load %arg17[%swap3A_563] {strides = array<i32>} : memref<1152xf32, #tpu.memory_space<vmem>>, vector<16xf32>,
    %swap3A_565 = vector.shape_cast %swap3A_564 : vector<16xf32> to vector<16xf32>
    %swap3A_566 = vector.shape_cast %add3A_562 : vector<16xf32> to vector<16xf32>
    tpu.vector_store %arg17[%swap3A_563], %swap3A_566 {strides = array<i32>} : memref<1152xf32, #tpu.memory_space<vmem>>, vector<16xf32>,
    %get3A_567 = arith.constant 5 : i32
    %get3A_568 = arith.index_cast %get3A_567 : i32 to index
    %get3A_569 = arith.constant 0 : index
    %get3A_570 = tpu.vector_load %arg19[%get3A_568, %get3A_569] {strides = array<i32>} : memref<6x32xf32, #tpu.memory_space<vmem>>, vector<1x16xf32>,
    %get3A_571 = vector.shape_cast %get3A_570 : vector<1x16xf32> to vector<16xf32>
    %add3A_572 = arith.addf %add3A_460, %get3A_571 : vector<16xf32>
    %swap3A_573 = arith.constant 736 : index
    %swap3A_574 = tpu.vector_load %arg17[%swap3A_573] {strides = array<i32>} : memref<1152xf32, #tpu.memory_space<vmem>>, vector<16xf32>,
    %swap3A_575 = vector.shape_cast %swap3A_574 : vector<16xf32> to vector<16xf32>
    %swap3A_576 = vector.shape_cast %add3A_572 : vector<16xf32> to vector<16xf32>
    tpu.vector_store %arg17[%swap3A_573], %swap3A_576 {strides = array<i32>} : memref<1152xf32, #tpu.memory_space<vmem>>, vector<16xf32>,
    %get3A_577 = arith.constant 5 : i32
    %get3A_578 = arith.index_cast %get3A_577 : i32 to index
    %get3A_579 = arith.constant 16 : index
    %get3A_580 = tpu.vector_load %arg19[%get3A_578, %get3A_579] {strides = array<i32>} : memref<6x32xf32, #tpu.memory_space<vmem>>, vector<1x16xf32>,
    %get3A_581 = vector.shape_cast %get3A_580 : vector<1x16xf32> to vector<16xf32>
    %add3A_582 = arith.addf %add3A_466, %get3A_581 : vector<16xf32>
    %swap3A_583 = arith.constant 752 : index
    %swap3A_584 = tpu.vector_load %arg17[%swap3A_583] {strides = array<i32>} : memref<1152xf32, #tpu.memory_space<vmem>>, vector<16xf32>,
    %swap3A_585 = vector.shape_cast %swap3A_584 : vector<16xf32> to vector<16xf32>
    %swap3A_586 = vector.shape_cast %add3A_582 : vector<16xf32> to vector<16xf32>
    tpu.vector_store %arg17[%swap3A_583], %swap3A_586 {strides = array<i32>} : memref<1152xf32, #tpu.memory_space<vmem>>, vector<16xf32>,
    %get3A_587 = arith.constant 4 : i32
    %get3A_588 = arith.index_cast %get3A_587 : i32 to index
    %get3A_589 = arith.constant 0 : index
    %get3A_590 = tpu.vector_load %arg18[%get3A_588, %get3A_589] {strides = array<i32>} : memref<6x32xf32, #tpu.memory_space<vmem>>, vector<1x16xf32>,
    %get3A_591 = vector.shape_cast %get3A_590 : vector<1x16xf32> to vector<16xf32>
    %add3A_592 = arith.addf %get3A_591, %add3A_52 : vector<16xf32>
    %get3A_593 = arith.constant 4 : i32
    %get3A_594 = arith.index_cast %get3A_593 : i32 to index
    %get3A_595 = arith.constant 16 : index
    %get3A_596 = tpu.vector_load %arg18[%get3A_594, %get3A_595] {strides = array<i32>} : memref<6x32xf32, #tpu.memory_space<vmem>>, vector<1x16xf32>,
    %get3A_597 = vector.shape_cast %get3A_596 : vector<1x16xf32> to vector<16xf32>
    %add3A_598 = arith.addf %get3A_597, %add3A_59 : vector<16xf32>
    %get3A_599 = arith.constant 0 : i32
    %get3A_600 = arith.index_cast %get3A_599 : i32 to index
    %get3A_601 = arith.constant 0 : index
    %get3A_602 = tpu.vector_load %arg19[%get3A_600, %get3A_601] {strides = array<i32>} : memref<6x32xf32, #tpu.memory_space<vmem>>, vector<1x16xf32>,
    %get3A_603 = vector.shape_cast %get3A_602 : vector<1x16xf32> to vector<16xf32>
    %add3A_604 = arith.addf %add3A_592, %get3A_603 : vector<16xf32>
    %swap3A_605 = arith.constant 768 : index
    %swap3A_606 = tpu.vector_load %arg17[%swap3A_605] {strides = array<i32>} : memref<1152xf32, #tpu.memory_space<vmem>>, vector<16xf32>,
    %swap3A_607 = vector.shape_cast %swap3A_606 : vector<16xf32> to vector<16xf32>
    %swap3A_608 = vector.shape_cast %add3A_604 : vector<16xf32> to vector<16xf32>
    tpu.vector_store %arg17[%swap3A_605], %swap3A_608 {strides = array<i32>} : memref<1152xf32, #tpu.memory_space<vmem>>, vector<16xf32>,
    %get3A_609 = arith.constant 0 : i32
    %get3A_610 = arith.index_cast %get3A_609 : i32 to index
    %get3A_611 = arith.constant 16 : index
    %get3A_612 = tpu.vector_load %arg19[%get3A_610, %get3A_611] {strides = array<i32>} : memref<6x32xf32, #tpu.memory_space<vmem>>, vector<1x16xf32>,
    %get3A_613 = vector.shape_cast %get3A_612 : vector<1x16xf32> to vector<16xf32>
    %add3A_614 = arith.addf %add3A_598, %get3A_613 : vector<16xf32>
    %swap3A_615 = arith.constant 784 : index
    %swap3A_616 = tpu.vector_load %arg17[%swap3A_615] {strides = array<i32>} : memref<1152xf32, #tpu.memory_space<vmem>>, vector<16xf32>,
    %swap3A_617 = vector.shape_cast %swap3A_616 : vector<16xf32> to vector<16xf32>
    %swap3A_618 = vector.shape_cast %add3A_614 : vector<16xf32> to vector<16xf32>
    tpu.vector_store %arg17[%swap3A_615], %swap3A_618 {strides = array<i32>} : memref<1152xf32, #tpu.memory_space<vmem>>, vector<16xf32>,
    %get3A_619 = arith.constant 1 : i32
    %get3A_620 = arith.index_cast %get3A_619 : i32 to index
    %get3A_621 = arith.constant 0 : index
    %get3A_622 = tpu.vector_load %arg19[%get3A_620, %get3A_621] {strides = array<i32>} : memref<6x32xf32, #tpu.memory_space<vmem>>, vector<1x16xf32>,
    %get3A_623 = vector.shape_cast %get3A_622 : vector<1x16xf32> to vector<16xf32>
    %add3A_624 = arith.addf %add3A_592, %get3A_623 : vector<16xf32>
    %swap3A_625 = arith.constant 800 : index
    %swap3A_626 = tpu.vector_load %arg17[%swap3A_625] {strides = array<i32>} : memref<1152xf32, #tpu.memory_space<vmem>>, vector<16xf32>,
    %swap3A_627 = vector.shape_cast %swap3A_626 : vector<16xf32> to vector<16xf32>
    %swap3A_628 = vector.shape_cast %add3A_624 : vector<16xf32> to vector<16xf32>
    tpu.vector_store %arg17[%swap3A_625], %swap3A_628 {strides = array<i32>} : memref<1152xf32, #tpu.memory_space<vmem>>, vector<16xf32>,
    %get3A_629 = arith.constant 1 : i32
    %get3A_630 = arith.index_cast %get3A_629 : i32 to index
    %get3A_631 = arith.constant 16 : index
    %get3A_632 = tpu.vector_load %arg19[%get3A_630, %get3A_631] {strides = array<i32>} : memref<6x32xf32, #tpu.memory_space<vmem>>, vector<1x16xf32>,
    %get3A_633 = vector.shape_cast %get3A_632 : vector<1x16xf32> to vector<16xf32>
    %add3A_634 = arith.addf %add3A_598, %get3A_633 : vector<16xf32>
    %swap3A_635 = arith.constant 816 : index
    %swap3A_636 = tpu.vector_load %arg17[%swap3A_635] {strides = array<i32>} : memref<1152xf32, #tpu.memory_space<vmem>>, vector<16xf32>,
    %swap3A_637 = vector.shape_cast %swap3A_636 : vector<16xf32> to vector<16xf32>
    %swap3A_638 = vector.shape_cast %add3A_634 : vector<16xf32> to vector<16xf32>
    tpu.vector_store %arg17[%swap3A_635], %swap3A_638 {strides = array<i32>} : memref<1152xf32, #tpu.memory_space<vmem>>, vector<16xf32>,
    %get3A_639 = arith.constant 2 : i32
    %get3A_640 = arith.index_cast %get3A_639 : i32 to index
    %get3A_641 = arith.constant 0 : index
    %get3A_642 = tpu.vector_load %arg19[%get3A_640, %get3A_641] {strides = array<i32>} : memref<6x32xf32, #tpu.memory_space<vmem>>, vector<1x16xf32>,
    %get3A_643 = vector.shape_cast %get3A_642 : vector<1x16xf32> to vector<16xf32>
    %add3A_644 = arith.addf %add3A_592, %get3A_643 : vector<16xf32>
    %swap3A_645 = arith.constant 832 : index
    %swap3A_646 = tpu.vector_load %arg17[%swap3A_645] {strides = array<i32>} : memref<1152xf32, #tpu.memory_space<vmem>>, vector<16xf32>,
    %swap3A_647 = vector.shape_cast %swap3A_646 : vector<16xf32> to vector<16xf32>
    %swap3A_648 = vector.shape_cast %add3A_644 : vector<16xf32> to vector<16xf32>
    tpu.vector_store %arg17[%swap3A_645], %swap3A_648 {strides = array<i32>} : memref<1152xf32, #tpu.memory_space<vmem>>, vector<16xf32>,
    %get3A_649 = arith.constant 2 : i32
    %get3A_650 = arith.index_cast %get3A_649 : i32 to index
    %get3A_651 = arith.constant 16 : index
    %get3A_652 = tpu.vector_load %arg19[%get3A_650, %get3A_651] {strides = array<i32>} : memref<6x32xf32, #tpu.memory_space<vmem>>, vector<1x16xf32>,
    %get3A_653 = vector.shape_cast %get3A_652 : vector<1x16xf32> to vector<16xf32>
    %add3A_654 = arith.addf %add3A_598, %get3A_653 : vector<16xf32>
    %swap3A_655 = arith.constant 848 : index
    %swap3A_656 = tpu.vector_load %arg17[%swap3A_655] {strides = array<i32>} : memref<1152xf32, #tpu.memory_space<vmem>>, vector<16xf32>,
    %swap3A_657 = vector.shape_cast %swap3A_656 : vector<16xf32> to vector<16xf32>
    %swap3A_658 = vector.shape_cast %add3A_654 : vector<16xf32> to vector<16xf32>
    tpu.vector_store %arg17[%swap3A_655], %swap3A_658 {strides = array<i32>} : memref<1152xf32, #tpu.memory_space<vmem>>, vector<16xf32>,
    %get3A_659 = arith.constant 3 : i32
    %get3A_660 = arith.index_cast %get3A_659 : i32 to index
    %get3A_661 = arith.constant 0 : index
    %get3A_662 = tpu.vector_load %arg19[%get3A_660, %get3A_661] {strides = array<i32>} : memref<6x32xf32, #tpu.memory_space<vmem>>, vector<1x16xf32>,
    %get3A_663 = vector.shape_cast %get3A_662 : vector<1x16xf32> to vector<16xf32>
    %add3A_664 = arith.addf %add3A_592, %get3A_663 : vector<16xf32>
    %swap3A_665 = arith.constant 864 : index
    %swap3A_666 = tpu.vector_load %arg17[%swap3A_665] {strides = array<i32>} : memref<1152xf32, #tpu.memory_space<vmem>>, vector<16xf32>,
    %swap3A_667 = vector.shape_cast %swap3A_666 : vector<16xf32> to vector<16xf32>
    %swap3A_668 = vector.shape_cast %add3A_664 : vector<16xf32> to vector<16xf32>
    tpu.vector_store %arg17[%swap3A_665], %swap3A_668 {strides = array<i32>} : memref<1152xf32, #tpu.memory_space<vmem>>, vector<16xf32>,
    %get3A_669 = arith.constant 3 : i32
    %get3A_670 = arith.index_cast %get3A_669 : i32 to index
    %get3A_671 = arith.constant 16 : index
    %get3A_672 = tpu.vector_load %arg19[%get3A_670, %get3A_671] {strides = array<i32>} : memref<6x32xf32, #tpu.memory_space<vmem>>, vector<1x16xf32>,
    %get3A_673 = vector.shape_cast %get3A_672 : vector<1x16xf32> to vector<16xf32>
    %add3A_674 = arith.addf %add3A_598, %get3A_673 : vector<16xf32>
    %swap3A_675 = arith.constant 880 : index
    %swap3A_676 = tpu.vector_load %arg17[%swap3A_675] {strides = array<i32>} : memref<1152xf32, #tpu.memory_space<vmem>>, vector<16xf32>,
    %swap3A_677 = vector.shape_cast %swap3A_676 : vector<16xf32> to vector<16xf32>
    %swap3A_678 = vector.shape_cast %add3A_674 : vector<16xf32> to vector<16xf32>
    tpu.vector_store %arg17[%swap3A_675], %swap3A_678 {strides = array<i32>} : memref<1152xf32, #tpu.memory_space<vmem>>, vector<16xf32>,
    %get3A_679 = arith.constant 4 : i32
    %get3A_680 = arith.index_cast %get3A_679 : i32 to index
    %get3A_681 = arith.constant 0 : index
    %get3A_682 = tpu.vector_load %arg19[%get3A_680, %get3A_681] {strides = array<i32>} : memref<6x32xf32, #tpu.memory_space<vmem>>, vector<1x16xf32>,
    %get3A_683 = vector.shape_cast %get3A_682 : vector<1x16xf32> to vector<16xf32>
    %add3A_684 = arith.addf %add3A_592, %get3A_683 : vector<16xf32>
    %swap3A_685 = arith.constant 896 : index
    %swap3A_686 = tpu.vector_load %arg17[%swap3A_685] {strides = array<i32>} : memref<1152xf32, #tpu.memory_space<vmem>>, vector<16xf32>,
    %swap3A_687 = vector.shape_cast %swap3A_686 : vector<16xf32> to vector<16xf32>
    %swap3A_688 = vector.shape_cast %add3A_684 : vector<16xf32> to vector<16xf32>
    tpu.vector_store %arg17[%swap3A_685], %swap3A_688 {strides = array<i32>} : memref<1152xf32, #tpu.memory_space<vmem>>, vector<16xf32>,
    %get3A_689 = arith.constant 4 : i32
    %get3A_690 = arith.index_cast %get3A_689 : i32 to index
    %get3A_691 = arith.constant 16 : index
    %get3A_692 = tpu.vector_load %arg19[%get3A_690, %get3A_691] {strides = array<i32>} : memref<6x32xf32, #tpu.memory_space<vmem>>, vector<1x16xf32>,
    %get3A_693 = vector.shape_cast %get3A_692 : vector<1x16xf32> to vector<16xf32>
    %add3A_694 = arith.addf %add3A_598, %get3A_693 : vector<16xf32>
    %swap3A_695 = arith.constant 912 : index
    %swap3A_696 = tpu.vector_load %arg17[%swap3A_695] {strides = array<i32>} : memref<1152xf32, #tpu.memory_space<vmem>>, vector<16xf32>,
    %swap3A_697 = vector.shape_cast %swap3A_696 : vector<16xf32> to vector<16xf32>
    %swap3A_698 = vector.shape_cast %add3A_694 : vector<16xf32> to vector<16xf32>
    tpu.vector_store %arg17[%swap3A_695], %swap3A_698 {strides = array<i32>} : memref<1152xf32, #tpu.memory_space<vmem>>, vector<16xf32>,
    %get3A_699 = arith.constant 5 : i32
    %get3A_700 = arith.index_cast %get3A_699 : i32 to index
    %get3A_701 = arith.constant 0 : index
    %get3A_702 = tpu.vector_load %arg19[%get3A_700, %get3A_701] {strides = array<i32>} : memref<6x32xf32, #tpu.memory_space<vmem>>, vector<1x16xf32>,
    %get3A_703 = vector.shape_cast %get3A_702 : vector<1x16xf32> to vector<16xf32>
    %add3A_704 = arith.addf %add3A_592, %get3A_703 : vector<16xf32>
    %swap3A_705 = arith.constant 928 : index
    %swap3A_706 = tpu.vector_load %arg17[%swap3A_705] {strides = array<i32>} : memref<1152xf32, #tpu.memory_space<vmem>>, vector<16xf32>,
    %swap3A_707 = vector.shape_cast %swap3A_706 : vector<16xf32> to vector<16xf32>
    %swap3A_708 = vector.shape_cast %add3A_704 : vector<16xf32> to vector<16xf32>
    tpu.vector_store %arg17[%swap3A_705], %swap3A_708 {strides = array<i32>} : memref<1152xf32, #tpu.memory_space<vmem>>, vector<16xf32>,
    %get3A_709 = arith.constant 5 : i32
    %get3A_710 = arith.index_cast %get3A_709 : i32 to index
    %get3A_711 = arith.constant 16 : index
    %get3A_712 = tpu.vector_load %arg19[%get3A_710, %get3A_711] {strides = array<i32>} : memref<6x32xf32, #tpu.memory_space<vmem>>, vector<1x16xf32>,
    %get3A_713 = vector.shape_cast %get3A_712 : vector<1x16xf32> to vector<16xf32>
    %add3A_714 = arith.addf %add3A_598, %get3A_713 : vector<16xf32>
    %swap3A_715 = arith.constant 944 : index
    %swap3A_716 = tpu.vector_load %arg17[%swap3A_715] {strides = array<i32>} : memref<1152xf32, #tpu.memory_space<vmem>>, vector<16xf32>,
    %swap3A_717 = vector.shape_cast %swap3A_716 : vector<16xf32> to vector<16xf32>
    %swap3A_718 = vector.shape_cast %add3A_714 : vector<16xf32> to vector<16xf32>
    tpu.vector_store %arg17[%swap3A_715], %swap3A_718 {strides = array<i32>} : memref<1152xf32, #tpu.memory_space<vmem>>, vector<16xf32>,
    %get3A_719 = arith.constant 5 : i32
    %get3A_720 = arith.index_cast %get3A_719 : i32 to index
    %get3A_721 = arith.constant 0 : index
    %get3A_722 = tpu.vector_load %arg18[%get3A_720, %get3A_721] {strides = array<i32>} : memref<6x32xf32, #tpu.memory_space<vmem>>, vector<1x16xf32>,
    %get3A_723 = vector.shape_cast %get3A_722 : vector<1x16xf32> to vector<16xf32>
    %add3A_724 = arith.addf %get3A_723, %add3A_52 : vector<16xf32>
    %get3A_725 = arith.constant 5 : i32
    %get3A_726 = arith.index_cast %get3A_725 : i32 to index
    %get3A_727 = arith.constant 16 : index
    %get3A_728 = tpu.vector_load %arg18[%get3A_726, %get3A_727] {strides = array<i32>} : memref<6x32xf32, #tpu.memory_space<vmem>>, vector<1x16xf32>,
    %get3A_729 = vector.shape_cast %get3A_728 : vector<1x16xf32> to vector<16xf32>
    %add3A_730 = arith.addf %get3A_729, %add3A_59 : vector<16xf32>
    %get3A_731 = arith.constant 0 : i32
    %get3A_732 = arith.index_cast %get3A_731 : i32 to index
    %get3A_733 = arith.constant 0 : index
    %get3A_734 = tpu.vector_load %arg19[%get3A_732, %get3A_733] {strides = array<i32>} : memref<6x32xf32, #tpu.memory_space<vmem>>, vector<1x16xf32>,
    %get3A_735 = vector.shape_cast %get3A_734 : vector<1x16xf32> to vector<16xf32>
    %add3A_736 = arith.addf %add3A_724, %get3A_735 : vector<16xf32>
    %swap3A_737 = arith.constant 960 : index
    %swap3A_738 = tpu.vector_load %arg17[%swap3A_737] {strides = array<i32>} : memref<1152xf32, #tpu.memory_space<vmem>>, vector<16xf32>,
    %swap3A_739 = vector.shape_cast %swap3A_738 : vector<16xf32> to vector<16xf32>
    %swap3A_740 = vector.shape_cast %add3A_736 : vector<16xf32> to vector<16xf32>
    tpu.vector_store %arg17[%swap3A_737], %swap3A_740 {strides = array<i32>} : memref<1152xf32, #tpu.memory_space<vmem>>, vector<16xf32>,
    %get3A_741 = arith.constant 0 : i32
    %get3A_742 = arith.index_cast %get3A_741 : i32 to index
    %get3A_743 = arith.constant 16 : index
    %get3A_744 = tpu.vector_load %arg19[%get3A_742, %get3A_743] {strides = array<i32>} : memref<6x32xf32, #tpu.memory_space<vmem>>, vector<1x16xf32>,
    %get3A_745 = vector.shape_cast %get3A_744 : vector<1x16xf32> to vector<16xf32>
    %add3A_746 = arith.addf %add3A_730, %get3A_745 : vector<16xf32>
    %swap3A_747 = arith.constant 976 : index
    %swap3A_748 = tpu.vector_load %arg17[%swap3A_747] {strides = array<i32>} : memref<1152xf32, #tpu.memory_space<vmem>>, vector<16xf32>,
    %swap3A_749 = vector.shape_cast %swap3A_748 : vector<16xf32> to vector<16xf32>
    %swap3A_750 = vector.shape_cast %add3A_746 : vector<16xf32> to vector<16xf32>
    tpu.vector_store %arg17[%swap3A_747], %swap3A_750 {strides = array<i32>} : memref<1152xf32, #tpu.memory_space<vmem>>, vector<16xf32>,
    %get3A_751 = arith.constant 1 : i32
    %get3A_752 = arith.index_cast %get3A_751 : i32 to index
    %get3A_753 = arith.constant 0 : index
    %get3A_754 = tpu.vector_load %arg19[%get3A_752, %get3A_753] {strides = array<i32>} : memref<6x32xf32, #tpu.memory_space<vmem>>, vector<1x16xf32>,
    %get3A_755 = vector.shape_cast %get3A_754 : vector<1x16xf32> to vector<16xf32>
    %add3A_756 = arith.addf %add3A_724, %get3A_755 : vector<16xf32>
    %swap3A_757 = arith.constant 992 : index
    %swap3A_758 = tpu.vector_load %arg17[%swap3A_757] {strides = array<i32>} : memref<1152xf32, #tpu.memory_space<vmem>>, vector<16xf32>,
    %swap3A_759 = vector.shape_cast %swap3A_758 : vector<16xf32> to vector<16xf32>
    %swap3A_760 = vector.shape_cast %add3A_756 : vector<16xf32> to vector<16xf32>
    tpu.vector_store %arg17[%swap3A_757], %swap3A_760 {strides = array<i32>} : memref<1152xf32, #tpu.memory_space<vmem>>, vector<16xf32>,
    %get3A_761 = arith.constant 1 : i32
    %get3A_762 = arith.index_cast %get3A_761 : i32 to index
    %get3A_763 = arith.constant 16 : index
    %get3A_764 = tpu.vector_load %arg19[%get3A_762, %get3A_763] {strides = array<i32>} : memref<6x32xf32, #tpu.memory_space<vmem>>, vector<1x16xf32>,
    %get3A_765 = vector.shape_cast %get3A_764 : vector<1x16xf32> to vector<16xf32>
    %add3A_766 = arith.addf %add3A_730, %get3A_765 : vector<16xf32>
    %swap3A_767 = arith.constant 1008 : index
    %swap3A_768 = tpu.vector_load %arg17[%swap3A_767] {strides = array<i32>} : memref<1152xf32, #tpu.memory_space<vmem>>, vector<16xf32>,
    %swap3A_769 = vector.shape_cast %swap3A_768 : vector<16xf32> to vector<16xf32>
    %swap3A_770 = vector.shape_cast %add3A_766 : vector<16xf32> to vector<16xf32>
    tpu.vector_store %arg17[%swap3A_767], %swap3A_770 {strides = array<i32>} : memref<1152xf32, #tpu.memory_space<vmem>>, vector<16xf32>,
    %get3A_771 = arith.constant 2 : i32
    %get3A_772 = arith.index_cast %get3A_771 : i32 to index
    %get3A_773 = arith.constant 0 : index
    %get3A_774 = tpu.vector_load %arg19[%get3A_772, %get3A_773] {strides = array<i32>} : memref<6x32xf32, #tpu.memory_space<vmem>>, vector<1x16xf32>,
    %get3A_775 = vector.shape_cast %get3A_774 : vector<1x16xf32> to vector<16xf32>
    %add3A_776 = arith.addf %add3A_724, %get3A_775 : vector<16xf32>
    %swap3A_777 = arith.constant 1024 : index
    %swap3A_778 = tpu.vector_load %arg17[%swap3A_777] {strides = array<i32>} : memref<1152xf32, #tpu.memory_space<vmem>>, vector<16xf32>,
    %swap3A_779 = vector.shape_cast %swap3A_778 : vector<16xf32> to vector<16xf32>
    %swap3A_780 = vector.shape_cast %add3A_776 : vector<16xf32> to vector<16xf32>
    tpu.vector_store %arg17[%swap3A_777], %swap3A_780 {strides = array<i32>} : memref<1152xf32, #tpu.memory_space<vmem>>, vector<16xf32>,
    %get3A_781 = arith.constant 2 : i32
    %get3A_782 = arith.index_cast %get3A_781 : i32 to index
    %get3A_783 = arith.constant 16 : index
    %get3A_784 = tpu.vector_load %arg19[%get3A_782, %get3A_783] {strides = array<i32>} : memref<6x32xf32, #tpu.memory_space<vmem>>, vector<1x16xf32>,
    %get3A_785 = vector.shape_cast %get3A_784 : vector<1x16xf32> to vector<16xf32>
    %add3A_786 = arith.addf %add3A_730, %get3A_785 : vector<16xf32>
    %swap3A_787 = arith.constant 1040 : index
    %swap3A_788 = tpu.vector_load %arg17[%swap3A_787] {strides = array<i32>} : memref<1152xf32, #tpu.memory_space<vmem>>, vector<16xf32>,
    %swap3A_789 = vector.shape_cast %swap3A_788 : vector<16xf32> to vector<16xf32>
    %swap3A_790 = vector.shape_cast %add3A_786 : vector<16xf32> to vector<16xf32>
    tpu.vector_store %arg17[%swap3A_787], %swap3A_790 {strides = array<i32>} : memref<1152xf32, #tpu.memory_space<vmem>>, vector<16xf32>,
    %get3A_791 = arith.constant 3 : i32
    %get3A_792 = arith.index_cast %get3A_791 : i32 to index
    %get3A_793 = arith.constant 0 : index
    %get3A_794 = tpu.vector_load %arg19[%get3A_792, %get3A_793] {strides = array<i32>} : memref<6x32xf32, #tpu.memory_space<vmem>>, vector<1x16xf32>,
    %get3A_795 = vector.shape_cast %get3A_794 : vector<1x16xf32> to vector<16xf32>
    %add3A_796 = arith.addf %add3A_724, %get3A_795 : vector<16xf32>
    %swap3A_797 = arith.constant 1056 : index
    %swap3A_798 = tpu.vector_load %arg17[%swap3A_797] {strides = array<i32>} : memref<1152xf32, #tpu.memory_space<vmem>>, vector<16xf32>,
    %swap3A_799 = vector.shape_cast %swap3A_798 : vector<16xf32> to vector<16xf32>
    %swap3A_800 = vector.shape_cast %add3A_796 : vector<16xf32> to vector<16xf32>
    tpu.vector_store %arg17[%swap3A_797], %swap3A_800 {strides = array<i32>} : memref<1152xf32, #tpu.memory_space<vmem>>, vector<16xf32>,
    %get3A_801 = arith.constant 3 : i32
    %get3A_802 = arith.index_cast %get3A_801 : i32 to index
    %get3A_803 = arith.constant 16 : index
    %get3A_804 = tpu.vector_load %arg19[%get3A_802, %get3A_803] {strides = array<i32>} : memref<6x32xf32, #tpu.memory_space<vmem>>, vector<1x16xf32>,
    %get3A_805 = vector.shape_cast %get3A_804 : vector<1x16xf32> to vector<16xf32>
    %add3A_806 = arith.addf %add3A_730, %get3A_805 : vector<16xf32>
    %swap3A_807 = arith.constant 1072 : index
    %swap3A_808 = tpu.vector_load %arg17[%swap3A_807] {strides = array<i32>} : memref<1152xf32, #tpu.memory_space<vmem>>, vector<16xf32>,
    %swap3A_809 = vector.shape_cast %swap3A_808 : vector<16xf32> to vector<16xf32>
    %swap3A_810 = vector.shape_cast %add3A_806 : vector<16xf32> to vector<16xf32>
    tpu.vector_store %arg17[%swap3A_807], %swap3A_810 {strides = array<i32>} : memref<1152xf32, #tpu.memory_space<vmem>>, vector<16xf32>,
    %get3A_811 = arith.constant 4 : i32
    %get3A_812 = arith.index_cast %get3A_811 : i32 to index
    %get3A_813 = arith.constant 0 : index
    %get3A_814 = tpu.vector_load %arg19[%get3A_812, %get3A_813] {strides = array<i32>} : memref<6x32xf32, #tpu.memory_space<vmem>>, vector<1x16xf32>,
    %get3A_815 = vector.shape_cast %get3A_814 : vector<1x16xf32> to vector<16xf32>
    %add3A_816 = arith.addf %add3A_724, %get3A_815 : vector<16xf32>
    %swap3A_817 = arith.constant 1088 : index
    %swap3A_818 = tpu.vector_load %arg17[%swap3A_817] {strides = array<i32>} : memref<1152xf32, #tpu.memory_space<vmem>>, vector<16xf32>,
    %swap3A_819 = vector.shape_cast %swap3A_818 : vector<16xf32> to vector<16xf32>
    %swap3A_820 = vector.shape_cast %add3A_816 : vector<16xf32> to vector<16xf32>
    tpu.vector_store %arg17[%swap3A_817], %swap3A_820 {strides = array<i32>} : memref<1152xf32, #tpu.memory_space<vmem>>, vector<16xf32>,
    %get3A_821 = arith.constant 4 : i32
    %get3A_822 = arith.index_cast %get3A_821 : i32 to index
    %get3A_823 = arith.constant 16 : index
    %get3A_824 = tpu.vector_load %arg19[%get3A_822, %get3A_823] {strides = array<i32>} : memref<6x32xf32, #tpu.memory_space<vmem>>, vector<1x16xf32>,
    %get3A_825 = vector.shape_cast %get3A_824 : vector<1x16xf32> to vector<16xf32>
    %add3A_826 = arith.addf %add3A_730, %get3A_825 : vector<16xf32>
    %swap3A_827 = arith.constant 1104 : index
    %swap3A_828 = tpu.vector_load %arg17[%swap3A_827] {strides = array<i32>} : memref<1152xf32, #tpu.memory_space<vmem>>, vector<16xf32>,
    %swap3A_829 = vector.shape_cast %swap3A_828 : vector<16xf32> to vector<16xf32>
    %swap3A_830 = vector.shape_cast %add3A_826 : vector<16xf32> to vector<16xf32>
    tpu.vector_store %arg17[%swap3A_827], %swap3A_830 {strides = array<i32>} : memref<1152xf32, #tpu.memory_space<vmem>>, vector<16xf32>,
    %get3A_831 = arith.constant 5 : i32
    %get3A_832 = arith.index_cast %get3A_831 : i32 to index
    %get3A_833 = arith.constant 0 : index
    %get3A_834 = tpu.vector_load %arg19[%get3A_832, %get3A_833] {strides = array<i32>} : memref<6x32xf32, #tpu.memory_space<vmem>>, vector<1x16xf32>,
    %get3A_835 = vector.shape_cast %get3A_834 : vector<1x16xf32> to vector<16xf32>
    %add3A_836 = arith.addf %add3A_724, %get3A_835 : vector<16xf32>
    %swap3A_837 = arith.constant 1120 : index
    %swap3A_838 = tpu.vector_load %arg17[%swap3A_837] {strides = array<i32>} : memref<1152xf32, #tpu.memory_space<vmem>>, vector<16xf32>,
    %swap3A_839 = vector.shape_cast %swap3A_838 : vector<16xf32> to vector<16xf32>
    %swap3A_840 = vector.shape_cast %add3A_836 : vector<16xf32> to vector<16xf32>
    tpu.vector_store %arg17[%swap3A_837], %swap3A_840 {strides = array<i32>} : memref<1152xf32, #tpu.memory_space<vmem>>, vector<16xf32>,
    %get3A_841 = arith.constant 5 : i32
    %get3A_842 = arith.index_cast %get3A_841 : i32 to index
    %get3A_843 = arith.constant 16 : index
    %get3A_844 = tpu.vector_load %arg19[%get3A_842, %get3A_843] {strides = array<i32>} : memref<6x32xf32, #tpu.memory_space<vmem>>, vector<1x16xf32>,
    %get3A_845 = vector.shape_cast %get3A_844 : vector<1x16xf32> to vector<16xf32>
    %add3A_846 = arith.addf %add3A_730, %get3A_845 : vector<16xf32>
    %swap3A_847 = arith.constant 1136 : index
    %swap3A_848 = tpu.vector_load %arg17[%swap3A_847] {strides = array<i32>} : memref<1152xf32, #tpu.memory_space<vmem>>, vector<16xf32>,
    %swap3A_849 = vector.shape_cast %swap3A_848 : vector<16xf32> to vector<16xf32>
    %swap3A_850 = vector.shape_cast %add3A_846 : vector<16xf32> to vector<16xf32>
    tpu.vector_store %arg17[%swap3A_847], %swap3A_850 {strides = array<i32>} : memref<1152xf32, #tpu.memory_space<vmem>>, vector<16xf32>,
    %parallel_loop3A = arith.constant 0 : i32
    %parallel_loop3A_851 = arith.constant 32 : i32
    %parallel_loop3A_852 = arith.constant 1 : i32
    scf.for %parallel_loop3A_853 = %parallel_loop3A to %parallel_loop3A_851 step %parallel_loop3A_852  : i32 {
      %parallel_loop3A_854 = arith.constant 16 : i32
      %parallel_loop3A_855 = arith.muli %parallel_loop3A_853, %parallel_loop3A_854 : i32
      %parallel_loop3A_856 = arith.index_cast %parallel_loop3A_855 : i32 to index
      %parallel_loop3A_857 = tpu.vector_load %arg13[%parallel_loop3A_856] {strides = array<i32>} : memref<512xi32, #tpu.memory_space<vmem>>, vector<16xi32>,
      %parallel_loop3A_858 = vector.shape_cast %parallel_loop3A_857 : vector<16xi32> to vector<16xi32>
      %parallel_loop3A_859 = arith.constant 16 : i32
      %parallel_loop3A_860 = arith.muli %parallel_loop3A_853, %parallel_loop3A_859 : i32
      %parallel_loop3A_861 = arith.index_cast %parallel_loop3A_860 : i32 to index
      %parallel_loop3A_862 = tpu.vector_load %arg14[%parallel_loop3A_861] {strides = array<i32>} : memref<512xi32, #tpu.memory_space<vmem>>, vector<16xi32>,
      %parallel_loop3A_863 = vector.shape_cast %parallel_loop3A_862 : vector<16xi32> to vector<16xi32>
      %parallel_loop3A_864 = arith.constant 16 : i32
      %parallel_loop3A_865 = arith.muli %parallel_loop3A_853, %parallel_loop3A_864 : i32
      %parallel_loop3A_866 = arith.index_cast %parallel_loop3A_865 : i32 to index
      %parallel_loop3A_867 = tpu.vector_load %arg15[%parallel_loop3A_866] {strides = array<i32>} : memref<512xf32, #tpu.memory_space<vmem>>, vector<16xf32>,
      %parallel_loop3A_868 = vector.shape_cast %parallel_loop3A_867 : vector<16xf32> to vector<16xf32>
      %parallel_loop3A_869 = arith.constant 6 : i32
      %parallel_loop3A_870 = vector.broadcast %parallel_loop3A_869 : i32 to vector<16xi32>
      %parallel_loop3A_871 = arith.muli %parallel_loop3A_858, %parallel_loop3A_870 : vector<16xi32>
      %parallel_loop3A_872 = arith.addi %parallel_loop3A_871, %parallel_loop3A_863 : vector<16xi32>
      %parallel_loop3A_873 = arith.constant 32 : i32
      %parallel_loop3A_874 = vector.broadcast %parallel_loop3A_873 : i32 to vector<16xi32>
      %parallel_loop3A_875 = arith.muli %parallel_loop3A_872, %parallel_loop3A_874 : vector<16xi32>
      %parallel_loop3A_876 = arith.constant 96 : i32
      %parallel_loop3A_877 = arith.muli %parallel_loop3A_853, %parallel_loop3A_876 : i32
      %parallel_loop3A_878 = arith.constant 0 : i32
      %parallel_loop3A_879 = arith.addi %parallel_loop3A_877, %parallel_loop3A_878 : i32
      %parallel_loop3A_880 = arith.index_cast %parallel_loop3A_879 : i32 to index
      %parallel_loop3A_881 = tpu.vector_load %arg16[%parallel_loop3A_880] {strides = array<i32>} : memref<3072xf32, #tpu.memory_space<vmem>>, vector<16xf32>,
      %parallel_loop3A_882 = vector.shape_cast %parallel_loop3A_881 : vector<16xf32> to vector<16xf32>
      %parallel_loop3A_883 = arith.constant 96 : i32
      %parallel_loop3A_884 = arith.muli %parallel_loop3A_853, %parallel_loop3A_883 : i32
      %parallel_loop3A_885 = arith.constant 16 : i32
      %parallel_loop3A_886 = arith.addi %parallel_loop3A_884, %parallel_loop3A_885 : i32
      %parallel_loop3A_887 = arith.index_cast %parallel_loop3A_886 : i32 to index
      %parallel_loop3A_888 = tpu.vector_load %arg16[%parallel_loop3A_887] {strides = array<i32>} : memref<3072xf32, #tpu.memory_space<vmem>>, vector<16xf32>,
      %parallel_loop3A_889 = vector.shape_cast %parallel_loop3A_888 : vector<16xf32> to vector<16xf32>
      %parallel_loop3A_890 = arith.constant 96 : i32
      %parallel_loop3A_891 = arith.muli %parallel_loop3A_853, %parallel_loop3A_890 : i32
      %parallel_loop3A_892 = arith.constant 32 : i32
      %parallel_loop3A_893 = arith.addi %parallel_loop3A_891, %parallel_loop3A_892 : i32
      %parallel_loop3A_894 = arith.index_cast %parallel_loop3A_893 : i32 to index
      %parallel_loop3A_895 = tpu.vector_load %arg16[%parallel_loop3A_894] {strides = array<i32>} : memref<3072xf32, #tpu.memory_space<vmem>>, vector<16xf32>,
      %parallel_loop3A_896 = vector.shape_cast %parallel_loop3A_895 : vector<16xf32> to vector<16xf32>
      %parallel_loop3A_897 = arith.constant 96 : i32
      %parallel_loop3A_898 = arith.muli %parallel_loop3A_853, %parallel_loop3A_897 : i32
      %parallel_loop3A_899 = arith.constant 48 : i32
      %parallel_loop3A_900 = arith.addi %parallel_loop3A_898, %parallel_loop3A_899 : i32
      %parallel_loop3A_901 = arith.index_cast %parallel_loop3A_900 : i32 to index
      %parallel_loop3A_902 = tpu.vector_load %arg16[%parallel_loop3A_901] {strides = array<i32>} : memref<3072xf32, #tpu.memory_space<vmem>>, vector<16xf32>,
      %parallel_loop3A_903 = vector.shape_cast %parallel_loop3A_902 : vector<16xf32> to vector<16xf32>
      %parallel_loop3A_904 = arith.constant 96 : i32
      %parallel_loop3A_905 = arith.muli %parallel_loop3A_853, %parallel_loop3A_904 : i32
      %parallel_loop3A_906 = arith.constant 64 : i32
      %parallel_loop3A_907 = arith.addi %parallel_loop3A_905, %parallel_loop3A_906 : i32
      %parallel_loop3A_908 = arith.index_cast %parallel_loop3A_907 : i32 to index
      %parallel_loop3A_909 = tpu.vector_load %arg16[%parallel_loop3A_908] {strides = array<i32>} : memref<3072xf32, #tpu.memory_space<vmem>>, vector<16xf32>,
      %parallel_loop3A_910 = vector.shape_cast %parallel_loop3A_909 : vector<16xf32> to vector<16xf32>
      %parallel_loop3A_911 = arith.constant 96 : i32
      %parallel_loop3A_912 = arith.muli %parallel_loop3A_853, %parallel_loop3A_911 : i32
      %parallel_loop3A_913 = arith.constant 80 : i32
      %parallel_loop3A_914 = arith.addi %parallel_loop3A_912, %parallel_loop3A_913 : i32
      %parallel_loop3A_915 = arith.index_cast %parallel_loop3A_914 : i32 to index
      %parallel_loop3A_916 = tpu.vector_load %arg16[%parallel_loop3A_915] {strides = array<i32>} : memref<3072xf32, #tpu.memory_space<vmem>>, vector<16xf32>,
      %parallel_loop3A_917 = vector.shape_cast %parallel_loop3A_916 : vector<16xf32> to vector<16xf32>
      %parallel_loop3A_918 = arith.constant 16 : i32
      %parallel_loop3A_919 = arith.muli %parallel_loop3A_853, %parallel_loop3A_918 : i32
      %parallel_loop3A_920 = arith.constant 0 : i32
      %parallel_loop3A_921 = arith.addi %parallel_loop3A_919, %parallel_loop3A_920 : i32
      %parallel_loop3A_922 = vector.extract_strided_slice %parallel_loop3A_875 {offsets = [0], sizes = [1], strides = [1]} : vector<16xi32> to vector<1xi32>
      %parallel_loop3A_923 = vector.extract %parallel_loop3A_922[0] : i32 from vector<1xi32>
      %parallel_loop3A_924 = vector.extract_strided_slice %parallel_loop3A_868 {offsets = [0], sizes = [1], strides = [1]} : vector<16xf32> to vector<1xf32>
      %parallel_loop3A_925 = vector.extract %parallel_loop3A_924[0] : f32 from vector<1xf32>
      %parallel_loop3A_926 = vector.extract_strided_slice %parallel_loop3A_882 {offsets = [0], sizes = [1], strides = [1]} : vector<16xf32> to vector<1xf32>
      %parallel_loop3A_927 = vector.extract %parallel_loop3A_926[0] : f32 from vector<1xf32>
      %parallel_loop3A_928 = vector.extract_strided_slice %parallel_loop3A_882 {offsets = [1], sizes = [1], strides = [1]} : vector<16xf32> to vector<1xf32>
      %parallel_loop3A_929 = vector.extract %parallel_loop3A_928[0] : f32 from vector<1xf32>
      %parallel_loop3A_930 = vector.extract_strided_slice %parallel_loop3A_882 {offsets = [2], sizes = [1], strides = [1]} : vector<16xf32> to vector<1xf32>
      %parallel_loop3A_931 = vector.extract %parallel_loop3A_930[0] : f32 from vector<1xf32>
      %parallel_loop3A_932 = vector.extract_strided_slice %parallel_loop3A_882 {offsets = [3], sizes = [1], strides = [1]} : vector<16xf32> to vector<1xf32>
      %parallel_loop3A_933 = vector.extract %parallel_loop3A_932[0] : f32 from vector<1xf32>
      %parallel_loop3A_934 = vector.extract_strided_slice %parallel_loop3A_882 {offsets = [4], sizes = [1], strides = [1]} : vector<16xf32> to vector<1xf32>
      %parallel_loop3A_935 = vector.extract %parallel_loop3A_934[0] : f32 from vector<1xf32>
      %parallel_loop3A_936 = vector.extract_strided_slice %parallel_loop3A_882 {offsets = [5], sizes = [1], strides = [1]} : vector<16xf32> to vector<1xf32>
      %parallel_loop3A_937 = vector.extract %parallel_loop3A_936[0] : f32 from vector<1xf32>
      %parallel_loop3A_938 = arith.index_cast %parallel_loop3A_923 : i32 to index
      %parallel_loop3A_939 = tpu.vector_load %arg17[%parallel_loop3A_938] {strides = array<i32>} : memref<1152xf32, #tpu.memory_space<vmem>>, vector<16xf32>,
      %parallel_loop3A_940 = vector.shape_cast %parallel_loop3A_939 : vector<16xf32> to vector<16xf32>
      %parallel_loop3A_941 = arith.constant 16 : i32
      %parallel_loop3A_942 = arith.addi %parallel_loop3A_923, %parallel_loop3A_941 : i32
      %parallel_loop3A_943 = arith.index_cast %parallel_loop3A_942 : i32 to index
      %parallel_loop3A_944 = tpu.vector_load %arg17[%parallel_loop3A_943] {strides = array<i32>} : memref<1152xf32, #tpu.memory_space<vmem>>, vector<16xf32>,
      %parallel_loop3A_945 = vector.shape_cast %parallel_loop3A_944 : vector<16xf32> to vector<16xf32>
      %parallel_loop3A_946 = vector.broadcast %parallel_loop3A_925 : f32 to vector<16xf32>
      %parallel_loop3A_947 = arith.mulf %parallel_loop3A_946, %get3A_6 : vector<16xf32>
      %parallel_loop3A_948 = arith.addf %parallel_loop3A_940, %parallel_loop3A_947 : vector<16xf32>
      %parallel_loop3A_949 = vector.broadcast %parallel_loop3A_927 : f32 to vector<16xf32>
      %parallel_loop3A_950 = arith.mulf %parallel_loop3A_949, %get3A_12 : vector<16xf32>
      %parallel_loop3A_951 = vector.broadcast %parallel_loop3A_929 : f32 to vector<16xf32>
      %parallel_loop3A_952 = arith.mulf %parallel_loop3A_951, %get3A_18 : vector<16xf32>
      %parallel_loop3A_953 = arith.addf %parallel_loop3A_950, %parallel_loop3A_952 : vector<16xf32>
      %parallel_loop3A_954 = arith.addf %parallel_loop3A_948, %parallel_loop3A_953 : vector<16xf32>
      %parallel_loop3A_955 = vector.broadcast %parallel_loop3A_931 : f32 to vector<16xf32>
      %parallel_loop3A_956 = arith.mulf %parallel_loop3A_955, %get3A_24 : vector<16xf32>
      %parallel_loop3A_957 = vector.broadcast %parallel_loop3A_933 : f32 to vector<16xf32>
      %parallel_loop3A_958 = arith.mulf %parallel_loop3A_957, %get3A_30 : vector<16xf32>
      %parallel_loop3A_959 = arith.addf %parallel_loop3A_956, %parallel_loop3A_958 : vector<16xf32>
      %parallel_loop3A_960 = vector.broadcast %parallel_loop3A_935 : f32 to vector<16xf32>
      %parallel_loop3A_961 = arith.mulf %parallel_loop3A_960, %get3A_36 : vector<16xf32>
      %parallel_loop3A_962 = vector.broadcast %parallel_loop3A_937 : f32 to vector<16xf32>
      %parallel_loop3A_963 = arith.mulf %parallel_loop3A_962, %get3A_42 : vector<16xf32>
      %parallel_loop3A_964 = arith.addf %parallel_loop3A_961, %parallel_loop3A_963 : vector<16xf32>
      %parallel_loop3A_965 = arith.addf %parallel_loop3A_959, %parallel_loop3A_964 : vector<16xf32>
      %parallel_loop3A_966 = arith.addf %parallel_loop3A_954, %parallel_loop3A_965 : vector<16xf32>
      %parallel_loop3A_967 = vector.broadcast %parallel_loop3A_925 : f32 to vector<16xf32>
      %parallel_loop3A_968 = arith.mulf %parallel_loop3A_967, %get3A_9 : vector<16xf32>
      %parallel_loop3A_969 = arith.addf %parallel_loop3A_945, %parallel_loop3A_968 : vector<16xf32>
      %parallel_loop3A_970 = vector.broadcast %parallel_loop3A_927 : f32 to vector<16xf32>
      %parallel_loop3A_971 = arith.mulf %parallel_loop3A_970, %get3A_15 : vector<16xf32>
      %parallel_loop3A_972 = vector.broadcast %parallel_loop3A_929 : f32 to vector<16xf32>
      %parallel_loop3A_973 = arith.mulf %parallel_loop3A_972, %get3A_21 : vector<16xf32>
      %parallel_loop3A_974 = arith.addf %parallel_loop3A_971, %parallel_loop3A_973 : vector<16xf32>
      %parallel_loop3A_975 = arith.addf %parallel_loop3A_969, %parallel_loop3A_974 : vector<16xf32>
      %parallel_loop3A_976 = vector.broadcast %parallel_loop3A_931 : f32 to vector<16xf32>
      %parallel_loop3A_977 = arith.mulf %parallel_loop3A_976, %get3A_27 : vector<16xf32>
      %parallel_loop3A_978 = vector.broadcast %parallel_loop3A_933 : f32 to vector<16xf32>
      %parallel_loop3A_979 = arith.mulf %parallel_loop3A_978, %get3A_33 : vector<16xf32>
      %parallel_loop3A_980 = arith.addf %parallel_loop3A_977, %parallel_loop3A_979 : vector<16xf32>
      %parallel_loop3A_981 = vector.broadcast %parallel_loop3A_935 : f32 to vector<16xf32>
      %parallel_loop3A_982 = arith.mulf %parallel_loop3A_981, %get3A_39 : vector<16xf32>
      %parallel_loop3A_983 = vector.broadcast %parallel_loop3A_937 : f32 to vector<16xf32>
      %parallel_loop3A_984 = arith.mulf %parallel_loop3A_983, %get3A_45 : vector<16xf32>
      %parallel_loop3A_985 = arith.addf %parallel_loop3A_982, %parallel_loop3A_984 : vector<16xf32>
      %parallel_loop3A_986 = arith.addf %parallel_loop3A_980, %parallel_loop3A_985 : vector<16xf32>
      %parallel_loop3A_987 = arith.addf %parallel_loop3A_975, %parallel_loop3A_986 : vector<16xf32>
      %parallel_loop3A_988 = arith.index_cast %parallel_loop3A_921 : i32 to index
      %parallel_loop3A_989 = arith.constant 0 : index
      %parallel_loop3A_990 = tpu.vector_load %arg24[%parallel_loop3A_988, %parallel_loop3A_989] {strides = array<i32>} : memref<512x32xf32, #tpu.memory_space<vmem>>, vector<1x16xf32>,
      %parallel_loop3A_991 = vector.shape_cast %parallel_loop3A_990 : vector<1x16xf32> to vector<16xf32>
      %parallel_loop3A_992 = vector.shape_cast %parallel_loop3A_966 : vector<16xf32> to vector<1x16xf32>
      tpu.vector_store %arg24[%parallel_loop3A_988, %parallel_loop3A_989], %parallel_loop3A_992 {strides = array<i32>} : memref<512x32xf32, #tpu.memory_space<vmem>>, vector<1x16xf32>,
      %parallel_loop3A_993 = arith.index_cast %parallel_loop3A_921 : i32 to index
      %parallel_loop3A_994 = arith.constant 16 : index
      %parallel_loop3A_995 = tpu.vector_load %arg24[%parallel_loop3A_993, %parallel_loop3A_994] {strides = array<i32>} : memref<512x32xf32, #tpu.memory_space<vmem>>, vector<1x16xf32>,
      %parallel_loop3A_996 = vector.shape_cast %parallel_loop3A_995 : vector<1x16xf32> to vector<16xf32>
      %parallel_loop3A_997 = vector.shape_cast %parallel_loop3A_987 : vector<16xf32> to vector<1x16xf32>
      tpu.vector_store %arg24[%parallel_loop3A_993, %parallel_loop3A_994], %parallel_loop3A_997 {strides = array<i32>} : memref<512x32xf32, #tpu.memory_space<vmem>>, vector<1x16xf32>,
      %parallel_loop3A_998 = arith.constant 16 : i32
      %parallel_loop3A_999 = arith.muli %parallel_loop3A_853, %parallel_loop3A_998 : i32
      %parallel_loop3A_1000 = arith.constant 1 : i32
      %parallel_loop3A_1001 = arith.addi %parallel_loop3A_999, %parallel_loop3A_1000 : i32
      %parallel_loop3A_1002 = vector.extract_strided_slice %parallel_loop3A_875 {offsets = [1], sizes = [1], strides = [1]} : vector<16xi32> to vector<1xi32>
      %parallel_loop3A_1003 = vector.extract %parallel_loop3A_1002[0] : i32 from vector<1xi32>
      %parallel_loop3A_1004 = vector.extract_strided_slice %parallel_loop3A_868 {offsets = [1], sizes = [1], strides = [1]} : vector<16xf32> to vector<1xf32>
      %parallel_loop3A_1005 = vector.extract %parallel_loop3A_1004[0] : f32 from vector<1xf32>
      %parallel_loop3A_1006 = vector.extract_strided_slice %parallel_loop3A_882 {offsets = [6], sizes = [1], strides = [1]} : vector<16xf32> to vector<1xf32>
      %parallel_loop3A_1007 = vector.extract %parallel_loop3A_1006[0] : f32 from vector<1xf32>
      %parallel_loop3A_1008 = vector.extract_strided_slice %parallel_loop3A_882 {offsets = [7], sizes = [1], strides = [1]} : vector<16xf32> to vector<1xf32>
      %parallel_loop3A_1009 = vector.extract %parallel_loop3A_1008[0] : f32 from vector<1xf32>
      %parallel_loop3A_1010 = vector.extract_strided_slice %parallel_loop3A_882 {offsets = [8], sizes = [1], strides = [1]} : vector<16xf32> to vector<1xf32>
      %parallel_loop3A_1011 = vector.extract %parallel_loop3A_1010[0] : f32 from vector<1xf32>
      %parallel_loop3A_1012 = vector.extract_strided_slice %parallel_loop3A_882 {offsets = [9], sizes = [1], strides = [1]} : vector<16xf32> to vector<1xf32>
      %parallel_loop3A_1013 = vector.extract %parallel_loop3A_1012[0] : f32 from vector<1xf32>
      %parallel_loop3A_1014 = vector.extract_strided_slice %parallel_loop3A_882 {offsets = [10], sizes = [1], strides = [1]} : vector<16xf32> to vector<1xf32>
      %parallel_loop3A_1015 = vector.extract %parallel_loop3A_1014[0] : f32 from vector<1xf32>
      %parallel_loop3A_1016 = vector.extract_strided_slice %parallel_loop3A_882 {offsets = [11], sizes = [1], strides = [1]} : vector<16xf32> to vector<1xf32>
      %parallel_loop3A_1017 = vector.extract %parallel_loop3A_1016[0] : f32 from vector<1xf32>
      %parallel_loop3A_1018 = arith.index_cast %parallel_loop3A_1003 : i32 to index
      %parallel_loop3A_1019 = tpu.vector_load %arg17[%parallel_loop3A_1018] {strides = array<i32>} : memref<1152xf32, #tpu.memory_space<vmem>>, vector<16xf32>,
      %parallel_loop3A_1020 = vector.shape_cast %parallel_loop3A_1019 : vector<16xf32> to vector<16xf32>
      %parallel_loop3A_1021 = arith.constant 16 : i32
      %parallel_loop3A_1022 = arith.addi %parallel_loop3A_1003, %parallel_loop3A_1021 : i32
      %parallel_loop3A_1023 = arith.index_cast %parallel_loop3A_1022 : i32 to index
      %parallel_loop3A_1024 = tpu.vector_load %arg17[%parallel_loop3A_1023] {strides = array<i32>} : memref<1152xf32, #tpu.memory_space<vmem>>, vector<16xf32>,
      %parallel_loop3A_1025 = vector.shape_cast %parallel_loop3A_1024 : vector<16xf32> to vector<16xf32>
      %parallel_loop3A_1026 = vector.broadcast %parallel_loop3A_1005 : f32 to vector<16xf32>
      %parallel_loop3A_1027 = arith.mulf %parallel_loop3A_1026, %get3A_6 : vector<16xf32>
      %parallel_loop3A_1028 = arith.addf %parallel_loop3A_1020, %parallel_loop3A_1027 : vector<16xf32>
      %parallel_loop3A_1029 = vector.broadcast %parallel_loop3A_1007 : f32 to vector<16xf32>
      %parallel_loop3A_1030 = arith.mulf %parallel_loop3A_1029, %get3A_12 : vector<16xf32>
      %parallel_loop3A_1031 = vector.broadcast %parallel_loop3A_1009 : f32 to vector<16xf32>
      %parallel_loop3A_1032 = arith.mulf %parallel_loop3A_1031, %get3A_18 : vector<16xf32>
      %parallel_loop3A_1033 = arith.addf %parallel_loop3A_1030, %parallel_loop3A_1032 : vector<16xf32>
      %parallel_loop3A_1034 = arith.addf %parallel_loop3A_1028, %parallel_loop3A_1033 : vector<16xf32>
      %parallel_loop3A_1035 = vector.broadcast %parallel_loop3A_1011 : f32 to vector<16xf32>
      %parallel_loop3A_1036 = arith.mulf %parallel_loop3A_1035, %get3A_24 : vector<16xf32>
      %parallel_loop3A_1037 = vector.broadcast %parallel_loop3A_1013 : f32 to vector<16xf32>
      %parallel_loop3A_1038 = arith.mulf %parallel_loop3A_1037, %get3A_30 : vector<16xf32>
      %parallel_loop3A_1039 = arith.addf %parallel_loop3A_1036, %parallel_loop3A_1038 : vector<16xf32>
      %parallel_loop3A_1040 = vector.broadcast %parallel_loop3A_1015 : f32 to vector<16xf32>
      %parallel_loop3A_1041 = arith.mulf %parallel_loop3A_1040, %get3A_36 : vector<16xf32>
      %parallel_loop3A_1042 = vector.broadcast %parallel_loop3A_1017 : f32 to vector<16xf32>
      %parallel_loop3A_1043 = arith.mulf %parallel_loop3A_1042, %get3A_42 : vector<16xf32>
      %parallel_loop3A_1044 = arith.addf %parallel_loop3A_1041, %parallel_loop3A_1043 : vector<16xf32>
      %parallel_loop3A_1045 = arith.addf %parallel_loop3A_1039, %parallel_loop3A_1044 : vector<16xf32>
      %parallel_loop3A_1046 = arith.addf %parallel_loop3A_1034, %parallel_loop3A_1045 : vector<16xf32>
      %parallel_loop3A_1047 = vector.broadcast %parallel_loop3A_1005 : f32 to vector<16xf32>
      %parallel_loop3A_1048 = arith.mulf %parallel_loop3A_1047, %get3A_9 : vector<16xf32>
      %parallel_loop3A_1049 = arith.addf %parallel_loop3A_1025, %parallel_loop3A_1048 : vector<16xf32>
      %parallel_loop3A_1050 = vector.broadcast %parallel_loop3A_1007 : f32 to vector<16xf32>
      %parallel_loop3A_1051 = arith.mulf %parallel_loop3A_1050, %get3A_15 : vector<16xf32>
      %parallel_loop3A_1052 = vector.broadcast %parallel_loop3A_1009 : f32 to vector<16xf32>
      %parallel_loop3A_1053 = arith.mulf %parallel_loop3A_1052, %get3A_21 : vector<16xf32>
      %parallel_loop3A_1054 = arith.addf %parallel_loop3A_1051, %parallel_loop3A_1053 : vector<16xf32>
      %parallel_loop3A_1055 = arith.addf %parallel_loop3A_1049, %parallel_loop3A_1054 : vector<16xf32>
      %parallel_loop3A_1056 = vector.broadcast %parallel_loop3A_1011 : f32 to vector<16xf32>
      %parallel_loop3A_1057 = arith.mulf %parallel_loop3A_1056, %get3A_27 : vector<16xf32>
      %parallel_loop3A_1058 = vector.broadcast %parallel_loop3A_1013 : f32 to vector<16xf32>
      %parallel_loop3A_1059 = arith.mulf %parallel_loop3A_1058, %get3A_33 : vector<16xf32>
      %parallel_loop3A_1060 = arith.addf %parallel_loop3A_1057, %parallel_loop3A_1059 : vector<16xf32>
      %parallel_loop3A_1061 = vector.broadcast %parallel_loop3A_1015 : f32 to vector<16xf32>
      %parallel_loop3A_1062 = arith.mulf %parallel_loop3A_1061, %get3A_39 : vector<16xf32>
      %parallel_loop3A_1063 = vector.broadcast %parallel_loop3A_1017 : f32 to vector<16xf32>
      %parallel_loop3A_1064 = arith.mulf %parallel_loop3A_1063, %get3A_45 : vector<16xf32>
      %parallel_loop3A_1065 = arith.addf %parallel_loop3A_1062, %parallel_loop3A_1064 : vector<16xf32>
      %parallel_loop3A_1066 = arith.addf %parallel_loop3A_1060, %parallel_loop3A_1065 : vector<16xf32>
      %parallel_loop3A_1067 = arith.addf %parallel_loop3A_1055, %parallel_loop3A_1066 : vector<16xf32>
      %parallel_loop3A_1068 = arith.index_cast %parallel_loop3A_1001 : i32 to index
      %parallel_loop3A_1069 = arith.constant 0 : index
      %parallel_loop3A_1070 = tpu.vector_load %arg24[%parallel_loop3A_1068, %parallel_loop3A_1069] {strides = array<i32>} : memref<512x32xf32, #tpu.memory_space<vmem>>, vector<1x16xf32>,
      %parallel_loop3A_1071 = vector.shape_cast %parallel_loop3A_1070 : vector<1x16xf32> to vector<16xf32>
      %parallel_loop3A_1072 = vector.shape_cast %parallel_loop3A_1046 : vector<16xf32> to vector<1x16xf32>
      tpu.vector_store %arg24[%parallel_loop3A_1068, %parallel_loop3A_1069], %parallel_loop3A_1072 {strides = array<i32>} : memref<512x32xf32, #tpu.memory_space<vmem>>, vector<1x16xf32>,
      %parallel_loop3A_1073 = arith.index_cast %parallel_loop3A_1001 : i32 to index
      %parallel_loop3A_1074 = arith.constant 16 : index
      %parallel_loop3A_1075 = tpu.vector_load %arg24[%parallel_loop3A_1073, %parallel_loop3A_1074] {strides = array<i32>} : memref<512x32xf32, #tpu.memory_space<vmem>>, vector<1x16xf32>,
      %parallel_loop3A_1076 = vector.shape_cast %parallel_loop3A_1075 : vector<1x16xf32> to vector<16xf32>
      %parallel_loop3A_1077 = vector.shape_cast %parallel_loop3A_1067 : vector<16xf32> to vector<1x16xf32>
      tpu.vector_store %arg24[%parallel_loop3A_1073, %parallel_loop3A_1074], %parallel_loop3A_1077 {strides = array<i32>} : memref<512x32xf32, #tpu.memory_space<vmem>>, vector<1x16xf32>,
      %parallel_loop3A_1078 = arith.constant 16 : i32
      %parallel_loop3A_1079 = arith.muli %parallel_loop3A_853, %parallel_loop3A_1078 : i32
      %parallel_loop3A_1080 = arith.constant 2 : i32
      %parallel_loop3A_1081 = arith.addi %parallel_loop3A_1079, %parallel_loop3A_1080 : i32
      %parallel_loop3A_1082 = vector.extract_strided_slice %parallel_loop3A_875 {offsets = [2], sizes = [1], strides = [1]} : vector<16xi32> to vector<1xi32>
      %parallel_loop3A_1083 = vector.extract %parallel_loop3A_1082[0] : i32 from vector<1xi32>
      %parallel_loop3A_1084 = vector.extract_strided_slice %parallel_loop3A_868 {offsets = [2], sizes = [1], strides = [1]} : vector<16xf32> to vector<1xf32>
      %parallel_loop3A_1085 = vector.extract %parallel_loop3A_1084[0] : f32 from vector<1xf32>
      %parallel_loop3A_1086 = vector.extract_strided_slice %parallel_loop3A_882 {offsets = [12], sizes = [1], strides = [1]} : vector<16xf32> to vector<1xf32>
      %parallel_loop3A_1087 = vector.extract %parallel_loop3A_1086[0] : f32 from vector<1xf32>
      %parallel_loop3A_1088 = vector.extract_strided_slice %parallel_loop3A_882 {offsets = [13], sizes = [1], strides = [1]} : vector<16xf32> to vector<1xf32>
      %parallel_loop3A_1089 = vector.extract %parallel_loop3A_1088[0] : f32 from vector<1xf32>
      %parallel_loop3A_1090 = vector.extract_strided_slice %parallel_loop3A_882 {offsets = [14], sizes = [1], strides = [1]} : vector<16xf32> to vector<1xf32>
      %parallel_loop3A_1091 = vector.extract %parallel_loop3A_1090[0] : f32 from vector<1xf32>
      %parallel_loop3A_1092 = vector.extract_strided_slice %parallel_loop3A_882 {offsets = [15], sizes = [1], strides = [1]} : vector<16xf32> to vector<1xf32>
      %parallel_loop3A_1093 = vector.extract %parallel_loop3A_1092[0] : f32 from vector<1xf32>
      %parallel_loop3A_1094 = vector.extract_strided_slice %parallel_loop3A_889 {offsets = [0], sizes = [1], strides = [1]} : vector<16xf32> to vector<1xf32>
      %parallel_loop3A_1095 = vector.extract %parallel_loop3A_1094[0] : f32 from vector<1xf32>
      %parallel_loop3A_1096 = vector.extract_strided_slice %parallel_loop3A_889 {offsets = [1], sizes = [1], strides = [1]} : vector<16xf32> to vector<1xf32>
      %parallel_loop3A_1097 = vector.extract %parallel_loop3A_1096[0] : f32 from vector<1xf32>
      %parallel_loop3A_1098 = arith.index_cast %parallel_loop3A_1083 : i32 to index
      %parallel_loop3A_1099 = tpu.vector_load %arg17[%parallel_loop3A_1098] {strides = array<i32>} : memref<1152xf32, #tpu.memory_space<vmem>>, vector<16xf32>,
      %parallel_loop3A_1100 = vector.shape_cast %parallel_loop3A_1099 : vector<16xf32> to vector<16xf32>
      %parallel_loop3A_1101 = arith.constant 16 : i32
      %parallel_loop3A_1102 = arith.addi %parallel_loop3A_1083, %parallel_loop3A_1101 : i32
      %parallel_loop3A_1103 = arith.index_cast %parallel_loop3A_1102 : i32 to index
      %parallel_loop3A_1104 = tpu.vector_load %arg17[%parallel_loop3A_1103] {strides = array<i32>} : memref<1152xf32, #tpu.memory_space<vmem>>, vector<16xf32>,
      %parallel_loop3A_1105 = vector.shape_cast %parallel_loop3A_1104 : vector<16xf32> to vector<16xf32>
      %parallel_loop3A_1106 = vector.broadcast %parallel_loop3A_1085 : f32 to vector<16xf32>
      %parallel_loop3A_1107 = arith.mulf %parallel_loop3A_1106, %get3A_6 : vector<16xf32>
      %parallel_loop3A_1108 = arith.addf %parallel_loop3A_1100, %parallel_loop3A_1107 : vector<16xf32>
      %parallel_loop3A_1109 = vector.broadcast %parallel_loop3A_1087 : f32 to vector<16xf32>
      %parallel_loop3A_1110 = arith.mulf %parallel_loop3A_1109, %get3A_12 : vector<16xf32>
      %parallel_loop3A_1111 = vector.broadcast %parallel_loop3A_1089 : f32 to vector<16xf32>
      %parallel_loop3A_1112 = arith.mulf %parallel_loop3A_1111, %get3A_18 : vector<16xf32>
      %parallel_loop3A_1113 = arith.addf %parallel_loop3A_1110, %parallel_loop3A_1112 : vector<16xf32>
      %parallel_loop3A_1114 = arith.addf %parallel_loop3A_1108, %parallel_loop3A_1113 : vector<16xf32>
      %parallel_loop3A_1115 = vector.broadcast %parallel_loop3A_1091 : f32 to vector<16xf32>
      %parallel_loop3A_1116 = arith.mulf %parallel_loop3A_1115, %get3A_24 : vector<16xf32>
      %parallel_loop3A_1117 = vector.broadcast %parallel_loop3A_1093 : f32 to vector<16xf32>
      %parallel_loop3A_1118 = arith.mulf %parallel_loop3A_1117, %get3A_30 : vector<16xf32>
      %parallel_loop3A_1119 = arith.addf %parallel_loop3A_1116, %parallel_loop3A_1118 : vector<16xf32>
      %parallel_loop3A_1120 = vector.broadcast %parallel_loop3A_1095 : f32 to vector<16xf32>
      %parallel_loop3A_1121 = arith.mulf %parallel_loop3A_1120, %get3A_36 : vector<16xf32>
      %parallel_loop3A_1122 = vector.broadcast %parallel_loop3A_1097 : f32 to vector<16xf32>
      %parallel_loop3A_1123 = arith.mulf %parallel_loop3A_1122, %get3A_42 : vector<16xf32>
      %parallel_loop3A_1124 = arith.addf %parallel_loop3A_1121, %parallel_loop3A_1123 : vector<16xf32>
      %parallel_loop3A_1125 = arith.addf %parallel_loop3A_1119, %parallel_loop3A_1124 : vector<16xf32>
      %parallel_loop3A_1126 = arith.addf %parallel_loop3A_1114, %parallel_loop3A_1125 : vector<16xf32>
      %parallel_loop3A_1127 = vector.broadcast %parallel_loop3A_1085 : f32 to vector<16xf32>
      %parallel_loop3A_1128 = arith.mulf %parallel_loop3A_1127, %get3A_9 : vector<16xf32>
      %parallel_loop3A_1129 = arith.addf %parallel_loop3A_1105, %parallel_loop3A_1128 : vector<16xf32>
      %parallel_loop3A_1130 = vector.broadcast %parallel_loop3A_1087 : f32 to vector<16xf32>
      %parallel_loop3A_1131 = arith.mulf %parallel_loop3A_1130, %get3A_15 : vector<16xf32>
      %parallel_loop3A_1132 = vector.broadcast %parallel_loop3A_1089 : f32 to vector<16xf32>
      %parallel_loop3A_1133 = arith.mulf %parallel_loop3A_1132, %get3A_21 : vector<16xf32>
      %parallel_loop3A_1134 = arith.addf %parallel_loop3A_1131, %parallel_loop3A_1133 : vector<16xf32>
      %parallel_loop3A_1135 = arith.addf %parallel_loop3A_1129, %parallel_loop3A_1134 : vector<16xf32>
      %parallel_loop3A_1136 = vector.broadcast %parallel_loop3A_1091 : f32 to vector<16xf32>
      %parallel_loop3A_1137 = arith.mulf %parallel_loop3A_1136, %get3A_27 : vector<16xf32>
      %parallel_loop3A_1138 = vector.broadcast %parallel_loop3A_1093 : f32 to vector<16xf32>
      %parallel_loop3A_1139 = arith.mulf %parallel_loop3A_1138, %get3A_33 : vector<16xf32>
      %parallel_loop3A_1140 = arith.addf %parallel_loop3A_1137, %parallel_loop3A_1139 : vector<16xf32>
      %parallel_loop3A_1141 = vector.broadcast %parallel_loop3A_1095 : f32 to vector<16xf32>
      %parallel_loop3A_1142 = arith.mulf %parallel_loop3A_1141, %get3A_39 : vector<16xf32>
      %parallel_loop3A_1143 = vector.broadcast %parallel_loop3A_1097 : f32 to vector<16xf32>
      %parallel_loop3A_1144 = arith.mulf %parallel_loop3A_1143, %get3A_45 : vector<16xf32>
      %parallel_loop3A_1145 = arith.addf %parallel_loop3A_1142, %parallel_loop3A_1144 : vector<16xf32>
      %parallel_loop3A_1146 = arith.addf %parallel_loop3A_1140, %parallel_loop3A_1145 : vector<16xf32>
      %parallel_loop3A_1147 = arith.addf %parallel_loop3A_1135, %parallel_loop3A_1146 : vector<16xf32>
      %parallel_loop3A_1148 = arith.index_cast %parallel_loop3A_1081 : i32 to index
      %parallel_loop3A_1149 = arith.constant 0 : index
      %parallel_loop3A_1150 = tpu.vector_load %arg24[%parallel_loop3A_1148, %parallel_loop3A_1149] {strides = array<i32>} : memref<512x32xf32, #tpu.memory_space<vmem>>, vector<1x16xf32>,
      %parallel_loop3A_1151 = vector.shape_cast %parallel_loop3A_1150 : vector<1x16xf32> to vector<16xf32>
      %parallel_loop3A_1152 = vector.shape_cast %parallel_loop3A_1126 : vector<16xf32> to vector<1x16xf32>
      tpu.vector_store %arg24[%parallel_loop3A_1148, %parallel_loop3A_1149], %parallel_loop3A_1152 {strides = array<i32>} : memref<512x32xf32, #tpu.memory_space<vmem>>, vector<1x16xf32>,
      %parallel_loop3A_1153 = arith.index_cast %parallel_loop3A_1081 : i32 to index
      %parallel_loop3A_1154 = arith.constant 16 : index
      %parallel_loop3A_1155 = tpu.vector_load %arg24[%parallel_loop3A_1153, %parallel_loop3A_1154] {strides = array<i32>} : memref<512x32xf32, #tpu.memory_space<vmem>>, vector<1x16xf32>,
      %parallel_loop3A_1156 = vector.shape_cast %parallel_loop3A_1155 : vector<1x16xf32> to vector<16xf32>
      %parallel_loop3A_1157 = vector.shape_cast %parallel_loop3A_1147 : vector<16xf32> to vector<1x16xf32>
      tpu.vector_store %arg24[%parallel_loop3A_1153, %parallel_loop3A_1154], %parallel_loop3A_1157 {strides = array<i32>} : memref<512x32xf32, #tpu.memory_space<vmem>>, vector<1x16xf32>,
      %parallel_loop3A_1158 = arith.constant 16 : i32
      %parallel_loop3A_1159 = arith.muli %parallel_loop3A_853, %parallel_loop3A_1158 : i32
      %parallel_loop3A_1160 = arith.constant 3 : i32
      %parallel_loop3A_1161 = arith.addi %parallel_loop3A_1159, %parallel_loop3A_1160 : i32
      %parallel_loop3A_1162 = vector.extract_strided_slice %parallel_loop3A_875 {offsets = [3], sizes = [1], strides = [1]} : vector<16xi32> to vector<1xi32>
      %parallel_loop3A_1163 = vector.extract %parallel_loop3A_1162[0] : i32 from vector<1xi32>
      %parallel_loop3A_1164 = vector.extract_strided_slice %parallel_loop3A_868 {offsets = [3], sizes = [1], strides = [1]} : vector<16xf32> to vector<1xf32>
      %parallel_loop3A_1165 = vector.extract %parallel_loop3A_1164[0] : f32 from vector<1xf32>
      %parallel_loop3A_1166 = vector.extract_strided_slice %parallel_loop3A_889 {offsets = [2], sizes = [1], strides = [1]} : vector<16xf32> to vector<1xf32>
      %parallel_loop3A_1167 = vector.extract %parallel_loop3A_1166[0] : f32 from vector<1xf32>
      %parallel_loop3A_1168 = vector.extract_strided_slice %parallel_loop3A_889 {offsets = [3], sizes = [1], strides = [1]} : vector<16xf32> to vector<1xf32>
      %parallel_loop3A_1169 = vector.extract %parallel_loop3A_1168[0] : f32 from vector<1xf32>
      %parallel_loop3A_1170 = vector.extract_strided_slice %parallel_loop3A_889 {offsets = [4], sizes = [1], strides = [1]} : vector<16xf32> to vector<1xf32>
      %parallel_loop3A_1171 = vector.extract %parallel_loop3A_1170[0] : f32 from vector<1xf32>
      %parallel_loop3A_1172 = vector.extract_strided_slice %parallel_loop3A_889 {offsets = [5], sizes = [1], strides = [1]} : vector<16xf32> to vector<1xf32>
      %parallel_loop3A_1173 = vector.extract %parallel_loop3A_1172[0] : f32 from vector<1xf32>
      %parallel_loop3A_1174 = vector.extract_strided_slice %parallel_loop3A_889 {offsets = [6], sizes = [1], strides = [1]} : vector<16xf32> to vector<1xf32>
      %parallel_loop3A_1175 = vector.extract %parallel_loop3A_1174[0] : f32 from vector<1xf32>
      %parallel_loop3A_1176 = vector.extract_strided_slice %parallel_loop3A_889 {offsets = [7], sizes = [1], strides = [1]} : vector<16xf32> to vector<1xf32>
      %parallel_loop3A_1177 = vector.extract %parallel_loop3A_1176[0] : f32 from vector<1xf32>
      %parallel_loop3A_1178 = arith.index_cast %parallel_loop3A_1163 : i32 to index
      %parallel_loop3A_1179 = tpu.vector_load %arg17[%parallel_loop3A_1178] {strides = array<i32>} : memref<1152xf32, #tpu.memory_space<vmem>>, vector<16xf32>,
      %parallel_loop3A_1180 = vector.shape_cast %parallel_loop3A_1179 : vector<16xf32> to vector<16xf32>
      %parallel_loop3A_1181 = arith.constant 16 : i32
      %parallel_loop3A_1182 = arith.addi %parallel_loop3A_1163, %parallel_loop3A_1181 : i32
      %parallel_loop3A_1183 = arith.index_cast %parallel_loop3A_1182 : i32 to index
      %parallel_loop3A_1184 = tpu.vector_load %arg17[%parallel_loop3A_1183] {strides = array<i32>} : memref<1152xf32, #tpu.memory_space<vmem>>, vector<16xf32>,
      %parallel_loop3A_1185 = vector.shape_cast %parallel_loop3A_1184 : vector<16xf32> to vector<16xf32>
      %parallel_loop3A_1186 = vector.broadcast %parallel_loop3A_1165 : f32 to vector<16xf32>
      %parallel_loop3A_1187 = arith.mulf %parallel_loop3A_1186, %get3A_6 : vector<16xf32>
      %parallel_loop3A_1188 = arith.addf %parallel_loop3A_1180, %parallel_loop3A_1187 : vector<16xf32>
      %parallel_loop3A_1189 = vector.broadcast %parallel_loop3A_1167 : f32 to vector<16xf32>
      %parallel_loop3A_1190 = arith.mulf %parallel_loop3A_1189, %get3A_12 : vector<16xf32>
      %parallel_loop3A_1191 = vector.broadcast %parallel_loop3A_1169 : f32 to vector<16xf32>
      %parallel_loop3A_1192 = arith.mulf %parallel_loop3A_1191, %get3A_18 : vector<16xf32>
      %parallel_loop3A_1193 = arith.addf %parallel_loop3A_1190, %parallel_loop3A_1192 : vector<16xf32>
      %parallel_loop3A_1194 = arith.addf %parallel_loop3A_1188, %parallel_loop3A_1193 : vector<16xf32>
      %parallel_loop3A_1195 = vector.broadcast %parallel_loop3A_1171 : f32 to vector<16xf32>
      %parallel_loop3A_1196 = arith.mulf %parallel_loop3A_1195, %get3A_24 : vector<16xf32>
      %parallel_loop3A_1197 = vector.broadcast %parallel_loop3A_1173 : f32 to vector<16xf32>
      %parallel_loop3A_1198 = arith.mulf %parallel_loop3A_1197, %get3A_30 : vector<16xf32>
      %parallel_loop3A_1199 = arith.addf %parallel_loop3A_1196, %parallel_loop3A_1198 : vector<16xf32>
      %parallel_loop3A_1200 = vector.broadcast %parallel_loop3A_1175 : f32 to vector<16xf32>
      %parallel_loop3A_1201 = arith.mulf %parallel_loop3A_1200, %get3A_36 : vector<16xf32>
      %parallel_loop3A_1202 = vector.broadcast %parallel_loop3A_1177 : f32 to vector<16xf32>
      %parallel_loop3A_1203 = arith.mulf %parallel_loop3A_1202, %get3A_42 : vector<16xf32>
      %parallel_loop3A_1204 = arith.addf %parallel_loop3A_1201, %parallel_loop3A_1203 : vector<16xf32>
      %parallel_loop3A_1205 = arith.addf %parallel_loop3A_1199, %parallel_loop3A_1204 : vector<16xf32>
      %parallel_loop3A_1206 = arith.addf %parallel_loop3A_1194, %parallel_loop3A_1205 : vector<16xf32>
      %parallel_loop3A_1207 = vector.broadcast %parallel_loop3A_1165 : f32 to vector<16xf32>
      %parallel_loop3A_1208 = arith.mulf %parallel_loop3A_1207, %get3A_9 : vector<16xf32>
      %parallel_loop3A_1209 = arith.addf %parallel_loop3A_1185, %parallel_loop3A_1208 : vector<16xf32>
      %parallel_loop3A_1210 = vector.broadcast %parallel_loop3A_1167 : f32 to vector<16xf32>
      %parallel_loop3A_1211 = arith.mulf %parallel_loop3A_1210, %get3A_15 : vector<16xf32>
      %parallel_loop3A_1212 = vector.broadcast %parallel_loop3A_1169 : f32 to vector<16xf32>
      %parallel_loop3A_1213 = arith.mulf %parallel_loop3A_1212, %get3A_21 : vector<16xf32>
      %parallel_loop3A_1214 = arith.addf %parallel_loop3A_1211, %parallel_loop3A_1213 : vector<16xf32>
      %parallel_loop3A_1215 = arith.addf %parallel_loop3A_1209, %parallel_loop3A_1214 : vector<16xf32>
      %parallel_loop3A_1216 = vector.broadcast %parallel_loop3A_1171 : f32 to vector<16xf32>
      %parallel_loop3A_1217 = arith.mulf %parallel_loop3A_1216, %get3A_27 : vector<16xf32>
      %parallel_loop3A_1218 = vector.broadcast %parallel_loop3A_1173 : f32 to vector<16xf32>
      %parallel_loop3A_1219 = arith.mulf %parallel_loop3A_1218, %get3A_33 : vector<16xf32>
      %parallel_loop3A_1220 = arith.addf %parallel_loop3A_1217, %parallel_loop3A_1219 : vector<16xf32>
      %parallel_loop3A_1221 = vector.broadcast %parallel_loop3A_1175 : f32 to vector<16xf32>
      %parallel_loop3A_1222 = arith.mulf %parallel_loop3A_1221, %get3A_39 : vector<16xf32>
      %parallel_loop3A_1223 = vector.broadcast %parallel_loop3A_1177 : f32 to vector<16xf32>
      %parallel_loop3A_1224 = arith.mulf %parallel_loop3A_1223, %get3A_45 : vector<16xf32>
      %parallel_loop3A_1225 = arith.addf %parallel_loop3A_1222, %parallel_loop3A_1224 : vector<16xf32>
      %parallel_loop3A_1226 = arith.addf %parallel_loop3A_1220, %parallel_loop3A_1225 : vector<16xf32>
      %parallel_loop3A_1227 = arith.addf %parallel_loop3A_1215, %parallel_loop3A_1226 : vector<16xf32>
      %parallel_loop3A_1228 = arith.index_cast %parallel_loop3A_1161 : i32 to index
      %parallel_loop3A_1229 = arith.constant 0 : index
      %parallel_loop3A_1230 = tpu.vector_load %arg24[%parallel_loop3A_1228, %parallel_loop3A_1229] {strides = array<i32>} : memref<512x32xf32, #tpu.memory_space<vmem>>, vector<1x16xf32>,
      %parallel_loop3A_1231 = vector.shape_cast %parallel_loop3A_1230 : vector<1x16xf32> to vector<16xf32>
      %parallel_loop3A_1232 = vector.shape_cast %parallel_loop3A_1206 : vector<16xf32> to vector<1x16xf32>
      tpu.vector_store %arg24[%parallel_loop3A_1228, %parallel_loop3A_1229], %parallel_loop3A_1232 {strides = array<i32>} : memref<512x32xf32, #tpu.memory_space<vmem>>, vector<1x16xf32>,
      %parallel_loop3A_1233 = arith.index_cast %parallel_loop3A_1161 : i32 to index
      %parallel_loop3A_1234 = arith.constant 16 : index
      %parallel_loop3A_1235 = tpu.vector_load %arg24[%parallel_loop3A_1233, %parallel_loop3A_1234] {strides = array<i32>} : memref<512x32xf32, #tpu.memory_space<vmem>>, vector<1x16xf32>,
      %parallel_loop3A_1236 = vector.shape_cast %parallel_loop3A_1235 : vector<1x16xf32> to vector<16xf32>
      %parallel_loop3A_1237 = vector.shape_cast %parallel_loop3A_1227 : vector<16xf32> to vector<1x16xf32>
      tpu.vector_store %arg24[%parallel_loop3A_1233, %parallel_loop3A_1234], %parallel_loop3A_1237 {strides = array<i32>} : memref<512x32xf32, #tpu.memory_space<vmem>>, vector<1x16xf32>,
      %parallel_loop3A_1238 = arith.constant 16 : i32
      %parallel_loop3A_1239 = arith.muli %parallel_loop3A_853, %parallel_loop3A_1238 : i32
      %parallel_loop3A_1240 = arith.constant 4 : i32
      %parallel_loop3A_1241 = arith.addi %parallel_loop3A_1239, %parallel_loop3A_1240 : i32
      %parallel_loop3A_1242 = vector.extract_strided_slice %parallel_loop3A_875 {offsets = [4], sizes = [1], strides = [1]} : vector<16xi32> to vector<1xi32>
      %parallel_loop3A_1243 = vector.extract %parallel_loop3A_1242[0] : i32 from vector<1xi32>
      %parallel_loop3A_1244 = vector.extract_strided_slice %parallel_loop3A_868 {offsets = [4], sizes = [1], strides = [1]} : vector<16xf32> to vector<1xf32>
      %parallel_loop3A_1245 = vector.extract %parallel_loop3A_1244[0] : f32 from vector<1xf32>
      %parallel_loop3A_1246 = vector.extract_strided_slice %parallel_loop3A_889 {offsets = [8], sizes = [1], strides = [1]} : vector<16xf32> to vector<1xf32>
      %parallel_loop3A_1247 = vector.extract %parallel_loop3A_1246[0] : f32 from vector<1xf32>
      %parallel_loop3A_1248 = vector.extract_strided_slice %parallel_loop3A_889 {offsets = [9], sizes = [1], strides = [1]} : vector<16xf32> to vector<1xf32>
      %parallel_loop3A_1249 = vector.extract %parallel_loop3A_1248[0] : f32 from vector<1xf32>
      %parallel_loop3A_1250 = vector.extract_strided_slice %parallel_loop3A_889 {offsets = [10], sizes = [1], strides = [1]} : vector<16xf32> to vector<1xf32>
      %parallel_loop3A_1251 = vector.extract %parallel_loop3A_1250[0] : f32 from vector<1xf32>
      %parallel_loop3A_1252 = vector.extract_strided_slice %parallel_loop3A_889 {offsets = [11], sizes = [1], strides = [1]} : vector<16xf32> to vector<1xf32>
      %parallel_loop3A_1253 = vector.extract %parallel_loop3A_1252[0] : f32 from vector<1xf32>
      %parallel_loop3A_1254 = vector.extract_strided_slice %parallel_loop3A_889 {offsets = [12], sizes = [1], strides = [1]} : vector<16xf32> to vector<1xf32>
      %parallel_loop3A_1255 = vector.extract %parallel_loop3A_1254[0] : f32 from vector<1xf32>
      %parallel_loop3A_1256 = vector.extract_strided_slice %parallel_loop3A_889 {offsets = [13], sizes = [1], strides = [1]} : vector<16xf32> to vector<1xf32>
      %parallel_loop3A_1257 = vector.extract %parallel_loop3A_1256[0] : f32 from vector<1xf32>
      %parallel_loop3A_1258 = arith.index_cast %parallel_loop3A_1243 : i32 to index
      %parallel_loop3A_1259 = tpu.vector_load %arg17[%parallel_loop3A_1258] {strides = array<i32>} : memref<1152xf32, #tpu.memory_space<vmem>>, vector<16xf32>,
      %parallel_loop3A_1260 = vector.shape_cast %parallel_loop3A_1259 : vector<16xf32> to vector<16xf32>
      %parallel_loop3A_1261 = arith.constant 16 : i32
      %parallel_loop3A_1262 = arith.addi %parallel_loop3A_1243, %parallel_loop3A_1261 : i32
      %parallel_loop3A_1263 = arith.index_cast %parallel_loop3A_1262 : i32 to index
      %parallel_loop3A_1264 = tpu.vector_load %arg17[%parallel_loop3A_1263] {strides = array<i32>} : memref<1152xf32, #tpu.memory_space<vmem>>, vector<16xf32>,
      %parallel_loop3A_1265 = vector.shape_cast %parallel_loop3A_1264 : vector<16xf32> to vector<16xf32>
      %parallel_loop3A_1266 = vector.broadcast %parallel_loop3A_1245 : f32 to vector<16xf32>
      %parallel_loop3A_1267 = arith.mulf %parallel_loop3A_1266, %get3A_6 : vector<16xf32>
      %parallel_loop3A_1268 = arith.addf %parallel_loop3A_1260, %parallel_loop3A_1267 : vector<16xf32>
      %parallel_loop3A_1269 = vector.broadcast %parallel_loop3A_1247 : f32 to vector<16xf32>
      %parallel_loop3A_1270 = arith.mulf %parallel_loop3A_1269, %get3A_12 : vector<16xf32>
      %parallel_loop3A_1271 = vector.broadcast %parallel_loop3A_1249 : f32 to vector<16xf32>
      %parallel_loop3A_1272 = arith.mulf %parallel_loop3A_1271, %get3A_18 : vector<16xf32>
      %parallel_loop3A_1273 = arith.addf %parallel_loop3A_1270, %parallel_loop3A_1272 : vector<16xf32>
      %parallel_loop3A_1274 = arith.addf %parallel_loop3A_1268, %parallel_loop3A_1273 : vector<16xf32>
      %parallel_loop3A_1275 = vector.broadcast %parallel_loop3A_1251 : f32 to vector<16xf32>
      %parallel_loop3A_1276 = arith.mulf %parallel_loop3A_1275, %get3A_24 : vector<16xf32>
      %parallel_loop3A_1277 = vector.broadcast %parallel_loop3A_1253 : f32 to vector<16xf32>
      %parallel_loop3A_1278 = arith.mulf %parallel_loop3A_1277, %get3A_30 : vector<16xf32>
      %parallel_loop3A_1279 = arith.addf %parallel_loop3A_1276, %parallel_loop3A_1278 : vector<16xf32>
      %parallel_loop3A_1280 = vector.broadcast %parallel_loop3A_1255 : f32 to vector<16xf32>
      %parallel_loop3A_1281 = arith.mulf %parallel_loop3A_1280, %get3A_36 : vector<16xf32>
      %parallel_loop3A_1282 = vector.broadcast %parallel_loop3A_1257 : f32 to vector<16xf32>
      %parallel_loop3A_1283 = arith.mulf %parallel_loop3A_1282, %get3A_42 : vector<16xf32>
      %parallel_loop3A_1284 = arith.addf %parallel_loop3A_1281, %parallel_loop3A_1283 : vector<16xf32>
      %parallel_loop3A_1285 = arith.addf %parallel_loop3A_1279, %parallel_loop3A_1284 : vector<16xf32>
      %parallel_loop3A_1286 = arith.addf %parallel_loop3A_1274, %parallel_loop3A_1285 : vector<16xf32>
      %parallel_loop3A_1287 = vector.broadcast %parallel_loop3A_1245 : f32 to vector<16xf32>
      %parallel_loop3A_1288 = arith.mulf %parallel_loop3A_1287, %get3A_9 : vector<16xf32>
      %parallel_loop3A_1289 = arith.addf %parallel_loop3A_1265, %parallel_loop3A_1288 : vector<16xf32>
      %parallel_loop3A_1290 = vector.broadcast %parallel_loop3A_1247 : f32 to vector<16xf32>
      %parallel_loop3A_1291 = arith.mulf %parallel_loop3A_1290, %get3A_15 : vector<16xf32>
      %parallel_loop3A_1292 = vector.broadcast %parallel_loop3A_1249 : f32 to vector<16xf32>
      %parallel_loop3A_1293 = arith.mulf %parallel_loop3A_1292, %get3A_21 : vector<16xf32>
      %parallel_loop3A_1294 = arith.addf %parallel_loop3A_1291, %parallel_loop3A_1293 : vector<16xf32>
      %parallel_loop3A_1295 = arith.addf %parallel_loop3A_1289, %parallel_loop3A_1294 : vector<16xf32>
      %parallel_loop3A_1296 = vector.broadcast %parallel_loop3A_1251 : f32 to vector<16xf32>
      %parallel_loop3A_1297 = arith.mulf %parallel_loop3A_1296, %get3A_27 : vector<16xf32>
      %parallel_loop3A_1298 = vector.broadcast %parallel_loop3A_1253 : f32 to vector<16xf32>
      %parallel_loop3A_1299 = arith.mulf %parallel_loop3A_1298, %get3A_33 : vector<16xf32>
      %parallel_loop3A_1300 = arith.addf %parallel_loop3A_1297, %parallel_loop3A_1299 : vector<16xf32>
      %parallel_loop3A_1301 = vector.broadcast %parallel_loop3A_1255 : f32 to vector<16xf32>
      %parallel_loop3A_1302 = arith.mulf %parallel_loop3A_1301, %get3A_39 : vector<16xf32>
      %parallel_loop3A_1303 = vector.broadcast %parallel_loop3A_1257 : f32 to vector<16xf32>
      %parallel_loop3A_1304 = arith.mulf %parallel_loop3A_1303, %get3A_45 : vector<16xf32>
      %parallel_loop3A_1305 = arith.addf %parallel_loop3A_1302, %parallel_loop3A_1304 : vector<16xf32>
      %parallel_loop3A_1306 = arith.addf %parallel_loop3A_1300, %parallel_loop3A_1305 : vector<16xf32>
      %parallel_loop3A_1307 = arith.addf %parallel_loop3A_1295, %parallel_loop3A_1306 : vector<16xf32>
      %parallel_loop3A_1308 = arith.index_cast %parallel_loop3A_1241 : i32 to index
      %parallel_loop3A_1309 = arith.constant 0 : index
      %parallel_loop3A_1310 = tpu.vector_load %arg24[%parallel_loop3A_1308, %parallel_loop3A_1309] {strides = array<i32>} : memref<512x32xf32, #tpu.memory_space<vmem>>, vector<1x16xf32>,
      %parallel_loop3A_1311 = vector.shape_cast %parallel_loop3A_1310 : vector<1x16xf32> to vector<16xf32>
      %parallel_loop3A_1312 = vector.shape_cast %parallel_loop3A_1286 : vector<16xf32> to vector<1x16xf32>
      tpu.vector_store %arg24[%parallel_loop3A_1308, %parallel_loop3A_1309], %parallel_loop3A_1312 {strides = array<i32>} : memref<512x32xf32, #tpu.memory_space<vmem>>, vector<1x16xf32>,
      %parallel_loop3A_1313 = arith.index_cast %parallel_loop3A_1241 : i32 to index
      %parallel_loop3A_1314 = arith.constant 16 : index
      %parallel_loop3A_1315 = tpu.vector_load %arg24[%parallel_loop3A_1313, %parallel_loop3A_1314] {strides = array<i32>} : memref<512x32xf32, #tpu.memory_space<vmem>>, vector<1x16xf32>,
      %parallel_loop3A_1316 = vector.shape_cast %parallel_loop3A_1315 : vector<1x16xf32> to vector<16xf32>
      %parallel_loop3A_1317 = vector.shape_cast %parallel_loop3A_1307 : vector<16xf32> to vector<1x16xf32>
      tpu.vector_store %arg24[%parallel_loop3A_1313, %parallel_loop3A_1314], %parallel_loop3A_1317 {strides = array<i32>} : memref<512x32xf32, #tpu.memory_space<vmem>>, vector<1x16xf32>,
      %parallel_loop3A_1318 = arith.constant 16 : i32
      %parallel_loop3A_1319 = arith.muli %parallel_loop3A_853, %parallel_loop3A_1318 : i32
      %parallel_loop3A_1320 = arith.constant 5 : i32
      %parallel_loop3A_1321 = arith.addi %parallel_loop3A_1319, %parallel_loop3A_1320 : i32
      %parallel_loop3A_1322 = vector.extract_strided_slice %parallel_loop3A_875 {offsets = [5], sizes = [1], strides = [1]} : vector<16xi32> to vector<1xi32>
      %parallel_loop3A_1323 = vector.extract %parallel_loop3A_1322[0] : i32 from vector<1xi32>
      %parallel_loop3A_1324 = vector.extract_strided_slice %parallel_loop3A_868 {offsets = [5], sizes = [1], strides = [1]} : vector<16xf32> to vector<1xf32>
      %parallel_loop3A_1325 = vector.extract %parallel_loop3A_1324[0] : f32 from vector<1xf32>
      %parallel_loop3A_1326 = vector.extract_strided_slice %parallel_loop3A_889 {offsets = [14], sizes = [1], strides = [1]} : vector<16xf32> to vector<1xf32>
      %parallel_loop3A_1327 = vector.extract %parallel_loop3A_1326[0] : f32 from vector<1xf32>
      %parallel_loop3A_1328 = vector.extract_strided_slice %parallel_loop3A_889 {offsets = [15], sizes = [1], strides = [1]} : vector<16xf32> to vector<1xf32>
      %parallel_loop3A_1329 = vector.extract %parallel_loop3A_1328[0] : f32 from vector<1xf32>
      %parallel_loop3A_1330 = vector.extract_strided_slice %parallel_loop3A_896 {offsets = [0], sizes = [1], strides = [1]} : vector<16xf32> to vector<1xf32>
      %parallel_loop3A_1331 = vector.extract %parallel_loop3A_1330[0] : f32 from vector<1xf32>
      %parallel_loop3A_1332 = vector.extract_strided_slice %parallel_loop3A_896 {offsets = [1], sizes = [1], strides = [1]} : vector<16xf32> to vector<1xf32>
      %parallel_loop3A_1333 = vector.extract %parallel_loop3A_1332[0] : f32 from vector<1xf32>
      %parallel_loop3A_1334 = vector.extract_strided_slice %parallel_loop3A_896 {offsets = [2], sizes = [1], strides = [1]} : vector<16xf32> to vector<1xf32>
      %parallel_loop3A_1335 = vector.extract %parallel_loop3A_1334[0] : f32 from vector<1xf32>
      %parallel_loop3A_1336 = vector.extract_strided_slice %parallel_loop3A_896 {offsets = [3], sizes = [1], strides = [1]} : vector<16xf32> to vector<1xf32>
      %parallel_loop3A_1337 = vector.extract %parallel_loop3A_1336[0] : f32 from vector<1xf32>
      %parallel_loop3A_1338 = arith.index_cast %parallel_loop3A_1323 : i32 to index
      %parallel_loop3A_1339 = tpu.vector_load %arg17[%parallel_loop3A_1338] {strides = array<i32>} : memref<1152xf32, #tpu.memory_space<vmem>>, vector<16xf32>,
      %parallel_loop3A_1340 = vector.shape_cast %parallel_loop3A_1339 : vector<16xf32> to vector<16xf32>
      %parallel_loop3A_1341 = arith.constant 16 : i32
      %parallel_loop3A_1342 = arith.addi %parallel_loop3A_1323, %parallel_loop3A_1341 : i32
      %parallel_loop3A_1343 = arith.index_cast %parallel_loop3A_1342 : i32 to index
      %parallel_loop3A_1344 = tpu.vector_load %arg17[%parallel_loop3A_1343] {strides = array<i32>} : memref<1152xf32, #tpu.memory_space<vmem>>, vector<16xf32>,
      %parallel_loop3A_1345 = vector.shape_cast %parallel_loop3A_1344 : vector<16xf32> to vector<16xf32>
      %parallel_loop3A_1346 = vector.broadcast %parallel_loop3A_1325 : f32 to vector<16xf32>
      %parallel_loop3A_1347 = arith.mulf %parallel_loop3A_1346, %get3A_6 : vector<16xf32>
      %parallel_loop3A_1348 = arith.addf %parallel_loop3A_1340, %parallel_loop3A_1347 : vector<16xf32>
      %parallel_loop3A_1349 = vector.broadcast %parallel_loop3A_1327 : f32 to vector<16xf32>
      %parallel_loop3A_1350 = arith.mulf %parallel_loop3A_1349, %get3A_12 : vector<16xf32>
      %parallel_loop3A_1351 = vector.broadcast %parallel_loop3A_1329 : f32 to vector<16xf32>
      %parallel_loop3A_1352 = arith.mulf %parallel_loop3A_1351, %get3A_18 : vector<16xf32>
      %parallel_loop3A_1353 = arith.addf %parallel_loop3A_1350, %parallel_loop3A_1352 : vector<16xf32>
      %parallel_loop3A_1354 = arith.addf %parallel_loop3A_1348, %parallel_loop3A_1353 : vector<16xf32>
      %parallel_loop3A_1355 = vector.broadcast %parallel_loop3A_1331 : f32 to vector<16xf32>
      %parallel_loop3A_1356 = arith.mulf %parallel_loop3A_1355, %get3A_24 : vector<16xf32>
      %parallel_loop3A_1357 = vector.broadcast %parallel_loop3A_1333 : f32 to vector<16xf32>
      %parallel_loop3A_1358 = arith.mulf %parallel_loop3A_1357, %get3A_30 : vector<16xf32>
      %parallel_loop3A_1359 = arith.addf %parallel_loop3A_1356, %parallel_loop3A_1358 : vector<16xf32>
      %parallel_loop3A_1360 = vector.broadcast %parallel_loop3A_1335 : f32 to vector<16xf32>
      %parallel_loop3A_1361 = arith.mulf %parallel_loop3A_1360, %get3A_36 : vector<16xf32>
      %parallel_loop3A_1362 = vector.broadcast %parallel_loop3A_1337 : f32 to vector<16xf32>
      %parallel_loop3A_1363 = arith.mulf %parallel_loop3A_1362, %get3A_42 : vector<16xf32>
      %parallel_loop3A_1364 = arith.addf %parallel_loop3A_1361, %parallel_loop3A_1363 : vector<16xf32>
      %parallel_loop3A_1365 = arith.addf %parallel_loop3A_1359, %parallel_loop3A_1364 : vector<16xf32>
      %parallel_loop3A_1366 = arith.addf %parallel_loop3A_1354, %parallel_loop3A_1365 : vector<16xf32>
      %parallel_loop3A_1367 = vector.broadcast %parallel_loop3A_1325 : f32 to vector<16xf32>
      %parallel_loop3A_1368 = arith.mulf %parallel_loop3A_1367, %get3A_9 : vector<16xf32>
      %parallel_loop3A_1369 = arith.addf %parallel_loop3A_1345, %parallel_loop3A_1368 : vector<16xf32>
      %parallel_loop3A_1370 = vector.broadcast %parallel_loop3A_1327 : f32 to vector<16xf32>
      %parallel_loop3A_1371 = arith.mulf %parallel_loop3A_1370, %get3A_15 : vector<16xf32>
      %parallel_loop3A_1372 = vector.broadcast %parallel_loop3A_1329 : f32 to vector<16xf32>
      %parallel_loop3A_1373 = arith.mulf %parallel_loop3A_1372, %get3A_21 : vector<16xf32>
      %parallel_loop3A_1374 = arith.addf %parallel_loop3A_1371, %parallel_loop3A_1373 : vector<16xf32>
      %parallel_loop3A_1375 = arith.addf %parallel_loop3A_1369, %parallel_loop3A_1374 : vector<16xf32>
      %parallel_loop3A_1376 = vector.broadcast %parallel_loop3A_1331 : f32 to vector<16xf32>
      %parallel_loop3A_1377 = arith.mulf %parallel_loop3A_1376, %get3A_27 : vector<16xf32>
      %parallel_loop3A_1378 = vector.broadcast %parallel_loop3A_1333 : f32 to vector<16xf32>
      %parallel_loop3A_1379 = arith.mulf %parallel_loop3A_1378, %get3A_33 : vector<16xf32>
      %parallel_loop3A_1380 = arith.addf %parallel_loop3A_1377, %parallel_loop3A_1379 : vector<16xf32>
      %parallel_loop3A_1381 = vector.broadcast %parallel_loop3A_1335 : f32 to vector<16xf32>
      %parallel_loop3A_1382 = arith.mulf %parallel_loop3A_1381, %get3A_39 : vector<16xf32>
      %parallel_loop3A_1383 = vector.broadcast %parallel_loop3A_1337 : f32 to vector<16xf32>
      %parallel_loop3A_1384 = arith.mulf %parallel_loop3A_1383, %get3A_45 : vector<16xf32>
      %parallel_loop3A_1385 = arith.addf %parallel_loop3A_1382, %parallel_loop3A_1384 : vector<16xf32>
      %parallel_loop3A_1386 = arith.addf %parallel_loop3A_1380, %parallel_loop3A_1385 : vector<16xf32>
      %parallel_loop3A_1387 = arith.addf %parallel_loop3A_1375, %parallel_loop3A_1386 : vector<16xf32>
      %parallel_loop3A_1388 = arith.index_cast %parallel_loop3A_1321 : i32 to index
      %parallel_loop3A_1389 = arith.constant 0 : index
      %parallel_loop3A_1390 = tpu.vector_load %arg24[%parallel_loop3A_1388, %parallel_loop3A_1389] {strides = array<i32>} : memref<512x32xf32, #tpu.memory_space<vmem>>, vector<1x16xf32>,
      %parallel_loop3A_1391 = vector.shape_cast %parallel_loop3A_1390 : vector<1x16xf32> to vector<16xf32>
      %parallel_loop3A_1392 = vector.shape_cast %parallel_loop3A_1366 : vector<16xf32> to vector<1x16xf32>
      tpu.vector_store %arg24[%parallel_loop3A_1388, %parallel_loop3A_1389], %parallel_loop3A_1392 {strides = array<i32>} : memref<512x32xf32, #tpu.memory_space<vmem>>, vector<1x16xf32>,
      %parallel_loop3A_1393 = arith.index_cast %parallel_loop3A_1321 : i32 to index
      %parallel_loop3A_1394 = arith.constant 16 : index
      %parallel_loop3A_1395 = tpu.vector_load %arg24[%parallel_loop3A_1393, %parallel_loop3A_1394] {strides = array<i32>} : memref<512x32xf32, #tpu.memory_space<vmem>>, vector<1x16xf32>,
      %parallel_loop3A_1396 = vector.shape_cast %parallel_loop3A_1395 : vector<1x16xf32> to vector<16xf32>
      %parallel_loop3A_1397 = vector.shape_cast %parallel_loop3A_1387 : vector<16xf32> to vector<1x16xf32>
      tpu.vector_store %arg24[%parallel_loop3A_1393, %parallel_loop3A_1394], %parallel_loop3A_1397 {strides = array<i32>} : memref<512x32xf32, #tpu.memory_space<vmem>>, vector<1x16xf32>,
      %parallel_loop3A_1398 = arith.constant 16 : i32
      %parallel_loop3A_1399 = arith.muli %parallel_loop3A_853, %parallel_loop3A_1398 : i32
      %parallel_loop3A_1400 = arith.constant 6 : i32
      %parallel_loop3A_1401 = arith.addi %parallel_loop3A_1399, %parallel_loop3A_1400 : i32
      %parallel_loop3A_1402 = vector.extract_strided_slice %parallel_loop3A_875 {offsets = [6], sizes = [1], strides = [1]} : vector<16xi32> to vector<1xi32>
      %parallel_loop3A_1403 = vector.extract %parallel_loop3A_1402[0] : i32 from vector<1xi32>
      %parallel_loop3A_1404 = vector.extract_strided_slice %parallel_loop3A_868 {offsets = [6], sizes = [1], strides = [1]} : vector<16xf32> to vector<1xf32>
      %parallel_loop3A_1405 = vector.extract %parallel_loop3A_1404[0] : f32 from vector<1xf32>
      %parallel_loop3A_1406 = vector.extract_strided_slice %parallel_loop3A_896 {offsets = [4], sizes = [1], strides = [1]} : vector<16xf32> to vector<1xf32>
      %parallel_loop3A_1407 = vector.extract %parallel_loop3A_1406[0] : f32 from vector<1xf32>
      %parallel_loop3A_1408 = vector.extract_strided_slice %parallel_loop3A_896 {offsets = [5], sizes = [1], strides = [1]} : vector<16xf32> to vector<1xf32>
      %parallel_loop3A_1409 = vector.extract %parallel_loop3A_1408[0] : f32 from vector<1xf32>
      %parallel_loop3A_1410 = vector.extract_strided_slice %parallel_loop3A_896 {offsets = [6], sizes = [1], strides = [1]} : vector<16xf32> to vector<1xf32>
      %parallel_loop3A_1411 = vector.extract %parallel_loop3A_1410[0] : f32 from vector<1xf32>
      %parallel_loop3A_1412 = vector.extract_strided_slice %parallel_loop3A_896 {offsets = [7], sizes = [1], strides = [1]} : vector<16xf32> to vector<1xf32>
      %parallel_loop3A_1413 = vector.extract %parallel_loop3A_1412[0] : f32 from vector<1xf32>
      %parallel_loop3A_1414 = vector.extract_strided_slice %parallel_loop3A_896 {offsets = [8], sizes = [1], strides = [1]} : vector<16xf32> to vector<1xf32>
      %parallel_loop3A_1415 = vector.extract %parallel_loop3A_1414[0] : f32 from vector<1xf32>
      %parallel_loop3A_1416 = vector.extract_strided_slice %parallel_loop3A_896 {offsets = [9], sizes = [1], strides = [1]} : vector<16xf32> to vector<1xf32>
      %parallel_loop3A_1417 = vector.extract %parallel_loop3A_1416[0] : f32 from vector<1xf32>
      %parallel_loop3A_1418 = arith.index_cast %parallel_loop3A_1403 : i32 to index
      %parallel_loop3A_1419 = tpu.vector_load %arg17[%parallel_loop3A_1418] {strides = array<i32>} : memref<1152xf32, #tpu.memory_space<vmem>>, vector<16xf32>,
      %parallel_loop3A_1420 = vector.shape_cast %parallel_loop3A_1419 : vector<16xf32> to vector<16xf32>
      %parallel_loop3A_1421 = arith.constant 16 : i32
      %parallel_loop3A_1422 = arith.addi %parallel_loop3A_1403, %parallel_loop3A_1421 : i32
      %parallel_loop3A_1423 = arith.index_cast %parallel_loop3A_1422 : i32 to index
      %parallel_loop3A_1424 = tpu.vector_load %arg17[%parallel_loop3A_1423] {strides = array<i32>} : memref<1152xf32, #tpu.memory_space<vmem>>, vector<16xf32>,
      %parallel_loop3A_1425 = vector.shape_cast %parallel_loop3A_1424 : vector<16xf32> to vector<16xf32>
      %parallel_loop3A_1426 = vector.broadcast %parallel_loop3A_1405 : f32 to vector<16xf32>
      %parallel_loop3A_1427 = arith.mulf %parallel_loop3A_1426, %get3A_6 : vector<16xf32>
      %parallel_loop3A_1428 = arith.addf %parallel_loop3A_1420, %parallel_loop3A_1427 : vector<16xf32>
      %parallel_loop3A_1429 = vector.broadcast %parallel_loop3A_1407 : f32 to vector<16xf32>
      %parallel_loop3A_1430 = arith.mulf %parallel_loop3A_1429, %get3A_12 : vector<16xf32>
      %parallel_loop3A_1431 = vector.broadcast %parallel_loop3A_1409 : f32 to vector<16xf32>
      %parallel_loop3A_1432 = arith.mulf %parallel_loop3A_1431, %get3A_18 : vector<16xf32>
      %parallel_loop3A_1433 = arith.addf %parallel_loop3A_1430, %parallel_loop3A_1432 : vector<16xf32>
      %parallel_loop3A_1434 = arith.addf %parallel_loop3A_1428, %parallel_loop3A_1433 : vector<16xf32>
      %parallel_loop3A_1435 = vector.broadcast %parallel_loop3A_1411 : f32 to vector<16xf32>
      %parallel_loop3A_1436 = arith.mulf %parallel_loop3A_1435, %get3A_24 : vector<16xf32>
      %parallel_loop3A_1437 = vector.broadcast %parallel_loop3A_1413 : f32 to vector<16xf32>
      %parallel_loop3A_1438 = arith.mulf %parallel_loop3A_1437, %get3A_30 : vector<16xf32>
      %parallel_loop3A_1439 = arith.addf %parallel_loop3A_1436, %parallel_loop3A_1438 : vector<16xf32>
      %parallel_loop3A_1440 = vector.broadcast %parallel_loop3A_1415 : f32 to vector<16xf32>
      %parallel_loop3A_1441 = arith.mulf %parallel_loop3A_1440, %get3A_36 : vector<16xf32>
      %parallel_loop3A_1442 = vector.broadcast %parallel_loop3A_1417 : f32 to vector<16xf32>
      %parallel_loop3A_1443 = arith.mulf %parallel_loop3A_1442, %get3A_42 : vector<16xf32>
      %parallel_loop3A_1444 = arith.addf %parallel_loop3A_1441, %parallel_loop3A_1443 : vector<16xf32>
      %parallel_loop3A_1445 = arith.addf %parallel_loop3A_1439, %parallel_loop3A_1444 : vector<16xf32>
      %parallel_loop3A_1446 = arith.addf %parallel_loop3A_1434, %parallel_loop3A_1445 : vector<16xf32>
      %parallel_loop3A_1447 = vector.broadcast %parallel_loop3A_1405 : f32 to vector<16xf32>
      %parallel_loop3A_1448 = arith.mulf %parallel_loop3A_1447, %get3A_9 : vector<16xf32>
      %parallel_loop3A_1449 = arith.addf %parallel_loop3A_1425, %parallel_loop3A_1448 : vector<16xf32>
      %parallel_loop3A_1450 = vector.broadcast %parallel_loop3A_1407 : f32 to vector<16xf32>
      %parallel_loop3A_1451 = arith.mulf %parallel_loop3A_1450, %get3A_15 : vector<16xf32>
      %parallel_loop3A_1452 = vector.broadcast %parallel_loop3A_1409 : f32 to vector<16xf32>
      %parallel_loop3A_1453 = arith.mulf %parallel_loop3A_1452, %get3A_21 : vector<16xf32>
      %parallel_loop3A_1454 = arith.addf %parallel_loop3A_1451, %parallel_loop3A_1453 : vector<16xf32>
      %parallel_loop3A_1455 = arith.addf %parallel_loop3A_1449, %parallel_loop3A_1454 : vector<16xf32>
      %parallel_loop3A_1456 = vector.broadcast %parallel_loop3A_1411 : f32 to vector<16xf32>
      %parallel_loop3A_1457 = arith.mulf %parallel_loop3A_1456, %get3A_27 : vector<16xf32>
      %parallel_loop3A_1458 = vector.broadcast %parallel_loop3A_1413 : f32 to vector<16xf32>
      %parallel_loop3A_1459 = arith.mulf %parallel_loop3A_1458, %get3A_33 : vector<16xf32>
      %parallel_loop3A_1460 = arith.addf %parallel_loop3A_1457, %parallel_loop3A_1459 : vector<16xf32>
      %parallel_loop3A_1461 = vector.broadcast %parallel_loop3A_1415 : f32 to vector<16xf32>
      %parallel_loop3A_1462 = arith.mulf %parallel_loop3A_1461, %get3A_39 : vector<16xf32>
      %parallel_loop3A_1463 = vector.broadcast %parallel_loop3A_1417 : f32 to vector<16xf32>
      %parallel_loop3A_1464 = arith.mulf %parallel_loop3A_1463, %get3A_45 : vector<16xf32>
      %parallel_loop3A_1465 = arith.addf %parallel_loop3A_1462, %parallel_loop3A_1464 : vector<16xf32>
      %parallel_loop3A_1466 = arith.addf %parallel_loop3A_1460, %parallel_loop3A_1465 : vector<16xf32>
      %parallel_loop3A_1467 = arith.addf %parallel_loop3A_1455, %parallel_loop3A_1466 : vector<16xf32>
      %parallel_loop3A_1468 = arith.index_cast %parallel_loop3A_1401 : i32 to index
      %parallel_loop3A_1469 = arith.constant 0 : index
      %parallel_loop3A_1470 = tpu.vector_load %arg24[%parallel_loop3A_1468, %parallel_loop3A_1469] {strides = array<i32>} : memref<512x32xf32, #tpu.memory_space<vmem>>, vector<1x16xf32>,
      %parallel_loop3A_1471 = vector.shape_cast %parallel_loop3A_1470 : vector<1x16xf32> to vector<16xf32>
      %parallel_loop3A_1472 = vector.shape_cast %parallel_loop3A_1446 : vector<16xf32> to vector<1x16xf32>
      tpu.vector_store %arg24[%parallel_loop3A_1468, %parallel_loop3A_1469], %parallel_loop3A_1472 {strides = array<i32>} : memref<512x32xf32, #tpu.memory_space<vmem>>, vector<1x16xf32>,
      %parallel_loop3A_1473 = arith.index_cast %parallel_loop3A_1401 : i32 to index
      %parallel_loop3A_1474 = arith.constant 16 : index
      %parallel_loop3A_1475 = tpu.vector_load %arg24[%parallel_loop3A_1473, %parallel_loop3A_1474] {strides = array<i32>} : memref<512x32xf32, #tpu.memory_space<vmem>>, vector<1x16xf32>,
      %parallel_loop3A_1476 = vector.shape_cast %parallel_loop3A_1475 : vector<1x16xf32> to vector<16xf32>
      %parallel_loop3A_1477 = vector.shape_cast %parallel_loop3A_1467 : vector<16xf32> to vector<1x16xf32>
      tpu.vector_store %arg24[%parallel_loop3A_1473, %parallel_loop3A_1474], %parallel_loop3A_1477 {strides = array<i32>} : memref<512x32xf32, #tpu.memory_space<vmem>>, vector<1x16xf32>,
      %parallel_loop3A_1478 = arith.constant 16 : i32
      %parallel_loop3A_1479 = arith.muli %parallel_loop3A_853, %parallel_loop3A_1478 : i32
      %parallel_loop3A_1480 = arith.constant 7 : i32
      %parallel_loop3A_1481 = arith.addi %parallel_loop3A_1479, %parallel_loop3A_1480 : i32
      %parallel_loop3A_1482 = vector.extract_strided_slice %parallel_loop3A_875 {offsets = [7], sizes = [1], strides = [1]} : vector<16xi32> to vector<1xi32>
      %parallel_loop3A_1483 = vector.extract %parallel_loop3A_1482[0] : i32 from vector<1xi32>
      %parallel_loop3A_1484 = vector.extract_strided_slice %parallel_loop3A_868 {offsets = [7], sizes = [1], strides = [1]} : vector<16xf32> to vector<1xf32>
      %parallel_loop3A_1485 = vector.extract %parallel_loop3A_1484[0] : f32 from vector<1xf32>
      %parallel_loop3A_1486 = vector.extract_strided_slice %parallel_loop3A_896 {offsets = [10], sizes = [1], strides = [1]} : vector<16xf32> to vector<1xf32>
      %parallel_loop3A_1487 = vector.extract %parallel_loop3A_1486[0] : f32 from vector<1xf32>
      %parallel_loop3A_1488 = vector.extract_strided_slice %parallel_loop3A_896 {offsets = [11], sizes = [1], strides = [1]} : vector<16xf32> to vector<1xf32>
      %parallel_loop3A_1489 = vector.extract %parallel_loop3A_1488[0] : f32 from vector<1xf32>
      %parallel_loop3A_1490 = vector.extract_strided_slice %parallel_loop3A_896 {offsets = [12], sizes = [1], strides = [1]} : vector<16xf32> to vector<1xf32>
      %parallel_loop3A_1491 = vector.extract %parallel_loop3A_1490[0] : f32 from vector<1xf32>
      %parallel_loop3A_1492 = vector.extract_strided_slice %parallel_loop3A_896 {offsets = [13], sizes = [1], strides = [1]} : vector<16xf32> to vector<1xf32>
      %parallel_loop3A_1493 = vector.extract %parallel_loop3A_1492[0] : f32 from vector<1xf32>
      %parallel_loop3A_1494 = vector.extract_strided_slice %parallel_loop3A_896 {offsets = [14], sizes = [1], strides = [1]} : vector<16xf32> to vector<1xf32>
      %parallel_loop3A_1495 = vector.extract %parallel_loop3A_1494[0] : f32 from vector<1xf32>
      %parallel_loop3A_1496 = vector.extract_strided_slice %parallel_loop3A_896 {offsets = [15], sizes = [1], strides = [1]} : vector<16xf32> to vector<1xf32>
      %parallel_loop3A_1497 = vector.extract %parallel_loop3A_1496[0] : f32 from vector<1xf32>
      %parallel_loop3A_1498 = arith.index_cast %parallel_loop3A_1483 : i32 to index
      %parallel_loop3A_1499 = tpu.vector_load %arg17[%parallel_loop3A_1498] {strides = array<i32>} : memref<1152xf32, #tpu.memory_space<vmem>>, vector<16xf32>,
      %parallel_loop3A_1500 = vector.shape_cast %parallel_loop3A_1499 : vector<16xf32> to vector<16xf32>
      %parallel_loop3A_1501 = arith.constant 16 : i32
      %parallel_loop3A_1502 = arith.addi %parallel_loop3A_1483, %parallel_loop3A_1501 : i32
      %parallel_loop3A_1503 = arith.index_cast %parallel_loop3A_1502 : i32 to index
      %parallel_loop3A_1504 = tpu.vector_load %arg17[%parallel_loop3A_1503] {strides = array<i32>} : memref<1152xf32, #tpu.memory_space<vmem>>, vector<16xf32>,
      %parallel_loop3A_1505 = vector.shape_cast %parallel_loop3A_1504 : vector<16xf32> to vector<16xf32>
      %parallel_loop3A_1506 = vector.broadcast %parallel_loop3A_1485 : f32 to vector<16xf32>
      %parallel_loop3A_1507 = arith.mulf %parallel_loop3A_1506, %get3A_6 : vector<16xf32>
      %parallel_loop3A_1508 = arith.addf %parallel_loop3A_1500, %parallel_loop3A_1507 : vector<16xf32>
      %parallel_loop3A_1509 = vector.broadcast %parallel_loop3A_1487 : f32 to vector<16xf32>
      %parallel_loop3A_1510 = arith.mulf %parallel_loop3A_1509, %get3A_12 : vector<16xf32>
      %parallel_loop3A_1511 = vector.broadcast %parallel_loop3A_1489 : f32 to vector<16xf32>
      %parallel_loop3A_1512 = arith.mulf %parallel_loop3A_1511, %get3A_18 : vector<16xf32>
      %parallel_loop3A_1513 = arith.addf %parallel_loop3A_1510, %parallel_loop3A_1512 : vector<16xf32>
      %parallel_loop3A_1514 = arith.addf %parallel_loop3A_1508, %parallel_loop3A_1513 : vector<16xf32>
      %parallel_loop3A_1515 = vector.broadcast %parallel_loop3A_1491 : f32 to vector<16xf32>
      %parallel_loop3A_1516 = arith.mulf %parallel_loop3A_1515, %get3A_24 : vector<16xf32>
      %parallel_loop3A_1517 = vector.broadcast %parallel_loop3A_1493 : f32 to vector<16xf32>
      %parallel_loop3A_1518 = arith.mulf %parallel_loop3A_1517, %get3A_30 : vector<16xf32>
      %parallel_loop3A_1519 = arith.addf %parallel_loop3A_1516, %parallel_loop3A_1518 : vector<16xf32>
      %parallel_loop3A_1520 = vector.broadcast %parallel_loop3A_1495 : f32 to vector<16xf32>
      %parallel_loop3A_1521 = arith.mulf %parallel_loop3A_1520, %get3A_36 : vector<16xf32>
      %parallel_loop3A_1522 = vector.broadcast %parallel_loop3A_1497 : f32 to vector<16xf32>
      %parallel_loop3A_1523 = arith.mulf %parallel_loop3A_1522, %get3A_42 : vector<16xf32>
      %parallel_loop3A_1524 = arith.addf %parallel_loop3A_1521, %parallel_loop3A_1523 : vector<16xf32>
      %parallel_loop3A_1525 = arith.addf %parallel_loop3A_1519, %parallel_loop3A_1524 : vector<16xf32>
      %parallel_loop3A_1526 = arith.addf %parallel_loop3A_1514, %parallel_loop3A_1525 : vector<16xf32>
      %parallel_loop3A_1527 = vector.broadcast %parallel_loop3A_1485 : f32 to vector<16xf32>
      %parallel_loop3A_1528 = arith.mulf %parallel_loop3A_1527, %get3A_9 : vector<16xf32>
      %parallel_loop3A_1529 = arith.addf %parallel_loop3A_1505, %parallel_loop3A_1528 : vector<16xf32>
      %parallel_loop3A_1530 = vector.broadcast %parallel_loop3A_1487 : f32 to vector<16xf32>
      %parallel_loop3A_1531 = arith.mulf %parallel_loop3A_1530, %get3A_15 : vector<16xf32>
      %parallel_loop3A_1532 = vector.broadcast %parallel_loop3A_1489 : f32 to vector<16xf32>
      %parallel_loop3A_1533 = arith.mulf %parallel_loop3A_1532, %get3A_21 : vector<16xf32>
      %parallel_loop3A_1534 = arith.addf %parallel_loop3A_1531, %parallel_loop3A_1533 : vector<16xf32>
      %parallel_loop3A_1535 = arith.addf %parallel_loop3A_1529, %parallel_loop3A_1534 : vector<16xf32>
      %parallel_loop3A_1536 = vector.broadcast %parallel_loop3A_1491 : f32 to vector<16xf32>
      %parallel_loop3A_1537 = arith.mulf %parallel_loop3A_1536, %get3A_27 : vector<16xf32>
      %parallel_loop3A_1538 = vector.broadcast %parallel_loop3A_1493 : f32 to vector<16xf32>
      %parallel_loop3A_1539 = arith.mulf %parallel_loop3A_1538, %get3A_33 : vector<16xf32>
      %parallel_loop3A_1540 = arith.addf %parallel_loop3A_1537, %parallel_loop3A_1539 : vector<16xf32>
      %parallel_loop3A_1541 = vector.broadcast %parallel_loop3A_1495 : f32 to vector<16xf32>
      %parallel_loop3A_1542 = arith.mulf %parallel_loop3A_1541, %get3A_39 : vector<16xf32>
      %parallel_loop3A_1543 = vector.broadcast %parallel_loop3A_1497 : f32 to vector<16xf32>
      %parallel_loop3A_1544 = arith.mulf %parallel_loop3A_1543, %get3A_45 : vector<16xf32>
      %parallel_loop3A_1545 = arith.addf %parallel_loop3A_1542, %parallel_loop3A_1544 : vector<16xf32>
      %parallel_loop3A_1546 = arith.addf %parallel_loop3A_1540, %parallel_loop3A_1545 : vector<16xf32>
      %parallel_loop3A_1547 = arith.addf %parallel_loop3A_1535, %parallel_loop3A_1546 : vector<16xf32>
      %parallel_loop3A_1548 = arith.index_cast %parallel_loop3A_1481 : i32 to index
      %parallel_loop3A_1549 = arith.constant 0 : index
      %parallel_loop3A_1550 = tpu.vector_load %arg24[%parallel_loop3A_1548, %parallel_loop3A_1549] {strides = array<i32>} : memref<512x32xf32, #tpu.memory_space<vmem>>, vector<1x16xf32>,
      %parallel_loop3A_1551 = vector.shape_cast %parallel_loop3A_1550 : vector<1x16xf32> to vector<16xf32>
      %parallel_loop3A_1552 = vector.shape_cast %parallel_loop3A_1526 : vector<16xf32> to vector<1x16xf32>
      tpu.vector_store %arg24[%parallel_loop3A_1548, %parallel_loop3A_1549], %parallel_loop3A_1552 {strides = array<i32>} : memref<512x32xf32, #tpu.memory_space<vmem>>, vector<1x16xf32>,
      %parallel_loop3A_1553 = arith.index_cast %parallel_loop3A_1481 : i32 to index
      %parallel_loop3A_1554 = arith.constant 16 : index
      %parallel_loop3A_1555 = tpu.vector_load %arg24[%parallel_loop3A_1553, %parallel_loop3A_1554] {strides = array<i32>} : memref<512x32xf32, #tpu.memory_space<vmem>>, vector<1x16xf32>,
      %parallel_loop3A_1556 = vector.shape_cast %parallel_loop3A_1555 : vector<1x16xf32> to vector<16xf32>
      %parallel_loop3A_1557 = vector.shape_cast %parallel_loop3A_1547 : vector<16xf32> to vector<1x16xf32>
      tpu.vector_store %arg24[%parallel_loop3A_1553, %parallel_loop3A_1554], %parallel_loop3A_1557 {strides = array<i32>} : memref<512x32xf32, #tpu.memory_space<vmem>>, vector<1x16xf32>,
      %parallel_loop3A_1558 = arith.constant 16 : i32
      %parallel_loop3A_1559 = arith.muli %parallel_loop3A_853, %parallel_loop3A_1558 : i32
      %parallel_loop3A_1560 = arith.constant 8 : i32
      %parallel_loop3A_1561 = arith.addi %parallel_loop3A_1559, %parallel_loop3A_1560 : i32
      %parallel_loop3A_1562 = vector.extract_strided_slice %parallel_loop3A_875 {offsets = [8], sizes = [1], strides = [1]} : vector<16xi32> to vector<1xi32>
      %parallel_loop3A_1563 = vector.extract %parallel_loop3A_1562[0] : i32 from vector<1xi32>
      %parallel_loop3A_1564 = vector.extract_strided_slice %parallel_loop3A_868 {offsets = [8], sizes = [1], strides = [1]} : vector<16xf32> to vector<1xf32>
      %parallel_loop3A_1565 = vector.extract %parallel_loop3A_1564[0] : f32 from vector<1xf32>
      %parallel_loop3A_1566 = vector.extract_strided_slice %parallel_loop3A_903 {offsets = [0], sizes = [1], strides = [1]} : vector<16xf32> to vector<1xf32>
      %parallel_loop3A_1567 = vector.extract %parallel_loop3A_1566[0] : f32 from vector<1xf32>
      %parallel_loop3A_1568 = vector.extract_strided_slice %parallel_loop3A_903 {offsets = [1], sizes = [1], strides = [1]} : vector<16xf32> to vector<1xf32>
      %parallel_loop3A_1569 = vector.extract %parallel_loop3A_1568[0] : f32 from vector<1xf32>
      %parallel_loop3A_1570 = vector.extract_strided_slice %parallel_loop3A_903 {offsets = [2], sizes = [1], strides = [1]} : vector<16xf32> to vector<1xf32>
      %parallel_loop3A_1571 = vector.extract %parallel_loop3A_1570[0] : f32 from vector<1xf32>
      %parallel_loop3A_1572 = vector.extract_strided_slice %parallel_loop3A_903 {offsets = [3], sizes = [1], strides = [1]} : vector<16xf32> to vector<1xf32>
      %parallel_loop3A_1573 = vector.extract %parallel_loop3A_1572[0] : f32 from vector<1xf32>
      %parallel_loop3A_1574 = vector.extract_strided_slice %parallel_loop3A_903 {offsets = [4], sizes = [1], strides = [1]} : vector<16xf32> to vector<1xf32>
      %parallel_loop3A_1575 = vector.extract %parallel_loop3A_1574[0] : f32 from vector<1xf32>
      %parallel_loop3A_1576 = vector.extract_strided_slice %parallel_loop3A_903 {offsets = [5], sizes = [1], strides = [1]} : vector<16xf32> to vector<1xf32>
      %parallel_loop3A_1577 = vector.extract %parallel_loop3A_1576[0] : f32 from vector<1xf32>
      %parallel_loop3A_1578 = arith.index_cast %parallel_loop3A_1563 : i32 to index
      %parallel_loop3A_1579 = tpu.vector_load %arg17[%parallel_loop3A_1578] {strides = array<i32>} : memref<1152xf32, #tpu.memory_space<vmem>>, vector<16xf32>,
      %parallel_loop3A_1580 = vector.shape_cast %parallel_loop3A_1579 : vector<16xf32> to vector<16xf32>
      %parallel_loop3A_1581 = arith.constant 16 : i32
      %parallel_loop3A_1582 = arith.addi %parallel_loop3A_1563, %parallel_loop3A_1581 : i32
      %parallel_loop3A_1583 = arith.index_cast %parallel_loop3A_1582 : i32 to index
      %parallel_loop3A_1584 = tpu.vector_load %arg17[%parallel_loop3A_1583] {strides = array<i32>} : memref<1152xf32, #tpu.memory_space<vmem>>, vector<16xf32>,
      %parallel_loop3A_1585 = vector.shape_cast %parallel_loop3A_1584 : vector<16xf32> to vector<16xf32>
      %parallel_loop3A_1586 = vector.broadcast %parallel_loop3A_1565 : f32 to vector<16xf32>
      %parallel_loop3A_1587 = arith.mulf %parallel_loop3A_1586, %get3A_6 : vector<16xf32>
      %parallel_loop3A_1588 = arith.addf %parallel_loop3A_1580, %parallel_loop3A_1587 : vector<16xf32>
      %parallel_loop3A_1589 = vector.broadcast %parallel_loop3A_1567 : f32 to vector<16xf32>
      %parallel_loop3A_1590 = arith.mulf %parallel_loop3A_1589, %get3A_12 : vector<16xf32>
      %parallel_loop3A_1591 = vector.broadcast %parallel_loop3A_1569 : f32 to vector<16xf32>
      %parallel_loop3A_1592 = arith.mulf %parallel_loop3A_1591, %get3A_18 : vector<16xf32>
      %parallel_loop3A_1593 = arith.addf %parallel_loop3A_1590, %parallel_loop3A_1592 : vector<16xf32>
      %parallel_loop3A_1594 = arith.addf %parallel_loop3A_1588, %parallel_loop3A_1593 : vector<16xf32>
      %parallel_loop3A_1595 = vector.broadcast %parallel_loop3A_1571 : f32 to vector<16xf32>
      %parallel_loop3A_1596 = arith.mulf %parallel_loop3A_1595, %get3A_24 : vector<16xf32>
      %parallel_loop3A_1597 = vector.broadcast %parallel_loop3A_1573 : f32 to vector<16xf32>
      %parallel_loop3A_1598 = arith.mulf %parallel_loop3A_1597, %get3A_30 : vector<16xf32>
      %parallel_loop3A_1599 = arith.addf %parallel_loop3A_1596, %parallel_loop3A_1598 : vector<16xf32>
      %parallel_loop3A_1600 = vector.broadcast %parallel_loop3A_1575 : f32 to vector<16xf32>
      %parallel_loop3A_1601 = arith.mulf %parallel_loop3A_1600, %get3A_36 : vector<16xf32>
      %parallel_loop3A_1602 = vector.broadcast %parallel_loop3A_1577 : f32 to vector<16xf32>
      %parallel_loop3A_1603 = arith.mulf %parallel_loop3A_1602, %get3A_42 : vector<16xf32>
      %parallel_loop3A_1604 = arith.addf %parallel_loop3A_1601, %parallel_loop3A_1603 : vector<16xf32>
      %parallel_loop3A_1605 = arith.addf %parallel_loop3A_1599, %parallel_loop3A_1604 : vector<16xf32>
      %parallel_loop3A_1606 = arith.addf %parallel_loop3A_1594, %parallel_loop3A_1605 : vector<16xf32>
      %parallel_loop3A_1607 = vector.broadcast %parallel_loop3A_1565 : f32 to vector<16xf32>
      %parallel_loop3A_1608 = arith.mulf %parallel_loop3A_1607, %get3A_9 : vector<16xf32>
      %parallel_loop3A_1609 = arith.addf %parallel_loop3A_1585, %parallel_loop3A_1608 : vector<16xf32>
      %parallel_loop3A_1610 = vector.broadcast %parallel_loop3A_1567 : f32 to vector<16xf32>
      %parallel_loop3A_1611 = arith.mulf %parallel_loop3A_1610, %get3A_15 : vector<16xf32>
      %parallel_loop3A_1612 = vector.broadcast %parallel_loop3A_1569 : f32 to vector<16xf32>
      %parallel_loop3A_1613 = arith.mulf %parallel_loop3A_1612, %get3A_21 : vector<16xf32>
      %parallel_loop3A_1614 = arith.addf %parallel_loop3A_1611, %parallel_loop3A_1613 : vector<16xf32>
      %parallel_loop3A_1615 = arith.addf %parallel_loop3A_1609, %parallel_loop3A_1614 : vector<16xf32>
      %parallel_loop3A_1616 = vector.broadcast %parallel_loop3A_1571 : f32 to vector<16xf32>
      %parallel_loop3A_1617 = arith.mulf %parallel_loop3A_1616, %get3A_27 : vector<16xf32>
      %parallel_loop3A_1618 = vector.broadcast %parallel_loop3A_1573 : f32 to vector<16xf32>
      %parallel_loop3A_1619 = arith.mulf %parallel_loop3A_1618, %get3A_33 : vector<16xf32>
      %parallel_loop3A_1620 = arith.addf %parallel_loop3A_1617, %parallel_loop3A_1619 : vector<16xf32>
      %parallel_loop3A_1621 = vector.broadcast %parallel_loop3A_1575 : f32 to vector<16xf32>
      %parallel_loop3A_1622 = arith.mulf %parallel_loop3A_1621, %get3A_39 : vector<16xf32>
      %parallel_loop3A_1623 = vector.broadcast %parallel_loop3A_1577 : f32 to vector<16xf32>
      %parallel_loop3A_1624 = arith.mulf %parallel_loop3A_1623, %get3A_45 : vector<16xf32>
      %parallel_loop3A_1625 = arith.addf %parallel_loop3A_1622, %parallel_loop3A_1624 : vector<16xf32>
      %parallel_loop3A_1626 = arith.addf %parallel_loop3A_1620, %parallel_loop3A_1625 : vector<16xf32>
      %parallel_loop3A_1627 = arith.addf %parallel_loop3A_1615, %parallel_loop3A_1626 : vector<16xf32>
      %parallel_loop3A_1628 = arith.index_cast %parallel_loop3A_1561 : i32 to index
      %parallel_loop3A_1629 = arith.constant 0 : index
      %parallel_loop3A_1630 = tpu.vector_load %arg24[%parallel_loop3A_1628, %parallel_loop3A_1629] {strides = array<i32>} : memref<512x32xf32, #tpu.memory_space<vmem>>, vector<1x16xf32>,
      %parallel_loop3A_1631 = vector.shape_cast %parallel_loop3A_1630 : vector<1x16xf32> to vector<16xf32>
      %parallel_loop3A_1632 = vector.shape_cast %parallel_loop3A_1606 : vector<16xf32> to vector<1x16xf32>
      tpu.vector_store %arg24[%parallel_loop3A_1628, %parallel_loop3A_1629], %parallel_loop3A_1632 {strides = array<i32>} : memref<512x32xf32, #tpu.memory_space<vmem>>, vector<1x16xf32>,
      %parallel_loop3A_1633 = arith.index_cast %parallel_loop3A_1561 : i32 to index
      %parallel_loop3A_1634 = arith.constant 16 : index
      %parallel_loop3A_1635 = tpu.vector_load %arg24[%parallel_loop3A_1633, %parallel_loop3A_1634] {strides = array<i32>} : memref<512x32xf32, #tpu.memory_space<vmem>>, vector<1x16xf32>,
      %parallel_loop3A_1636 = vector.shape_cast %parallel_loop3A_1635 : vector<1x16xf32> to vector<16xf32>
      %parallel_loop3A_1637 = vector.shape_cast %parallel_loop3A_1627 : vector<16xf32> to vector<1x16xf32>
      tpu.vector_store %arg24[%parallel_loop3A_1633, %parallel_loop3A_1634], %parallel_loop3A_1637 {strides = array<i32>} : memref<512x32xf32, #tpu.memory_space<vmem>>, vector<1x16xf32>,
      %parallel_loop3A_1638 = arith.constant 16 : i32
      %parallel_loop3A_1639 = arith.muli %parallel_loop3A_853, %parallel_loop3A_1638 : i32
      %parallel_loop3A_1640 = arith.constant 9 : i32
      %parallel_loop3A_1641 = arith.addi %parallel_loop3A_1639, %parallel_loop3A_1640 : i32
      %parallel_loop3A_1642 = vector.extract_strided_slice %parallel_loop3A_875 {offsets = [9], sizes = [1], strides = [1]} : vector<16xi32> to vector<1xi32>
      %parallel_loop3A_1643 = vector.extract %parallel_loop3A_1642[0] : i32 from vector<1xi32>
      %parallel_loop3A_1644 = vector.extract_strided_slice %parallel_loop3A_868 {offsets = [9], sizes = [1], strides = [1]} : vector<16xf32> to vector<1xf32>
      %parallel_loop3A_1645 = vector.extract %parallel_loop3A_1644[0] : f32 from vector<1xf32>
      %parallel_loop3A_1646 = vector.extract_strided_slice %parallel_loop3A_903 {offsets = [6], sizes = [1], strides = [1]} : vector<16xf32> to vector<1xf32>
      %parallel_loop3A_1647 = vector.extract %parallel_loop3A_1646[0] : f32 from vector<1xf32>
      %parallel_loop3A_1648 = vector.extract_strided_slice %parallel_loop3A_903 {offsets = [7], sizes = [1], strides = [1]} : vector<16xf32> to vector<1xf32>
      %parallel_loop3A_1649 = vector.extract %parallel_loop3A_1648[0] : f32 from vector<1xf32>
      %parallel_loop3A_1650 = vector.extract_strided_slice %parallel_loop3A_903 {offsets = [8], sizes = [1], strides = [1]} : vector<16xf32> to vector<1xf32>
      %parallel_loop3A_1651 = vector.extract %parallel_loop3A_1650[0] : f32 from vector<1xf32>
      %parallel_loop3A_1652 = vector.extract_strided_slice %parallel_loop3A_903 {offsets = [9], sizes = [1], strides = [1]} : vector<16xf32> to vector<1xf32>
      %parallel_loop3A_1653 = vector.extract %parallel_loop3A_1652[0] : f32 from vector<1xf32>
      %parallel_loop3A_1654 = vector.extract_strided_slice %parallel_loop3A_903 {offsets = [10], sizes = [1], strides = [1]} : vector<16xf32> to vector<1xf32>
      %parallel_loop3A_1655 = vector.extract %parallel_loop3A_1654[0] : f32 from vector<1xf32>
      %parallel_loop3A_1656 = vector.extract_strided_slice %parallel_loop3A_903 {offsets = [11], sizes = [1], strides = [1]} : vector<16xf32> to vector<1xf32>
      %parallel_loop3A_1657 = vector.extract %parallel_loop3A_1656[0] : f32 from vector<1xf32>
      %parallel_loop3A_1658 = arith.index_cast %parallel_loop3A_1643 : i32 to index
      %parallel_loop3A_1659 = tpu.vector_load %arg17[%parallel_loop3A_1658] {strides = array<i32>} : memref<1152xf32, #tpu.memory_space<vmem>>, vector<16xf32>,
      %parallel_loop3A_1660 = vector.shape_cast %parallel_loop3A_1659 : vector<16xf32> to vector<16xf32>
      %parallel_loop3A_1661 = arith.constant 16 : i32
      %parallel_loop3A_1662 = arith.addi %parallel_loop3A_1643, %parallel_loop3A_1661 : i32
      %parallel_loop3A_1663 = arith.index_cast %parallel_loop3A_1662 : i32 to index
      %parallel_loop3A_1664 = tpu.vector_load %arg17[%parallel_loop3A_1663] {strides = array<i32>} : memref<1152xf32, #tpu.memory_space<vmem>>, vector<16xf32>,
      %parallel_loop3A_1665 = vector.shape_cast %parallel_loop3A_1664 : vector<16xf32> to vector<16xf32>
      %parallel_loop3A_1666 = vector.broadcast %parallel_loop3A_1645 : f32 to vector<16xf32>
      %parallel_loop3A_1667 = arith.mulf %parallel_loop3A_1666, %get3A_6 : vector<16xf32>
      %parallel_loop3A_1668 = arith.addf %parallel_loop3A_1660, %parallel_loop3A_1667 : vector<16xf32>
      %parallel_loop3A_1669 = vector.broadcast %parallel_loop3A_1647 : f32 to vector<16xf32>
      %parallel_loop3A_1670 = arith.mulf %parallel_loop3A_1669, %get3A_12 : vector<16xf32>
      %parallel_loop3A_1671 = vector.broadcast %parallel_loop3A_1649 : f32 to vector<16xf32>
      %parallel_loop3A_1672 = arith.mulf %parallel_loop3A_1671, %get3A_18 : vector<16xf32>
      %parallel_loop3A_1673 = arith.addf %parallel_loop3A_1670, %parallel_loop3A_1672 : vector<16xf32>
      %parallel_loop3A_1674 = arith.addf %parallel_loop3A_1668, %parallel_loop3A_1673 : vector<16xf32>
      %parallel_loop3A_1675 = vector.broadcast %parallel_loop3A_1651 : f32 to vector<16xf32>
      %parallel_loop3A_1676 = arith.mulf %parallel_loop3A_1675, %get3A_24 : vector<16xf32>
      %parallel_loop3A_1677 = vector.broadcast %parallel_loop3A_1653 : f32 to vector<16xf32>
      %parallel_loop3A_1678 = arith.mulf %parallel_loop3A_1677, %get3A_30 : vector<16xf32>
      %parallel_loop3A_1679 = arith.addf %parallel_loop3A_1676, %parallel_loop3A_1678 : vector<16xf32>
      %parallel_loop3A_1680 = vector.broadcast %parallel_loop3A_1655 : f32 to vector<16xf32>
      %parallel_loop3A_1681 = arith.mulf %parallel_loop3A_1680, %get3A_36 : vector<16xf32>
      %parallel_loop3A_1682 = vector.broadcast %parallel_loop3A_1657 : f32 to vector<16xf32>
      %parallel_loop3A_1683 = arith.mulf %parallel_loop3A_1682, %get3A_42 : vector<16xf32>
      %parallel_loop3A_1684 = arith.addf %parallel_loop3A_1681, %parallel_loop3A_1683 : vector<16xf32>
      %parallel_loop3A_1685 = arith.addf %parallel_loop3A_1679, %parallel_loop3A_1684 : vector<16xf32>
      %parallel_loop3A_1686 = arith.addf %parallel_loop3A_1674, %parallel_loop3A_1685 : vector<16xf32>
      %parallel_loop3A_1687 = vector.broadcast %parallel_loop3A_1645 : f32 to vector<16xf32>
      %parallel_loop3A_1688 = arith.mulf %parallel_loop3A_1687, %get3A_9 : vector<16xf32>
      %parallel_loop3A_1689 = arith.addf %parallel_loop3A_1665, %parallel_loop3A_1688 : vector<16xf32>
      %parallel_loop3A_1690 = vector.broadcast %parallel_loop3A_1647 : f32 to vector<16xf32>
      %parallel_loop3A_1691 = arith.mulf %parallel_loop3A_1690, %get3A_15 : vector<16xf32>
      %parallel_loop3A_1692 = vector.broadcast %parallel_loop3A_1649 : f32 to vector<16xf32>
      %parallel_loop3A_1693 = arith.mulf %parallel_loop3A_1692, %get3A_21 : vector<16xf32>
      %parallel_loop3A_1694 = arith.addf %parallel_loop3A_1691, %parallel_loop3A_1693 : vector<16xf32>
      %parallel_loop3A_1695 = arith.addf %parallel_loop3A_1689, %parallel_loop3A_1694 : vector<16xf32>
      %parallel_loop3A_1696 = vector.broadcast %parallel_loop3A_1651 : f32 to vector<16xf32>
      %parallel_loop3A_1697 = arith.mulf %parallel_loop3A_1696, %get3A_27 : vector<16xf32>
      %parallel_loop3A_1698 = vector.broadcast %parallel_loop3A_1653 : f32 to vector<16xf32>
      %parallel_loop3A_1699 = arith.mulf %parallel_loop3A_1698, %get3A_33 : vector<16xf32>
      %parallel_loop3A_1700 = arith.addf %parallel_loop3A_1697, %parallel_loop3A_1699 : vector<16xf32>
      %parallel_loop3A_1701 = vector.broadcast %parallel_loop3A_1655 : f32 to vector<16xf32>
      %parallel_loop3A_1702 = arith.mulf %parallel_loop3A_1701, %get3A_39 : vector<16xf32>
      %parallel_loop3A_1703 = vector.broadcast %parallel_loop3A_1657 : f32 to vector<16xf32>
      %parallel_loop3A_1704 = arith.mulf %parallel_loop3A_1703, %get3A_45 : vector<16xf32>
      %parallel_loop3A_1705 = arith.addf %parallel_loop3A_1702, %parallel_loop3A_1704 : vector<16xf32>
      %parallel_loop3A_1706 = arith.addf %parallel_loop3A_1700, %parallel_loop3A_1705 : vector<16xf32>
      %parallel_loop3A_1707 = arith.addf %parallel_loop3A_1695, %parallel_loop3A_1706 : vector<16xf32>
      %parallel_loop3A_1708 = arith.index_cast %parallel_loop3A_1641 : i32 to index
      %parallel_loop3A_1709 = arith.constant 0 : index
      %parallel_loop3A_1710 = tpu.vector_load %arg24[%parallel_loop3A_1708, %parallel_loop3A_1709] {strides = array<i32>} : memref<512x32xf32, #tpu.memory_space<vmem>>, vector<1x16xf32>,
      %parallel_loop3A_1711 = vector.shape_cast %parallel_loop3A_1710 : vector<1x16xf32> to vector<16xf32>
      %parallel_loop3A_1712 = vector.shape_cast %parallel_loop3A_1686 : vector<16xf32> to vector<1x16xf32>
      tpu.vector_store %arg24[%parallel_loop3A_1708, %parallel_loop3A_1709], %parallel_loop3A_1712 {strides = array<i32>} : memref<512x32xf32, #tpu.memory_space<vmem>>, vector<1x16xf32>,
      %parallel_loop3A_1713 = arith.index_cast %parallel_loop3A_1641 : i32 to index
      %parallel_loop3A_1714 = arith.constant 16 : index
      %parallel_loop3A_1715 = tpu.vector_load %arg24[%parallel_loop3A_1713, %parallel_loop3A_1714] {strides = array<i32>} : memref<512x32xf32, #tpu.memory_space<vmem>>, vector<1x16xf32>,
      %parallel_loop3A_1716 = vector.shape_cast %parallel_loop3A_1715 : vector<1x16xf32> to vector<16xf32>
      %parallel_loop3A_1717 = vector.shape_cast %parallel_loop3A_1707 : vector<16xf32> to vector<1x16xf32>
      tpu.vector_store %arg24[%parallel_loop3A_1713, %parallel_loop3A_1714], %parallel_loop3A_1717 {strides = array<i32>} : memref<512x32xf32, #tpu.memory_space<vmem>>, vector<1x16xf32>,
      %parallel_loop3A_1718 = arith.constant 16 : i32
      %parallel_loop3A_1719 = arith.muli %parallel_loop3A_853, %parallel_loop3A_1718 : i32
      %parallel_loop3A_1720 = arith.constant 10 : i32
      %parallel_loop3A_1721 = arith.addi %parallel_loop3A_1719, %parallel_loop3A_1720 : i32
      %parallel_loop3A_1722 = vector.extract_strided_slice %parallel_loop3A_875 {offsets = [10], sizes = [1], strides = [1]} : vector<16xi32> to vector<1xi32>
      %parallel_loop3A_1723 = vector.extract %parallel_loop3A_1722[0] : i32 from vector<1xi32>
      %parallel_loop3A_1724 = vector.extract_strided_slice %parallel_loop3A_868 {offsets = [10], sizes = [1], strides = [1]} : vector<16xf32> to vector<1xf32>
      %parallel_loop3A_1725 = vector.extract %parallel_loop3A_1724[0] : f32 from vector<1xf32>
      %parallel_loop3A_1726 = vector.extract_strided_slice %parallel_loop3A_903 {offsets = [12], sizes = [1], strides = [1]} : vector<16xf32> to vector<1xf32>
      %parallel_loop3A_1727 = vector.extract %parallel_loop3A_1726[0] : f32 from vector<1xf32>
      %parallel_loop3A_1728 = vector.extract_strided_slice %parallel_loop3A_903 {offsets = [13], sizes = [1], strides = [1]} : vector<16xf32> to vector<1xf32>
      %parallel_loop3A_1729 = vector.extract %parallel_loop3A_1728[0] : f32 from vector<1xf32>
      %parallel_loop3A_1730 = vector.extract_strided_slice %parallel_loop3A_903 {offsets = [14], sizes = [1], strides = [1]} : vector<16xf32> to vector<1xf32>
      %parallel_loop3A_1731 = vector.extract %parallel_loop3A_1730[0] : f32 from vector<1xf32>
      %parallel_loop3A_1732 = vector.extract_strided_slice %parallel_loop3A_903 {offsets = [15], sizes = [1], strides = [1]} : vector<16xf32> to vector<1xf32>
      %parallel_loop3A_1733 = vector.extract %parallel_loop3A_1732[0] : f32 from vector<1xf32>
      %parallel_loop3A_1734 = vector.extract_strided_slice %parallel_loop3A_910 {offsets = [0], sizes = [1], strides = [1]} : vector<16xf32> to vector<1xf32>
      %parallel_loop3A_1735 = vector.extract %parallel_loop3A_1734[0] : f32 from vector<1xf32>
      %parallel_loop3A_1736 = vector.extract_strided_slice %parallel_loop3A_910 {offsets = [1], sizes = [1], strides = [1]} : vector<16xf32> to vector<1xf32>
      %parallel_loop3A_1737 = vector.extract %parallel_loop3A_1736[0] : f32 from vector<1xf32>
      %parallel_loop3A_1738 = arith.index_cast %parallel_loop3A_1723 : i32 to index
      %parallel_loop3A_1739 = tpu.vector_load %arg17[%parallel_loop3A_1738] {strides = array<i32>} : memref<1152xf32, #tpu.memory_space<vmem>>, vector<16xf32>,
      %parallel_loop3A_1740 = vector.shape_cast %parallel_loop3A_1739 : vector<16xf32> to vector<16xf32>
      %parallel_loop3A_1741 = arith.constant 16 : i32
      %parallel_loop3A_1742 = arith.addi %parallel_loop3A_1723, %parallel_loop3A_1741 : i32
      %parallel_loop3A_1743 = arith.index_cast %parallel_loop3A_1742 : i32 to index
      %parallel_loop3A_1744 = tpu.vector_load %arg17[%parallel_loop3A_1743] {strides = array<i32>} : memref<1152xf32, #tpu.memory_space<vmem>>, vector<16xf32>,
      %parallel_loop3A_1745 = vector.shape_cast %parallel_loop3A_1744 : vector<16xf32> to vector<16xf32>
      %parallel_loop3A_1746 = vector.broadcast %parallel_loop3A_1725 : f32 to vector<16xf32>
      %parallel_loop3A_1747 = arith.mulf %parallel_loop3A_1746, %get3A_6 : vector<16xf32>
      %parallel_loop3A_1748 = arith.addf %parallel_loop3A_1740, %parallel_loop3A_1747 : vector<16xf32>
      %parallel_loop3A_1749 = vector.broadcast %parallel_loop3A_1727 : f32 to vector<16xf32>
      %parallel_loop3A_1750 = arith.mulf %parallel_loop3A_1749, %get3A_12 : vector<16xf32>
      %parallel_loop3A_1751 = vector.broadcast %parallel_loop3A_1729 : f32 to vector<16xf32>
      %parallel_loop3A_1752 = arith.mulf %parallel_loop3A_1751, %get3A_18 : vector<16xf32>
      %parallel_loop3A_1753 = arith.addf %parallel_loop3A_1750, %parallel_loop3A_1752 : vector<16xf32>
      %parallel_loop3A_1754 = arith.addf %parallel_loop3A_1748, %parallel_loop3A_1753 : vector<16xf32>
      %parallel_loop3A_1755 = vector.broadcast %parallel_loop3A_1731 : f32 to vector<16xf32>
      %parallel_loop3A_1756 = arith.mulf %parallel_loop3A_1755, %get3A_24 : vector<16xf32>
      %parallel_loop3A_1757 = vector.broadcast %parallel_loop3A_1733 : f32 to vector<16xf32>
      %parallel_loop3A_1758 = arith.mulf %parallel_loop3A_1757, %get3A_30 : vector<16xf32>
      %parallel_loop3A_1759 = arith.addf %parallel_loop3A_1756, %parallel_loop3A_1758 : vector<16xf32>
      %parallel_loop3A_1760 = vector.broadcast %parallel_loop3A_1735 : f32 to vector<16xf32>
      %parallel_loop3A_1761 = arith.mulf %parallel_loop3A_1760, %get3A_36 : vector<16xf32>
      %parallel_loop3A_1762 = vector.broadcast %parallel_loop3A_1737 : f32 to vector<16xf32>
      %parallel_loop3A_1763 = arith.mulf %parallel_loop3A_1762, %get3A_42 : vector<16xf32>
      %parallel_loop3A_1764 = arith.addf %parallel_loop3A_1761, %parallel_loop3A_1763 : vector<16xf32>
      %parallel_loop3A_1765 = arith.addf %parallel_loop3A_1759, %parallel_loop3A_1764 : vector<16xf32>
      %parallel_loop3A_1766 = arith.addf %parallel_loop3A_1754, %parallel_loop3A_1765 : vector<16xf32>
      %parallel_loop3A_1767 = vector.broadcast %parallel_loop3A_1725 : f32 to vector<16xf32>
      %parallel_loop3A_1768 = arith.mulf %parallel_loop3A_1767, %get3A_9 : vector<16xf32>
      %parallel_loop3A_1769 = arith.addf %parallel_loop3A_1745, %parallel_loop3A_1768 : vector<16xf32>
      %parallel_loop3A_1770 = vector.broadcast %parallel_loop3A_1727 : f32 to vector<16xf32>
      %parallel_loop3A_1771 = arith.mulf %parallel_loop3A_1770, %get3A_15 : vector<16xf32>
      %parallel_loop3A_1772 = vector.broadcast %parallel_loop3A_1729 : f32 to vector<16xf32>
      %parallel_loop3A_1773 = arith.mulf %parallel_loop3A_1772, %get3A_21 : vector<16xf32>
      %parallel_loop3A_1774 = arith.addf %parallel_loop3A_1771, %parallel_loop3A_1773 : vector<16xf32>
      %parallel_loop3A_1775 = arith.addf %parallel_loop3A_1769, %parallel_loop3A_1774 : vector<16xf32>
      %parallel_loop3A_1776 = vector.broadcast %parallel_loop3A_1731 : f32 to vector<16xf32>
      %parallel_loop3A_1777 = arith.mulf %parallel_loop3A_1776, %get3A_27 : vector<16xf32>
      %parallel_loop3A_1778 = vector.broadcast %parallel_loop3A_1733 : f32 to vector<16xf32>
      %parallel_loop3A_1779 = arith.mulf %parallel_loop3A_1778, %get3A_33 : vector<16xf32>
      %parallel_loop3A_1780 = arith.addf %parallel_loop3A_1777, %parallel_loop3A_1779 : vector<16xf32>
      %parallel_loop3A_1781 = vector.broadcast %parallel_loop3A_1735 : f32 to vector<16xf32>
      %parallel_loop3A_1782 = arith.mulf %parallel_loop3A_1781, %get3A_39 : vector<16xf32>
      %parallel_loop3A_1783 = vector.broadcast %parallel_loop3A_1737 : f32 to vector<16xf32>
      %parallel_loop3A_1784 = arith.mulf %parallel_loop3A_1783, %get3A_45 : vector<16xf32>
      %parallel_loop3A_1785 = arith.addf %parallel_loop3A_1782, %parallel_loop3A_1784 : vector<16xf32>
      %parallel_loop3A_1786 = arith.addf %parallel_loop3A_1780, %parallel_loop3A_1785 : vector<16xf32>
      %parallel_loop3A_1787 = arith.addf %parallel_loop3A_1775, %parallel_loop3A_1786 : vector<16xf32>
      %parallel_loop3A_1788 = arith.index_cast %parallel_loop3A_1721 : i32 to index
      %parallel_loop3A_1789 = arith.constant 0 : index
      %parallel_loop3A_1790 = tpu.vector_load %arg24[%parallel_loop3A_1788, %parallel_loop3A_1789] {strides = array<i32>} : memref<512x32xf32, #tpu.memory_space<vmem>>, vector<1x16xf32>,
      %parallel_loop3A_1791 = vector.shape_cast %parallel_loop3A_1790 : vector<1x16xf32> to vector<16xf32>
      %parallel_loop3A_1792 = vector.shape_cast %parallel_loop3A_1766 : vector<16xf32> to vector<1x16xf32>
      tpu.vector_store %arg24[%parallel_loop3A_1788, %parallel_loop3A_1789], %parallel_loop3A_1792 {strides = array<i32>} : memref<512x32xf32, #tpu.memory_space<vmem>>, vector<1x16xf32>,
      %parallel_loop3A_1793 = arith.index_cast %parallel_loop3A_1721 : i32 to index
      %parallel_loop3A_1794 = arith.constant 16 : index
      %parallel_loop3A_1795 = tpu.vector_load %arg24[%parallel_loop3A_1793, %parallel_loop3A_1794] {strides = array<i32>} : memref<512x32xf32, #tpu.memory_space<vmem>>, vector<1x16xf32>,
      %parallel_loop3A_1796 = vector.shape_cast %parallel_loop3A_1795 : vector<1x16xf32> to vector<16xf32>
      %parallel_loop3A_1797 = vector.shape_cast %parallel_loop3A_1787 : vector<16xf32> to vector<1x16xf32>
      tpu.vector_store %arg24[%parallel_loop3A_1793, %parallel_loop3A_1794], %parallel_loop3A_1797 {strides = array<i32>} : memref<512x32xf32, #tpu.memory_space<vmem>>, vector<1x16xf32>,
      %parallel_loop3A_1798 = arith.constant 16 : i32
      %parallel_loop3A_1799 = arith.muli %parallel_loop3A_853, %parallel_loop3A_1798 : i32
      %parallel_loop3A_1800 = arith.constant 11 : i32
      %parallel_loop3A_1801 = arith.addi %parallel_loop3A_1799, %parallel_loop3A_1800 : i32
      %parallel_loop3A_1802 = vector.extract_strided_slice %parallel_loop3A_875 {offsets = [11], sizes = [1], strides = [1]} : vector<16xi32> to vector<1xi32>
      %parallel_loop3A_1803 = vector.extract %parallel_loop3A_1802[0] : i32 from vector<1xi32>
      %parallel_loop3A_1804 = vector.extract_strided_slice %parallel_loop3A_868 {offsets = [11], sizes = [1], strides = [1]} : vector<16xf32> to vector<1xf32>
      %parallel_loop3A_1805 = vector.extract %parallel_loop3A_1804[0] : f32 from vector<1xf32>
      %parallel_loop3A_1806 = vector.extract_strided_slice %parallel_loop3A_910 {offsets = [2], sizes = [1], strides = [1]} : vector<16xf32> to vector<1xf32>
      %parallel_loop3A_1807 = vector.extract %parallel_loop3A_1806[0] : f32 from vector<1xf32>
      %parallel_loop3A_1808 = vector.extract_strided_slice %parallel_loop3A_910 {offsets = [3], sizes = [1], strides = [1]} : vector<16xf32> to vector<1xf32>
      %parallel_loop3A_1809 = vector.extract %parallel_loop3A_1808[0] : f32 from vector<1xf32>
      %parallel_loop3A_1810 = vector.extract_strided_slice %parallel_loop3A_910 {offsets = [4], sizes = [1], strides = [1]} : vector<16xf32> to vector<1xf32>
      %parallel_loop3A_1811 = vector.extract %parallel_loop3A_1810[0] : f32 from vector<1xf32>
      %parallel_loop3A_1812 = vector.extract_strided_slice %parallel_loop3A_910 {offsets = [5], sizes = [1], strides = [1]} : vector<16xf32> to vector<1xf32>
      %parallel_loop3A_1813 = vector.extract %parallel_loop3A_1812[0] : f32 from vector<1xf32>
      %parallel_loop3A_1814 = vector.extract_strided_slice %parallel_loop3A_910 {offsets = [6], sizes = [1], strides = [1]} : vector<16xf32> to vector<1xf32>
      %parallel_loop3A_1815 = vector.extract %parallel_loop3A_1814[0] : f32 from vector<1xf32>
      %parallel_loop3A_1816 = vector.extract_strided_slice %parallel_loop3A_910 {offsets = [7], sizes = [1], strides = [1]} : vector<16xf32> to vector<1xf32>
      %parallel_loop3A_1817 = vector.extract %parallel_loop3A_1816[0] : f32 from vector<1xf32>
      %parallel_loop3A_1818 = arith.index_cast %parallel_loop3A_1803 : i32 to index
      %parallel_loop3A_1819 = tpu.vector_load %arg17[%parallel_loop3A_1818] {strides = array<i32>} : memref<1152xf32, #tpu.memory_space<vmem>>, vector<16xf32>,
      %parallel_loop3A_1820 = vector.shape_cast %parallel_loop3A_1819 : vector<16xf32> to vector<16xf32>
      %parallel_loop3A_1821 = arith.constant 16 : i32
      %parallel_loop3A_1822 = arith.addi %parallel_loop3A_1803, %parallel_loop3A_1821 : i32
      %parallel_loop3A_1823 = arith.index_cast %parallel_loop3A_1822 : i32 to index
      %parallel_loop3A_1824 = tpu.vector_load %arg17[%parallel_loop3A_1823] {strides = array<i32>} : memref<1152xf32, #tpu.memory_space<vmem>>, vector<16xf32>,
      %parallel_loop3A_1825 = vector.shape_cast %parallel_loop3A_1824 : vector<16xf32> to vector<16xf32>
      %parallel_loop3A_1826 = vector.broadcast %parallel_loop3A_1805 : f32 to vector<16xf32>
      %parallel_loop3A_1827 = arith.mulf %parallel_loop3A_1826, %get3A_6 : vector<16xf32>
      %parallel_loop3A_1828 = arith.addf %parallel_loop3A_1820, %parallel_loop3A_1827 : vector<16xf32>
      %parallel_loop3A_1829 = vector.broadcast %parallel_loop3A_1807 : f32 to vector<16xf32>
      %parallel_loop3A_1830 = arith.mulf %parallel_loop3A_1829, %get3A_12 : vector<16xf32>
      %parallel_loop3A_1831 = vector.broadcast %parallel_loop3A_1809 : f32 to vector<16xf32>
      %parallel_loop3A_1832 = arith.mulf %parallel_loop3A_1831, %get3A_18 : vector<16xf32>
      %parallel_loop3A_1833 = arith.addf %parallel_loop3A_1830, %parallel_loop3A_1832 : vector<16xf32>
      %parallel_loop3A_1834 = arith.addf %parallel_loop3A_1828, %parallel_loop3A_1833 : vector<16xf32>
      %parallel_loop3A_1835 = vector.broadcast %parallel_loop3A_1811 : f32 to vector<16xf32>
      %parallel_loop3A_1836 = arith.mulf %parallel_loop3A_1835, %get3A_24 : vector<16xf32>
      %parallel_loop3A_1837 = vector.broadcast %parallel_loop3A_1813 : f32 to vector<16xf32>
      %parallel_loop3A_1838 = arith.mulf %parallel_loop3A_1837, %get3A_30 : vector<16xf32>
      %parallel_loop3A_1839 = arith.addf %parallel_loop3A_1836, %parallel_loop3A_1838 : vector<16xf32>
      %parallel_loop3A_1840 = vector.broadcast %parallel_loop3A_1815 : f32 to vector<16xf32>
      %parallel_loop3A_1841 = arith.mulf %parallel_loop3A_1840, %get3A_36 : vector<16xf32>
      %parallel_loop3A_1842 = vector.broadcast %parallel_loop3A_1817 : f32 to vector<16xf32>
      %parallel_loop3A_1843 = arith.mulf %parallel_loop3A_1842, %get3A_42 : vector<16xf32>
      %parallel_loop3A_1844 = arith.addf %parallel_loop3A_1841, %parallel_loop3A_1843 : vector<16xf32>
      %parallel_loop3A_1845 = arith.addf %parallel_loop3A_1839, %parallel_loop3A_1844 : vector<16xf32>
      %parallel_loop3A_1846 = arith.addf %parallel_loop3A_1834, %parallel_loop3A_1845 : vector<16xf32>
      %parallel_loop3A_1847 = vector.broadcast %parallel_loop3A_1805 : f32 to vector<16xf32>
      %parallel_loop3A_1848 = arith.mulf %parallel_loop3A_1847, %get3A_9 : vector<16xf32>
      %parallel_loop3A_1849 = arith.addf %parallel_loop3A_1825, %parallel_loop3A_1848 : vector<16xf32>
      %parallel_loop3A_1850 = vector.broadcast %parallel_loop3A_1807 : f32 to vector<16xf32>
      %parallel_loop3A_1851 = arith.mulf %parallel_loop3A_1850, %get3A_15 : vector<16xf32>
      %parallel_loop3A_1852 = vector.broadcast %parallel_loop3A_1809 : f32 to vector<16xf32>
      %parallel_loop3A_1853 = arith.mulf %parallel_loop3A_1852, %get3A_21 : vector<16xf32>
      %parallel_loop3A_1854 = arith.addf %parallel_loop3A_1851, %parallel_loop3A_1853 : vector<16xf32>
      %parallel_loop3A_1855 = arith.addf %parallel_loop3A_1849, %parallel_loop3A_1854 : vector<16xf32>
      %parallel_loop3A_1856 = vector.broadcast %parallel_loop3A_1811 : f32 to vector<16xf32>
      %parallel_loop3A_1857 = arith.mulf %parallel_loop3A_1856, %get3A_27 : vector<16xf32>
      %parallel_loop3A_1858 = vector.broadcast %parallel_loop3A_1813 : f32 to vector<16xf32>
      %parallel_loop3A_1859 = arith.mulf %parallel_loop3A_1858, %get3A_33 : vector<16xf32>
      %parallel_loop3A_1860 = arith.addf %parallel_loop3A_1857, %parallel_loop3A_1859 : vector<16xf32>
      %parallel_loop3A_1861 = vector.broadcast %parallel_loop3A_1815 : f32 to vector<16xf32>
      %parallel_loop3A_1862 = arith.mulf %parallel_loop3A_1861, %get3A_39 : vector<16xf32>
      %parallel_loop3A_1863 = vector.broadcast %parallel_loop3A_1817 : f32 to vector<16xf32>
      %parallel_loop3A_1864 = arith.mulf %parallel_loop3A_1863, %get3A_45 : vector<16xf32>
      %parallel_loop3A_1865 = arith.addf %parallel_loop3A_1862, %parallel_loop3A_1864 : vector<16xf32>
      %parallel_loop3A_1866 = arith.addf %parallel_loop3A_1860, %parallel_loop3A_1865 : vector<16xf32>
      %parallel_loop3A_1867 = arith.addf %parallel_loop3A_1855, %parallel_loop3A_1866 : vector<16xf32>
      %parallel_loop3A_1868 = arith.index_cast %parallel_loop3A_1801 : i32 to index
      %parallel_loop3A_1869 = arith.constant 0 : index
      %parallel_loop3A_1870 = tpu.vector_load %arg24[%parallel_loop3A_1868, %parallel_loop3A_1869] {strides = array<i32>} : memref<512x32xf32, #tpu.memory_space<vmem>>, vector<1x16xf32>,
      %parallel_loop3A_1871 = vector.shape_cast %parallel_loop3A_1870 : vector<1x16xf32> to vector<16xf32>
      %parallel_loop3A_1872 = vector.shape_cast %parallel_loop3A_1846 : vector<16xf32> to vector<1x16xf32>
      tpu.vector_store %arg24[%parallel_loop3A_1868, %parallel_loop3A_1869], %parallel_loop3A_1872 {strides = array<i32>} : memref<512x32xf32, #tpu.memory_space<vmem>>, vector<1x16xf32>,
      %parallel_loop3A_1873 = arith.index_cast %parallel_loop3A_1801 : i32 to index
      %parallel_loop3A_1874 = arith.constant 16 : index
      %parallel_loop3A_1875 = tpu.vector_load %arg24[%parallel_loop3A_1873, %parallel_loop3A_1874] {strides = array<i32>} : memref<512x32xf32, #tpu.memory_space<vmem>>, vector<1x16xf32>,
      %parallel_loop3A_1876 = vector.shape_cast %parallel_loop3A_1875 : vector<1x16xf32> to vector<16xf32>
      %parallel_loop3A_1877 = vector.shape_cast %parallel_loop3A_1867 : vector<16xf32> to vector<1x16xf32>
      tpu.vector_store %arg24[%parallel_loop3A_1873, %parallel_loop3A_1874], %parallel_loop3A_1877 {strides = array<i32>} : memref<512x32xf32, #tpu.memory_space<vmem>>, vector<1x16xf32>,
      %parallel_loop3A_1878 = arith.constant 16 : i32
      %parallel_loop3A_1879 = arith.muli %parallel_loop3A_853, %parallel_loop3A_1878 : i32
      %parallel_loop3A_1880 = arith.constant 12 : i32
      %parallel_loop3A_1881 = arith.addi %parallel_loop3A_1879, %parallel_loop3A_1880 : i32
      %parallel_loop3A_1882 = vector.extract_strided_slice %parallel_loop3A_875 {offsets = [12], sizes = [1], strides = [1]} : vector<16xi32> to vector<1xi32>
      %parallel_loop3A_1883 = vector.extract %parallel_loop3A_1882[0] : i32 from vector<1xi32>
      %parallel_loop3A_1884 = vector.extract_strided_slice %parallel_loop3A_868 {offsets = [12], sizes = [1], strides = [1]} : vector<16xf32> to vector<1xf32>
      %parallel_loop3A_1885 = vector.extract %parallel_loop3A_1884[0] : f32 from vector<1xf32>
      %parallel_loop3A_1886 = vector.extract_strided_slice %parallel_loop3A_910 {offsets = [8], sizes = [1], strides = [1]} : vector<16xf32> to vector<1xf32>
      %parallel_loop3A_1887 = vector.extract %parallel_loop3A_1886[0] : f32 from vector<1xf32>
      %parallel_loop3A_1888 = vector.extract_strided_slice %parallel_loop3A_910 {offsets = [9], sizes = [1], strides = [1]} : vector<16xf32> to vector<1xf32>
      %parallel_loop3A_1889 = vector.extract %parallel_loop3A_1888[0] : f32 from vector<1xf32>
      %parallel_loop3A_1890 = vector.extract_strided_slice %parallel_loop3A_910 {offsets = [10], sizes = [1], strides = [1]} : vector<16xf32> to vector<1xf32>
      %parallel_loop3A_1891 = vector.extract %parallel_loop3A_1890[0] : f32 from vector<1xf32>
      %parallel_loop3A_1892 = vector.extract_strided_slice %parallel_loop3A_910 {offsets = [11], sizes = [1], strides = [1]} : vector<16xf32> to vector<1xf32>
      %parallel_loop3A_1893 = vector.extract %parallel_loop3A_1892[0] : f32 from vector<1xf32>
      %parallel_loop3A_1894 = vector.extract_strided_slice %parallel_loop3A_910 {offsets = [12], sizes = [1], strides = [1]} : vector<16xf32> to vector<1xf32>
      %parallel_loop3A_1895 = vector.extract %parallel_loop3A_1894[0] : f32 from vector<1xf32>
      %parallel_loop3A_1896 = vector.extract_strided_slice %parallel_loop3A_910 {offsets = [13], sizes = [1], strides = [1]} : vector<16xf32> to vector<1xf32>
      %parallel_loop3A_1897 = vector.extract %parallel_loop3A_1896[0] : f32 from vector<1xf32>
      %parallel_loop3A_1898 = arith.index_cast %parallel_loop3A_1883 : i32 to index
      %parallel_loop3A_1899 = tpu.vector_load %arg17[%parallel_loop3A_1898] {strides = array<i32>} : memref<1152xf32, #tpu.memory_space<vmem>>, vector<16xf32>,
      %parallel_loop3A_1900 = vector.shape_cast %parallel_loop3A_1899 : vector<16xf32> to vector<16xf32>
      %parallel_loop3A_1901 = arith.constant 16 : i32
      %parallel_loop3A_1902 = arith.addi %parallel_loop3A_1883, %parallel_loop3A_1901 : i32
      %parallel_loop3A_1903 = arith.index_cast %parallel_loop3A_1902 : i32 to index
      %parallel_loop3A_1904 = tpu.vector_load %arg17[%parallel_loop3A_1903] {strides = array<i32>} : memref<1152xf32, #tpu.memory_space<vmem>>, vector<16xf32>,
      %parallel_loop3A_1905 = vector.shape_cast %parallel_loop3A_1904 : vector<16xf32> to vector<16xf32>
      %parallel_loop3A_1906 = vector.broadcast %parallel_loop3A_1885 : f32 to vector<16xf32>
      %parallel_loop3A_1907 = arith.mulf %parallel_loop3A_1906, %get3A_6 : vector<16xf32>
      %parallel_loop3A_1908 = arith.addf %parallel_loop3A_1900, %parallel_loop3A_1907 : vector<16xf32>
      %parallel_loop3A_1909 = vector.broadcast %parallel_loop3A_1887 : f32 to vector<16xf32>
      %parallel_loop3A_1910 = arith.mulf %parallel_loop3A_1909, %get3A_12 : vector<16xf32>
      %parallel_loop3A_1911 = vector.broadcast %parallel_loop3A_1889 : f32 to vector<16xf32>
      %parallel_loop3A_1912 = arith.mulf %parallel_loop3A_1911, %get3A_18 : vector<16xf32>
      %parallel_loop3A_1913 = arith.addf %parallel_loop3A_1910, %parallel_loop3A_1912 : vector<16xf32>
      %parallel_loop3A_1914 = arith.addf %parallel_loop3A_1908, %parallel_loop3A_1913 : vector<16xf32>
      %parallel_loop3A_1915 = vector.broadcast %parallel_loop3A_1891 : f32 to vector<16xf32>
      %parallel_loop3A_1916 = arith.mulf %parallel_loop3A_1915, %get3A_24 : vector<16xf32>
      %parallel_loop3A_1917 = vector.broadcast %parallel_loop3A_1893 : f32 to vector<16xf32>
      %parallel_loop3A_1918 = arith.mulf %parallel_loop3A_1917, %get3A_30 : vector<16xf32>
      %parallel_loop3A_1919 = arith.addf %parallel_loop3A_1916, %parallel_loop3A_1918 : vector<16xf32>
      %parallel_loop3A_1920 = vector.broadcast %parallel_loop3A_1895 : f32 to vector<16xf32>
      %parallel_loop3A_1921 = arith.mulf %parallel_loop3A_1920, %get3A_36 : vector<16xf32>
      %parallel_loop3A_1922 = vector.broadcast %parallel_loop3A_1897 : f32 to vector<16xf32>
      %parallel_loop3A_1923 = arith.mulf %parallel_loop3A_1922, %get3A_42 : vector<16xf32>
      %parallel_loop3A_1924 = arith.addf %parallel_loop3A_1921, %parallel_loop3A_1923 : vector<16xf32>
      %parallel_loop3A_1925 = arith.addf %parallel_loop3A_1919, %parallel_loop3A_1924 : vector<16xf32>
      %parallel_loop3A_1926 = arith.addf %parallel_loop3A_1914, %parallel_loop3A_1925 : vector<16xf32>
      %parallel_loop3A_1927 = vector.broadcast %parallel_loop3A_1885 : f32 to vector<16xf32>
      %parallel_loop3A_1928 = arith.mulf %parallel_loop3A_1927, %get3A_9 : vector<16xf32>
      %parallel_loop3A_1929 = arith.addf %parallel_loop3A_1905, %parallel_loop3A_1928 : vector<16xf32>
      %parallel_loop3A_1930 = vector.broadcast %parallel_loop3A_1887 : f32 to vector<16xf32>
      %parallel_loop3A_1931 = arith.mulf %parallel_loop3A_1930, %get3A_15 : vector<16xf32>
      %parallel_loop3A_1932 = vector.broadcast %parallel_loop3A_1889 : f32 to vector<16xf32>
      %parallel_loop3A_1933 = arith.mulf %parallel_loop3A_1932, %get3A_21 : vector<16xf32>
      %parallel_loop3A_1934 = arith.addf %parallel_loop3A_1931, %parallel_loop3A_1933 : vector<16xf32>
      %parallel_loop3A_1935 = arith.addf %parallel_loop3A_1929, %parallel_loop3A_1934 : vector<16xf32>
      %parallel_loop3A_1936 = vector.broadcast %parallel_loop3A_1891 : f32 to vector<16xf32>
      %parallel_loop3A_1937 = arith.mulf %parallel_loop3A_1936, %get3A_27 : vector<16xf32>
      %parallel_loop3A_1938 = vector.broadcast %parallel_loop3A_1893 : f32 to vector<16xf32>
      %parallel_loop3A_1939 = arith.mulf %parallel_loop3A_1938, %get3A_33 : vector<16xf32>
      %parallel_loop3A_1940 = arith.addf %parallel_loop3A_1937, %parallel_loop3A_1939 : vector<16xf32>
      %parallel_loop3A_1941 = vector.broadcast %parallel_loop3A_1895 : f32 to vector<16xf32>
      %parallel_loop3A_1942 = arith.mulf %parallel_loop3A_1941, %get3A_39 : vector<16xf32>
      %parallel_loop3A_1943 = vector.broadcast %parallel_loop3A_1897 : f32 to vector<16xf32>
      %parallel_loop3A_1944 = arith.mulf %parallel_loop3A_1943, %get3A_45 : vector<16xf32>
      %parallel_loop3A_1945 = arith.addf %parallel_loop3A_1942, %parallel_loop3A_1944 : vector<16xf32>
      %parallel_loop3A_1946 = arith.addf %parallel_loop3A_1940, %parallel_loop3A_1945 : vector<16xf32>
      %parallel_loop3A_1947 = arith.addf %parallel_loop3A_1935, %parallel_loop3A_1946 : vector<16xf32>
      %parallel_loop3A_1948 = arith.index_cast %parallel_loop3A_1881 : i32 to index
      %parallel_loop3A_1949 = arith.constant 0 : index
      %parallel_loop3A_1950 = tpu.vector_load %arg24[%parallel_loop3A_1948, %parallel_loop3A_1949] {strides = array<i32>} : memref<512x32xf32, #tpu.memory_space<vmem>>, vector<1x16xf32>,
      %parallel_loop3A_1951 = vector.shape_cast %parallel_loop3A_1950 : vector<1x16xf32> to vector<16xf32>
      %parallel_loop3A_1952 = vector.shape_cast %parallel_loop3A_1926 : vector<16xf32> to vector<1x16xf32>
      tpu.vector_store %arg24[%parallel_loop3A_1948, %parallel_loop3A_1949], %parallel_loop3A_1952 {strides = array<i32>} : memref<512x32xf32, #tpu.memory_space<vmem>>, vector<1x16xf32>,
      %parallel_loop3A_1953 = arith.index_cast %parallel_loop3A_1881 : i32 to index
      %parallel_loop3A_1954 = arith.constant 16 : index
      %parallel_loop3A_1955 = tpu.vector_load %arg24[%parallel_loop3A_1953, %parallel_loop3A_1954] {strides = array<i32>} : memref<512x32xf32, #tpu.memory_space<vmem>>, vector<1x16xf32>,
      %parallel_loop3A_1956 = vector.shape_cast %parallel_loop3A_1955 : vector<1x16xf32> to vector<16xf32>
      %parallel_loop3A_1957 = vector.shape_cast %parallel_loop3A_1947 : vector<16xf32> to vector<1x16xf32>
      tpu.vector_store %arg24[%parallel_loop3A_1953, %parallel_loop3A_1954], %parallel_loop3A_1957 {strides = array<i32>} : memref<512x32xf32, #tpu.memory_space<vmem>>, vector<1x16xf32>,
      %parallel_loop3A_1958 = arith.constant 16 : i32
      %parallel_loop3A_1959 = arith.muli %parallel_loop3A_853, %parallel_loop3A_1958 : i32
      %parallel_loop3A_1960 = arith.constant 13 : i32
      %parallel_loop3A_1961 = arith.addi %parallel_loop3A_1959, %parallel_loop3A_1960 : i32
      %parallel_loop3A_1962 = vector.extract_strided_slice %parallel_loop3A_875 {offsets = [13], sizes = [1], strides = [1]} : vector<16xi32> to vector<1xi32>
      %parallel_loop3A_1963 = vector.extract %parallel_loop3A_1962[0] : i32 from vector<1xi32>
      %parallel_loop3A_1964 = vector.extract_strided_slice %parallel_loop3A_868 {offsets = [13], sizes = [1], strides = [1]} : vector<16xf32> to vector<1xf32>
      %parallel_loop3A_1965 = vector.extract %parallel_loop3A_1964[0] : f32 from vector<1xf32>
      %parallel_loop3A_1966 = vector.extract_strided_slice %parallel_loop3A_910 {offsets = [14], sizes = [1], strides = [1]} : vector<16xf32> to vector<1xf32>
      %parallel_loop3A_1967 = vector.extract %parallel_loop3A_1966[0] : f32 from vector<1xf32>
      %parallel_loop3A_1968 = vector.extract_strided_slice %parallel_loop3A_910 {offsets = [15], sizes = [1], strides = [1]} : vector<16xf32> to vector<1xf32>
      %parallel_loop3A_1969 = vector.extract %parallel_loop3A_1968[0] : f32 from vector<1xf32>
      %parallel_loop3A_1970 = vector.extract_strided_slice %parallel_loop3A_917 {offsets = [0], sizes = [1], strides = [1]} : vector<16xf32> to vector<1xf32>
      %parallel_loop3A_1971 = vector.extract %parallel_loop3A_1970[0] : f32 from vector<1xf32>
      %parallel_loop3A_1972 = vector.extract_strided_slice %parallel_loop3A_917 {offsets = [1], sizes = [1], strides = [1]} : vector<16xf32> to vector<1xf32>
      %parallel_loop3A_1973 = vector.extract %parallel_loop3A_1972[0] : f32 from vector<1xf32>
      %parallel_loop3A_1974 = vector.extract_strided_slice %parallel_loop3A_917 {offsets = [2], sizes = [1], strides = [1]} : vector<16xf32> to vector<1xf32>
      %parallel_loop3A_1975 = vector.extract %parallel_loop3A_1974[0] : f32 from vector<1xf32>
      %parallel_loop3A_1976 = vector.extract_strided_slice %parallel_loop3A_917 {offsets = [3], sizes = [1], strides = [1]} : vector<16xf32> to vector<1xf32>
      %parallel_loop3A_1977 = vector.extract %parallel_loop3A_1976[0] : f32 from vector<1xf32>
      %parallel_loop3A_1978 = arith.index_cast %parallel_loop3A_1963 : i32 to index
      %parallel_loop3A_1979 = tpu.vector_load %arg17[%parallel_loop3A_1978] {strides = array<i32>} : memref<1152xf32, #tpu.memory_space<vmem>>, vector<16xf32>,
      %parallel_loop3A_1980 = vector.shape_cast %parallel_loop3A_1979 : vector<16xf32> to vector<16xf32>
      %parallel_loop3A_1981 = arith.constant 16 : i32
      %parallel_loop3A_1982 = arith.addi %parallel_loop3A_1963, %parallel_loop3A_1981 : i32
      %parallel_loop3A_1983 = arith.index_cast %parallel_loop3A_1982 : i32 to index
      %parallel_loop3A_1984 = tpu.vector_load %arg17[%parallel_loop3A_1983] {strides = array<i32>} : memref<1152xf32, #tpu.memory_space<vmem>>, vector<16xf32>,
      %parallel_loop3A_1985 = vector.shape_cast %parallel_loop3A_1984 : vector<16xf32> to vector<16xf32>
      %parallel_loop3A_1986 = vector.broadcast %parallel_loop3A_1965 : f32 to vector<16xf32>
      %parallel_loop3A_1987 = arith.mulf %parallel_loop3A_1986, %get3A_6 : vector<16xf32>
      %parallel_loop3A_1988 = arith.addf %parallel_loop3A_1980, %parallel_loop3A_1987 : vector<16xf32>
      %parallel_loop3A_1989 = vector.broadcast %parallel_loop3A_1967 : f32 to vector<16xf32>
      %parallel_loop3A_1990 = arith.mulf %parallel_loop3A_1989, %get3A_12 : vector<16xf32>
      %parallel_loop3A_1991 = vector.broadcast %parallel_loop3A_1969 : f32 to vector<16xf32>
      %parallel_loop3A_1992 = arith.mulf %parallel_loop3A_1991, %get3A_18 : vector<16xf32>
      %parallel_loop3A_1993 = arith.addf %parallel_loop3A_1990, %parallel_loop3A_1992 : vector<16xf32>
      %parallel_loop3A_1994 = arith.addf %parallel_loop3A_1988, %parallel_loop3A_1993 : vector<16xf32>
      %parallel_loop3A_1995 = vector.broadcast %parallel_loop3A_1971 : f32 to vector<16xf32>
      %parallel_loop3A_1996 = arith.mulf %parallel_loop3A_1995, %get3A_24 : vector<16xf32>
      %parallel_loop3A_1997 = vector.broadcast %parallel_loop3A_1973 : f32 to vector<16xf32>
      %parallel_loop3A_1998 = arith.mulf %parallel_loop3A_1997, %get3A_30 : vector<16xf32>
      %parallel_loop3A_1999 = arith.addf %parallel_loop3A_1996, %parallel_loop3A_1998 : vector<16xf32>
      %parallel_loop3A_2000 = vector.broadcast %parallel_loop3A_1975 : f32 to vector<16xf32>
      %parallel_loop3A_2001 = arith.mulf %parallel_loop3A_2000, %get3A_36 : vector<16xf32>
      %parallel_loop3A_2002 = vector.broadcast %parallel_loop3A_1977 : f32 to vector<16xf32>
      %parallel_loop3A_2003 = arith.mulf %parallel_loop3A_2002, %get3A_42 : vector<16xf32>
      %parallel_loop3A_2004 = arith.addf %parallel_loop3A_2001, %parallel_loop3A_2003 : vector<16xf32>
      %parallel_loop3A_2005 = arith.addf %parallel_loop3A_1999, %parallel_loop3A_2004 : vector<16xf32>
      %parallel_loop3A_2006 = arith.addf %parallel_loop3A_1994, %parallel_loop3A_2005 : vector<16xf32>
      %parallel_loop3A_2007 = vector.broadcast %parallel_loop3A_1965 : f32 to vector<16xf32>
      %parallel_loop3A_2008 = arith.mulf %parallel_loop3A_2007, %get3A_9 : vector<16xf32>
      %parallel_loop3A_2009 = arith.addf %parallel_loop3A_1985, %parallel_loop3A_2008 : vector<16xf32>
      %parallel_loop3A_2010 = vector.broadcast %parallel_loop3A_1967 : f32 to vector<16xf32>
      %parallel_loop3A_2011 = arith.mulf %parallel_loop3A_2010, %get3A_15 : vector<16xf32>
      %parallel_loop3A_2012 = vector.broadcast %parallel_loop3A_1969 : f32 to vector<16xf32>
      %parallel_loop3A_2013 = arith.mulf %parallel_loop3A_2012, %get3A_21 : vector<16xf32>
      %parallel_loop3A_2014 = arith.addf %parallel_loop3A_2011, %parallel_loop3A_2013 : vector<16xf32>
      %parallel_loop3A_2015 = arith.addf %parallel_loop3A_2009, %parallel_loop3A_2014 : vector<16xf32>
      %parallel_loop3A_2016 = vector.broadcast %parallel_loop3A_1971 : f32 to vector<16xf32>
      %parallel_loop3A_2017 = arith.mulf %parallel_loop3A_2016, %get3A_27 : vector<16xf32>
      %parallel_loop3A_2018 = vector.broadcast %parallel_loop3A_1973 : f32 to vector<16xf32>
      %parallel_loop3A_2019 = arith.mulf %parallel_loop3A_2018, %get3A_33 : vector<16xf32>
      %parallel_loop3A_2020 = arith.addf %parallel_loop3A_2017, %parallel_loop3A_2019 : vector<16xf32>
      %parallel_loop3A_2021 = vector.broadcast %parallel_loop3A_1975 : f32 to vector<16xf32>
      %parallel_loop3A_2022 = arith.mulf %parallel_loop3A_2021, %get3A_39 : vector<16xf32>
      %parallel_loop3A_2023 = vector.broadcast %parallel_loop3A_1977 : f32 to vector<16xf32>
      %parallel_loop3A_2024 = arith.mulf %parallel_loop3A_2023, %get3A_45 : vector<16xf32>
      %parallel_loop3A_2025 = arith.addf %parallel_loop3A_2022, %parallel_loop3A_2024 : vector<16xf32>
      %parallel_loop3A_2026 = arith.addf %parallel_loop3A_2020, %parallel_loop3A_2025 : vector<16xf32>
      %parallel_loop3A_2027 = arith.addf %parallel_loop3A_2015, %parallel_loop3A_2026 : vector<16xf32>
      %parallel_loop3A_2028 = arith.index_cast %parallel_loop3A_1961 : i32 to index
      %parallel_loop3A_2029 = arith.constant 0 : index
      %parallel_loop3A_2030 = tpu.vector_load %arg24[%parallel_loop3A_2028, %parallel_loop3A_2029] {strides = array<i32>} : memref<512x32xf32, #tpu.memory_space<vmem>>, vector<1x16xf32>,
      %parallel_loop3A_2031 = vector.shape_cast %parallel_loop3A_2030 : vector<1x16xf32> to vector<16xf32>
      %parallel_loop3A_2032 = vector.shape_cast %parallel_loop3A_2006 : vector<16xf32> to vector<1x16xf32>
      tpu.vector_store %arg24[%parallel_loop3A_2028, %parallel_loop3A_2029], %parallel_loop3A_2032 {strides = array<i32>} : memref<512x32xf32, #tpu.memory_space<vmem>>, vector<1x16xf32>,
      %parallel_loop3A_2033 = arith.index_cast %parallel_loop3A_1961 : i32 to index
      %parallel_loop3A_2034 = arith.constant 16 : index
      %parallel_loop3A_2035 = tpu.vector_load %arg24[%parallel_loop3A_2033, %parallel_loop3A_2034] {strides = array<i32>} : memref<512x32xf32, #tpu.memory_space<vmem>>, vector<1x16xf32>,
      %parallel_loop3A_2036 = vector.shape_cast %parallel_loop3A_2035 : vector<1x16xf32> to vector<16xf32>
      %parallel_loop3A_2037 = vector.shape_cast %parallel_loop3A_2027 : vector<16xf32> to vector<1x16xf32>
      tpu.vector_store %arg24[%parallel_loop3A_2033, %parallel_loop3A_2034], %parallel_loop3A_2037 {strides = array<i32>} : memref<512x32xf32, #tpu.memory_space<vmem>>, vector<1x16xf32>,
      %parallel_loop3A_2038 = arith.constant 16 : i32
      %parallel_loop3A_2039 = arith.muli %parallel_loop3A_853, %parallel_loop3A_2038 : i32
      %parallel_loop3A_2040 = arith.constant 14 : i32
      %parallel_loop3A_2041 = arith.addi %parallel_loop3A_2039, %parallel_loop3A_2040 : i32
      %parallel_loop3A_2042 = vector.extract_strided_slice %parallel_loop3A_875 {offsets = [14], sizes = [1], strides = [1]} : vector<16xi32> to vector<1xi32>
      %parallel_loop3A_2043 = vector.extract %parallel_loop3A_2042[0] : i32 from vector<1xi32>
      %parallel_loop3A_2044 = vector.extract_strided_slice %parallel_loop3A_868 {offsets = [14], sizes = [1], strides = [1]} : vector<16xf32> to vector<1xf32>
      %parallel_loop3A_2045 = vector.extract %parallel_loop3A_2044[0] : f32 from vector<1xf32>
      %parallel_loop3A_2046 = vector.extract_strided_slice %parallel_loop3A_917 {offsets = [4], sizes = [1], strides = [1]} : vector<16xf32> to vector<1xf32>
      %parallel_loop3A_2047 = vector.extract %parallel_loop3A_2046[0] : f32 from vector<1xf32>
      %parallel_loop3A_2048 = vector.extract_strided_slice %parallel_loop3A_917 {offsets = [5], sizes = [1], strides = [1]} : vector<16xf32> to vector<1xf32>
      %parallel_loop3A_2049 = vector.extract %parallel_loop3A_2048[0] : f32 from vector<1xf32>
      %parallel_loop3A_2050 = vector.extract_strided_slice %parallel_loop3A_917 {offsets = [6], sizes = [1], strides = [1]} : vector<16xf32> to vector<1xf32>
      %parallel_loop3A_2051 = vector.extract %parallel_loop3A_2050[0] : f32 from vector<1xf32>
      %parallel_loop3A_2052 = vector.extract_strided_slice %parallel_loop3A_917 {offsets = [7], sizes = [1], strides = [1]} : vector<16xf32> to vector<1xf32>
      %parallel_loop3A_2053 = vector.extract %parallel_loop3A_2052[0] : f32 from vector<1xf32>
      %parallel_loop3A_2054 = vector.extract_strided_slice %parallel_loop3A_917 {offsets = [8], sizes = [1], strides = [1]} : vector<16xf32> to vector<1xf32>
      %parallel_loop3A_2055 = vector.extract %parallel_loop3A_2054[0] : f32 from vector<1xf32>
      %parallel_loop3A_2056 = vector.extract_strided_slice %parallel_loop3A_917 {offsets = [9], sizes = [1], strides = [1]} : vector<16xf32> to vector<1xf32>
      %parallel_loop3A_2057 = vector.extract %parallel_loop3A_2056[0] : f32 from vector<1xf32>
      %parallel_loop3A_2058 = arith.index_cast %parallel_loop3A_2043 : i32 to index
      %parallel_loop3A_2059 = tpu.vector_load %arg17[%parallel_loop3A_2058] {strides = array<i32>} : memref<1152xf32, #tpu.memory_space<vmem>>, vector<16xf32>,
      %parallel_loop3A_2060 = vector.shape_cast %parallel_loop3A_2059 : vector<16xf32> to vector<16xf32>
      %parallel_loop3A_2061 = arith.constant 16 : i32
      %parallel_loop3A_2062 = arith.addi %parallel_loop3A_2043, %parallel_loop3A_2061 : i32
      %parallel_loop3A_2063 = arith.index_cast %parallel_loop3A_2062 : i32 to index
      %parallel_loop3A_2064 = tpu.vector_load %arg17[%parallel_loop3A_2063] {strides = array<i32>} : memref<1152xf32, #tpu.memory_space<vmem>>, vector<16xf32>,
      %parallel_loop3A_2065 = vector.shape_cast %parallel_loop3A_2064 : vector<16xf32> to vector<16xf32>
      %parallel_loop3A_2066 = vector.broadcast %parallel_loop3A_2045 : f32 to vector<16xf32>
      %parallel_loop3A_2067 = arith.mulf %parallel_loop3A_2066, %get3A_6 : vector<16xf32>
      %parallel_loop3A_2068 = arith.addf %parallel_loop3A_2060, %parallel_loop3A_2067 : vector<16xf32>
      %parallel_loop3A_2069 = vector.broadcast %parallel_loop3A_2047 : f32 to vector<16xf32>
      %parallel_loop3A_2070 = arith.mulf %parallel_loop3A_2069, %get3A_12 : vector<16xf32>
      %parallel_loop3A_2071 = vector.broadcast %parallel_loop3A_2049 : f32 to vector<16xf32>
      %parallel_loop3A_2072 = arith.mulf %parallel_loop3A_2071, %get3A_18 : vector<16xf32>
      %parallel_loop3A_2073 = arith.addf %parallel_loop3A_2070, %parallel_loop3A_2072 : vector<16xf32>
      %parallel_loop3A_2074 = arith.addf %parallel_loop3A_2068, %parallel_loop3A_2073 : vector<16xf32>
      %parallel_loop3A_2075 = vector.broadcast %parallel_loop3A_2051 : f32 to vector<16xf32>
      %parallel_loop3A_2076 = arith.mulf %parallel_loop3A_2075, %get3A_24 : vector<16xf32>
      %parallel_loop3A_2077 = vector.broadcast %parallel_loop3A_2053 : f32 to vector<16xf32>
      %parallel_loop3A_2078 = arith.mulf %parallel_loop3A_2077, %get3A_30 : vector<16xf32>
      %parallel_loop3A_2079 = arith.addf %parallel_loop3A_2076, %parallel_loop3A_2078 : vector<16xf32>
      %parallel_loop3A_2080 = vector.broadcast %parallel_loop3A_2055 : f32 to vector<16xf32>
      %parallel_loop3A_2081 = arith.mulf %parallel_loop3A_2080, %get3A_36 : vector<16xf32>
      %parallel_loop3A_2082 = vector.broadcast %parallel_loop3A_2057 : f32 to vector<16xf32>
      %parallel_loop3A_2083 = arith.mulf %parallel_loop3A_2082, %get3A_42 : vector<16xf32>
      %parallel_loop3A_2084 = arith.addf %parallel_loop3A_2081, %parallel_loop3A_2083 : vector<16xf32>
      %parallel_loop3A_2085 = arith.addf %parallel_loop3A_2079, %parallel_loop3A_2084 : vector<16xf32>
      %parallel_loop3A_2086 = arith.addf %parallel_loop3A_2074, %parallel_loop3A_2085 : vector<16xf32>
      %parallel_loop3A_2087 = vector.broadcast %parallel_loop3A_2045 : f32 to vector<16xf32>
      %parallel_loop3A_2088 = arith.mulf %parallel_loop3A_2087, %get3A_9 : vector<16xf32>
      %parallel_loop3A_2089 = arith.addf %parallel_loop3A_2065, %parallel_loop3A_2088 : vector<16xf32>
      %parallel_loop3A_2090 = vector.broadcast %parallel_loop3A_2047 : f32 to vector<16xf32>
      %parallel_loop3A_2091 = arith.mulf %parallel_loop3A_2090, %get3A_15 : vector<16xf32>
      %parallel_loop3A_2092 = vector.broadcast %parallel_loop3A_2049 : f32 to vector<16xf32>
      %parallel_loop3A_2093 = arith.mulf %parallel_loop3A_2092, %get3A_21 : vector<16xf32>
      %parallel_loop3A_2094 = arith.addf %parallel_loop3A_2091, %parallel_loop3A_2093 : vector<16xf32>
      %parallel_loop3A_2095 = arith.addf %parallel_loop3A_2089, %parallel_loop3A_2094 : vector<16xf32>
      %parallel_loop3A_2096 = vector.broadcast %parallel_loop3A_2051 : f32 to vector<16xf32>
      %parallel_loop3A_2097 = arith.mulf %parallel_loop3A_2096, %get3A_27 : vector<16xf32>
      %parallel_loop3A_2098 = vector.broadcast %parallel_loop3A_2053 : f32 to vector<16xf32>
      %parallel_loop3A_2099 = arith.mulf %parallel_loop3A_2098, %get3A_33 : vector<16xf32>
      %parallel_loop3A_2100 = arith.addf %parallel_loop3A_2097, %parallel_loop3A_2099 : vector<16xf32>
      %parallel_loop3A_2101 = vector.broadcast %parallel_loop3A_2055 : f32 to vector<16xf32>
      %parallel_loop3A_2102 = arith.mulf %parallel_loop3A_2101, %get3A_39 : vector<16xf32>
      %parallel_loop3A_2103 = vector.broadcast %parallel_loop3A_2057 : f32 to vector<16xf32>
      %parallel_loop3A_2104 = arith.mulf %parallel_loop3A_2103, %get3A_45 : vector<16xf32>
      %parallel_loop3A_2105 = arith.addf %parallel_loop3A_2102, %parallel_loop3A_2104 : vector<16xf32>
      %parallel_loop3A_2106 = arith.addf %parallel_loop3A_2100, %parallel_loop3A_2105 : vector<16xf32>
      %parallel_loop3A_2107 = arith.addf %parallel_loop3A_2095, %parallel_loop3A_2106 : vector<16xf32>
      %parallel_loop3A_2108 = arith.index_cast %parallel_loop3A_2041 : i32 to index
      %parallel_loop3A_2109 = arith.constant 0 : index
      %parallel_loop3A_2110 = tpu.vector_load %arg24[%parallel_loop3A_2108, %parallel_loop3A_2109] {strides = array<i32>} : memref<512x32xf32, #tpu.memory_space<vmem>>, vector<1x16xf32>,
      %parallel_loop3A_2111 = vector.shape_cast %parallel_loop3A_2110 : vector<1x16xf32> to vector<16xf32>
      %parallel_loop3A_2112 = vector.shape_cast %parallel_loop3A_2086 : vector<16xf32> to vector<1x16xf32>
      tpu.vector_store %arg24[%parallel_loop3A_2108, %parallel_loop3A_2109], %parallel_loop3A_2112 {strides = array<i32>} : memref<512x32xf32, #tpu.memory_space<vmem>>, vector<1x16xf32>,
      %parallel_loop3A_2113 = arith.index_cast %parallel_loop3A_2041 : i32 to index
      %parallel_loop3A_2114 = arith.constant 16 : index
      %parallel_loop3A_2115 = tpu.vector_load %arg24[%parallel_loop3A_2113, %parallel_loop3A_2114] {strides = array<i32>} : memref<512x32xf32, #tpu.memory_space<vmem>>, vector<1x16xf32>,
      %parallel_loop3A_2116 = vector.shape_cast %parallel_loop3A_2115 : vector<1x16xf32> to vector<16xf32>
      %parallel_loop3A_2117 = vector.shape_cast %parallel_loop3A_2107 : vector<16xf32> to vector<1x16xf32>
      tpu.vector_store %arg24[%parallel_loop3A_2113, %parallel_loop3A_2114], %parallel_loop3A_2117 {strides = array<i32>} : memref<512x32xf32, #tpu.memory_space<vmem>>, vector<1x16xf32>,
      %parallel_loop3A_2118 = arith.constant 16 : i32
      %parallel_loop3A_2119 = arith.muli %parallel_loop3A_853, %parallel_loop3A_2118 : i32
      %parallel_loop3A_2120 = arith.constant 15 : i32
      %parallel_loop3A_2121 = arith.addi %parallel_loop3A_2119, %parallel_loop3A_2120 : i32
      %parallel_loop3A_2122 = vector.extract_strided_slice %parallel_loop3A_875 {offsets = [15], sizes = [1], strides = [1]} : vector<16xi32> to vector<1xi32>
      %parallel_loop3A_2123 = vector.extract %parallel_loop3A_2122[0] : i32 from vector<1xi32>
      %parallel_loop3A_2124 = vector.extract_strided_slice %parallel_loop3A_868 {offsets = [15], sizes = [1], strides = [1]} : vector<16xf32> to vector<1xf32>
      %parallel_loop3A_2125 = vector.extract %parallel_loop3A_2124[0] : f32 from vector<1xf32>
      %parallel_loop3A_2126 = vector.extract_strided_slice %parallel_loop3A_917 {offsets = [10], sizes = [1], strides = [1]} : vector<16xf32> to vector<1xf32>
      %parallel_loop3A_2127 = vector.extract %parallel_loop3A_2126[0] : f32 from vector<1xf32>
      %parallel_loop3A_2128 = vector.extract_strided_slice %parallel_loop3A_917 {offsets = [11], sizes = [1], strides = [1]} : vector<16xf32> to vector<1xf32>
      %parallel_loop3A_2129 = vector.extract %parallel_loop3A_2128[0] : f32 from vector<1xf32>
      %parallel_loop3A_2130 = vector.extract_strided_slice %parallel_loop3A_917 {offsets = [12], sizes = [1], strides = [1]} : vector<16xf32> to vector<1xf32>
      %parallel_loop3A_2131 = vector.extract %parallel_loop3A_2130[0] : f32 from vector<1xf32>
      %parallel_loop3A_2132 = vector.extract_strided_slice %parallel_loop3A_917 {offsets = [13], sizes = [1], strides = [1]} : vector<16xf32> to vector<1xf32>
      %parallel_loop3A_2133 = vector.extract %parallel_loop3A_2132[0] : f32 from vector<1xf32>
      %parallel_loop3A_2134 = vector.extract_strided_slice %parallel_loop3A_917 {offsets = [14], sizes = [1], strides = [1]} : vector<16xf32> to vector<1xf32>
      %parallel_loop3A_2135 = vector.extract %parallel_loop3A_2134[0] : f32 from vector<1xf32>
      %parallel_loop3A_2136 = vector.extract_strided_slice %parallel_loop3A_917 {offsets = [15], sizes = [1], strides = [1]} : vector<16xf32> to vector<1xf32>
      %parallel_loop3A_2137 = vector.extract %parallel_loop3A_2136[0] : f32 from vector<1xf32>
      %parallel_loop3A_2138 = arith.index_cast %parallel_loop3A_2123 : i32 to index
      %parallel_loop3A_2139 = tpu.vector_load %arg17[%parallel_loop3A_2138] {strides = array<i32>} : memref<1152xf32, #tpu.memory_space<vmem>>, vector<16xf32>,
      %parallel_loop3A_2140 = vector.shape_cast %parallel_loop3A_2139 : vector<16xf32> to vector<16xf32>
      %parallel_loop3A_2141 = arith.constant 16 : i32
      %parallel_loop3A_2142 = arith.addi %parallel_loop3A_2123, %parallel_loop3A_2141 : i32
      %parallel_loop3A_2143 = arith.index_cast %parallel_loop3A_2142 : i32 to index
      %parallel_loop3A_2144 = tpu.vector_load %arg17[%parallel_loop3A_2143] {strides = array<i32>} : memref<1152xf32, #tpu.memory_space<vmem>>, vector<16xf32>,
      %parallel_loop3A_2145 = vector.shape_cast %parallel_loop3A_2144 : vector<16xf32> to vector<16xf32>
      %parallel_loop3A_2146 = vector.broadcast %parallel_loop3A_2125 : f32 to vector<16xf32>
      %parallel_loop3A_2147 = arith.mulf %parallel_loop3A_2146, %get3A_6 : vector<16xf32>
      %parallel_loop3A_2148 = arith.addf %parallel_loop3A_2140, %parallel_loop3A_2147 : vector<16xf32>
      %parallel_loop3A_2149 = vector.broadcast %parallel_loop3A_2127 : f32 to vector<16xf32>
      %parallel_loop3A_2150 = arith.mulf %parallel_loop3A_2149, %get3A_12 : vector<16xf32>
      %parallel_loop3A_2151 = vector.broadcast %parallel_loop3A_2129 : f32 to vector<16xf32>
      %parallel_loop3A_2152 = arith.mulf %parallel_loop3A_2151, %get3A_18 : vector<16xf32>
      %parallel_loop3A_2153 = arith.addf %parallel_loop3A_2150, %parallel_loop3A_2152 : vector<16xf32>
      %parallel_loop3A_2154 = arith.addf %parallel_loop3A_2148, %parallel_loop3A_2153 : vector<16xf32>
      %parallel_loop3A_2155 = vector.broadcast %parallel_loop3A_2131 : f32 to vector<16xf32>
      %parallel_loop3A_2156 = arith.mulf %parallel_loop3A_2155, %get3A_24 : vector<16xf32>
      %parallel_loop3A_2157 = vector.broadcast %parallel_loop3A_2133 : f32 to vector<16xf32>
      %parallel_loop3A_2158 = arith.mulf %parallel_loop3A_2157, %get3A_30 : vector<16xf32>
      %parallel_loop3A_2159 = arith.addf %parallel_loop3A_2156, %parallel_loop3A_2158 : vector<16xf32>
      %parallel_loop3A_2160 = vector.broadcast %parallel_loop3A_2135 : f32 to vector<16xf32>
      %parallel_loop3A_2161 = arith.mulf %parallel_loop3A_2160, %get3A_36 : vector<16xf32>
      %parallel_loop3A_2162 = vector.broadcast %parallel_loop3A_2137 : f32 to vector<16xf32>
      %parallel_loop3A_2163 = arith.mulf %parallel_loop3A_2162, %get3A_42 : vector<16xf32>
      %parallel_loop3A_2164 = arith.addf %parallel_loop3A_2161, %parallel_loop3A_2163 : vector<16xf32>
      %parallel_loop3A_2165 = arith.addf %parallel_loop3A_2159, %parallel_loop3A_2164 : vector<16xf32>
      %parallel_loop3A_2166 = arith.addf %parallel_loop3A_2154, %parallel_loop3A_2165 : vector<16xf32>
      %parallel_loop3A_2167 = vector.broadcast %parallel_loop3A_2125 : f32 to vector<16xf32>
      %parallel_loop3A_2168 = arith.mulf %parallel_loop3A_2167, %get3A_9 : vector<16xf32>
      %parallel_loop3A_2169 = arith.addf %parallel_loop3A_2145, %parallel_loop3A_2168 : vector<16xf32>
      %parallel_loop3A_2170 = vector.broadcast %parallel_loop3A_2127 : f32 to vector<16xf32>
      %parallel_loop3A_2171 = arith.mulf %parallel_loop3A_2170, %get3A_15 : vector<16xf32>
      %parallel_loop3A_2172 = vector.broadcast %parallel_loop3A_2129 : f32 to vector<16xf32>
      %parallel_loop3A_2173 = arith.mulf %parallel_loop3A_2172, %get3A_21 : vector<16xf32>
      %parallel_loop3A_2174 = arith.addf %parallel_loop3A_2171, %parallel_loop3A_2173 : vector<16xf32>
      %parallel_loop3A_2175 = arith.addf %parallel_loop3A_2169, %parallel_loop3A_2174 : vector<16xf32>
      %parallel_loop3A_2176 = vector.broadcast %parallel_loop3A_2131 : f32 to vector<16xf32>
      %parallel_loop3A_2177 = arith.mulf %parallel_loop3A_2176, %get3A_27 : vector<16xf32>
      %parallel_loop3A_2178 = vector.broadcast %parallel_loop3A_2133 : f32 to vector<16xf32>
      %parallel_loop3A_2179 = arith.mulf %parallel_loop3A_2178, %get3A_33 : vector<16xf32>
      %parallel_loop3A_2180 = arith.addf %parallel_loop3A_2177, %parallel_loop3A_2179 : vector<16xf32>
      %parallel_loop3A_2181 = vector.broadcast %parallel_loop3A_2135 : f32 to vector<16xf32>
      %parallel_loop3A_2182 = arith.mulf %parallel_loop3A_2181, %get3A_39 : vector<16xf32>
      %parallel_loop3A_2183 = vector.broadcast %parallel_loop3A_2137 : f32 to vector<16xf32>
      %parallel_loop3A_2184 = arith.mulf %parallel_loop3A_2183, %get3A_45 : vector<16xf32>
      %parallel_loop3A_2185 = arith.addf %parallel_loop3A_2182, %parallel_loop3A_2184 : vector<16xf32>
      %parallel_loop3A_2186 = arith.addf %parallel_loop3A_2180, %parallel_loop3A_2185 : vector<16xf32>
      %parallel_loop3A_2187 = arith.addf %parallel_loop3A_2175, %parallel_loop3A_2186 : vector<16xf32>
      %parallel_loop3A_2188 = arith.index_cast %parallel_loop3A_2121 : i32 to index
      %parallel_loop3A_2189 = arith.constant 0 : index
      %parallel_loop3A_2190 = tpu.vector_load %arg24[%parallel_loop3A_2188, %parallel_loop3A_2189] {strides = array<i32>} : memref<512x32xf32, #tpu.memory_space<vmem>>, vector<1x16xf32>,
      %parallel_loop3A_2191 = vector.shape_cast %parallel_loop3A_2190 : vector<1x16xf32> to vector<16xf32>
      %parallel_loop3A_2192 = vector.shape_cast %parallel_loop3A_2166 : vector<16xf32> to vector<1x16xf32>
      tpu.vector_store %arg24[%parallel_loop3A_2188, %parallel_loop3A_2189], %parallel_loop3A_2192 {strides = array<i32>} : memref<512x32xf32, #tpu.memory_space<vmem>>, vector<1x16xf32>,
      %parallel_loop3A_2193 = arith.index_cast %parallel_loop3A_2121 : i32 to index
      %parallel_loop3A_2194 = arith.constant 16 : index
      %parallel_loop3A_2195 = tpu.vector_load %arg24[%parallel_loop3A_2193, %parallel_loop3A_2194] {strides = array<i32>} : memref<512x32xf32, #tpu.memory_space<vmem>>, vector<1x16xf32>,
      %parallel_loop3A_2196 = vector.shape_cast %parallel_loop3A_2195 : vector<1x16xf32> to vector<16xf32>
      %parallel_loop3A_2197 = vector.shape_cast %parallel_loop3A_2187 : vector<16xf32> to vector<1x16xf32>
      tpu.vector_store %arg24[%parallel_loop3A_2193, %parallel_loop3A_2194], %parallel_loop3A_2197 {strides = array<i32>} : memref<512x32xf32, #tpu.memory_space<vmem>>, vector<1x16xf32>,
    } {sc.loop_unroll_factor = 2 : i64, sc.parallel_access}
    "tpu.region"() ({
      %run_scoped3A = tpu.sem_alloc : memref<!tpu.dma_semaphore, #tpu.memory_space<semaphore_mem>>
      %dma_start3A = arith.constant 0 : i32
      %dma_start3A_853 = tpu.memref_slice %arg12[%mul3A_2, %dma_start3A] : memref<16384x32xf32, #tpu.memory_space<hbm>> -> memref<512x32xf32, #tpu.memory_space<hbm>>
      %dma_start3A_854 = arith.constant 0 : i32
      %dma_start3A_855 = tpu.memref_slice %arg12[%mul3A_2, %dma_start3A_854] : memref<16384x32xf32, #tpu.memory_space<hbm>> -> memref<512x32xf32, #tpu.memory_space<hbm>>
      tpu.enqueue_dma source(%arg24 : memref<512x32xf32, #tpu.memory_space<vmem>>) target(%dma_start3A_855 : memref<512x32xf32, #tpu.memory_space<hbm>>) target_semaphore(%run_scoped3A : memref<!tpu.dma_semaphore, #tpu.memory_space<semaphore_mem>>)
      %dma_wait3A = arith.constant 0 : i32
      %dma_wait3A_856 = tpu.memref_slice %arg12[%mul3A_2, %dma_wait3A] : memref<16384x32xf32, #tpu.memory_space<hbm>> -> memref<512x32xf32, #tpu.memory_space<hbm>>
      %dma_wait3A_857 = arith.constant 0 : i32
      %dma_wait3A_858 = tpu.memref_slice %arg12[%mul3A_2, %dma_wait3A_857] : memref<16384x32xf32, #tpu.memory_space<hbm>> -> memref<512x32xf32, #tpu.memory_space<hbm>>
      tpu.wait_dma2 semaphore(%run_scoped3A : memref<!tpu.dma_semaphore, #tpu.memory_space<semaphore_mem>>) src(%arg24 : memref<512x32xf32, #tpu.memory_space<vmem>>) dst(%dma_wait3A_858 : memref<512x32xf32, #tpu.memory_space<hbm>>)
      tpu.yield
    }) : () -> ()
    return
  }
}

</mosaic_0001>

<sc_bundles>
// kernel: kernel.3.cloned.1.call-start
scs
__scs_entry_jumppad:
0x0: {  	(pc) =	sbr.rel $0x88, $3  }
0x1: {  	(tag) =	ssettag $0x0;
	lr =	simm.s32 $0x1  }
0x2: {  	[smem:$0x3F97] =	sst lr;
	_ =	strace $0xD0000000  }
0x3: {  	_ = 	snop  }
0x4: {  	_ = 	snop  }
0x5: {  	_ = 	snop  }
0x6: {  	_ = 	snop  }
0x7: {  	_ = 	snop  }
__scs_overlays_trampoline_lowered:
0x8: {  	[smem:$0x3FA6] =	sst s0  }
0x9: {  	[smem:$0x3FA7] =	sst s1  }
0xa: {  	[smem:$0x3FA8] =	sst s2  }
0xb: {  	[smem:$0x3FA9] =	sst s3  }
0xc: {  	[smem:$0x3FAA] =	sst s4  }
0xd: {  	[smem:$0x3FAB] =	sst s5  }
0xe: {  	[smem:$0x3FAC] =	sst s6  }
0xf: {  	[smem:$0x3FAD] =	sst s7  }
0x10: {  	[smem:$0x3FAE] =	sst s8  }
0x11: {  	[smem:$0x3FAF] =	sst s9;
	s0 =	simm.s32 @!p0 $0x0  }
0x12: {  	s1 =	sld [smem:$0x3F95];
	s0 =	simm.s32 @p0 $0x1  }
0x13: {  	[smem:$0x3FB0] =	sst s0;
	s0 =	simm.s32 @!p1 $0x0  }
0x14: {  	s2 =	sld [smem:$0x3F94];
	s0 =	simm.s32 @p1 $0x1  }
0x15: {  	[smem:$0x3FB1] =	sst s0;
	s0 =	simm.s32 @!p2 $0x0  }
0x16: {  	s3 =	sld [smem:$0x3FDB];
	s0 =	simm.s32 @p2 $0x1  }
0x17: {  	s4 =	simm.s32 $0x1BF5;
	[smem:$0x3FB3] =	sst s0  }
0x18: {  	s0 =	sld [smem:$0x3F96];
	_ =	swait.ge [sflag:s4], $0x0  }
0x19: {  	s7 =	sld [smem:$0x3F97]  }
0x1a: {  	s8 =	sadd.s32 $0xFFFFE003, lr  }
0x1b: {  	s9 =	sadd.s32 $0xFFFFFEF7, lr;
	s5 =	simm.s32 $0xFFFFFFFF;
	p2 =	slt.u32 s8, $0xFFFFF086  }
0x1c: {  	p1 =	slt.u32 s9, $0xF7A;
	s5 =	simm.s32 @!p2 $0x0  }
0x1d: {  	s5 =	simm.s32 @p1 $0x1;
	p0 =	seq.s32 s7, s2  }
0x1e: {  	s7 =	smul.u32 @!p0 $0xF7A, s2;
	p2 =	seq.s32 @!p0 s5, $0x0  }
0x1f: {  	s9 =	smul.u32 $0xF7A, s1;
	s8 =	simm.s32 @!p0 $0x1BF5;
	p2 =	por !p2, p0  }
0x20: {  	[sflag:s8] =	ssyncset.s32 @!p0 $0xFFFFF086;
	s6 =	sadd.s32 @!p0 s3, s7;
	s7 =	simm.s32 @!p0 $0x108  }
0x21: {  	s3 =	sadd.s32 s3, s9;
	s6 =	sadd.s32 @!p0 $0x88, s6;
	s7 =	simm.s32 @p2 $0x1082  }
0x22: {  	[simem:s7], [sflag:s8] =	dma.local @!p0 [hbm:s6], $0xF7A  }
0x23: {  	s9 =	sor.u32 $0xD0000000, s2;
	s6 =	simm.s32 $0x108;
	_ =	swait.ge @!p0 [sflag:s8], $0x0  }
0x24: {  	s3 =	sadd.s32 $0x88, s3;
	s6 =	simm.s32 @!p1 $0x1082;
	[sflag:s4] =	ssyncset.s32 $0xFFFFF086  }
0x25: {  	[simem:s6], [sflag:s4] =	dma.local [hbm:s3], $0xF7A  }
0x26: {  	[smem:$0x3F97] =	sst s1;
	(tag) =	ssettag s2;
	_ =	strace s9  }
0x27: {  	s1 =	sld [smem:$0x3FA7]  }
0x28: {  	s2 =	sld [smem:$0x3FA8]  }
0x29: {  	s4 =	sld [smem:$0x3FAA]  }
0x2a: {  	p0 =	seq.s32 s5, $0x0;
	s5 =	sld [smem:$0x3FAB]  }
0x2b: {  	s6 =	sld [smem:$0x3FAC]  }
0x2c: {  	s7 =	sld [smem:$0x3FAD]  }
0x2d: {  	s3 =	simm.s32 $0x108;
	s8 =	sld [smem:$0x3FAE]  }
0x2e: {  	s3 =	simm.s32 @!p0 $0x1082;
	s9 =	sld [smem:$0x3FAF]  }
0x2f: {  	lr =	sadd.s32 s0, s3;
	s0 =	sld [smem:$0x3FA6]  }
0x30: {  	s3 =	sld [smem:$0x3FA9]  }
0x31: {  	[smem:$0x3FB2] =	sst s10  }
0x32: {  	s10 =	sld [smem:$0x3FB0];
	_ =	sdelay $0x3  }
0x33: {  	p0 =	seq.s32 s10, $0x1;
	s10 =	sld [smem:$0x3FB2];
	_ =	sdelay $0x3  }
0x34: {  	[smem:$0x3FB2] =	sst s10  }
0x35: {  	s10 =	sld [smem:$0x3FB1];
	_ =	sdelay $0x3  }
0x36: {  	p1 =	seq.s32 s10, $0x1;
	s10 =	sld [smem:$0x3FB2];
	_ =	sdelay $0x3  }
0x37: {  	[smem:$0x3FB2] =	sst s10  }
0x38: {  	s10 =	sld [smem:$0x3FB3]  }
0x39: {  	_ = 	snop;
	(pc) =	sbr.ind lr, $3  }
0x3a: {  	_ = 	snop  }
0x3b: {  	_ = 	snop  }
0x3c: {  	p2 =	seq.s32 s10, $0x1;
	s10 =	sld [smem:$0x3FB2]  }
0x3d: {  	_ =	shalt  }
0x3e: {  	_ =	shalt  }
0x3f: {  	_ =	shalt  }
0x40: {  	_ =	shalt  }
0x41: {  	_ =	shalt  }
0x42: {  	_ =	shalt  }
0x43: {  	_ =	shalt  }
0x44: {  	_ =	shalt  }
0x45: {  	_ =	shalt  }
0x46: {  	_ =	shalt  }
0x47: {  	_ =	shalt  }
0x48: {  	_ =	shalt  }
0x49: {  	_ =	shalt  }
0x4a: {  	_ =	shalt  }
0x4b: {  	_ =	shalt  }
0x4c: {  	_ =	shalt  }
0x4d: {  	_ =	shalt  }
0x4e: {  	_ =	shalt  }
0x4f: {  	_ =	shalt  }
0x50: {  	_ =	shalt  }
0x51: {  	_ =	shalt  }
0x52: {  	_ =	shalt  }
0x53: {  	_ =	shalt  }
0x54: {  	_ =	shalt  }
0x55: {  	_ =	shalt  }
0x56: {  	_ =	shalt  }
0x57: {  	_ =	shalt  }
0x58: {  	_ =	shalt  }
0x59: {  	_ =	shalt  }
0x5a: {  	_ =	shalt  }
0x5b: {  	_ =	shalt  }
0x5c: {  	_ =	shalt  }
0x5d: {  	_ =	shalt  }
0x5e: {  	_ =	shalt  }
0x5f: {  	_ =	shalt  }
0x60: {  	_ =	shalt  }
0x61: {  	_ =	shalt  }
0x62: {  	_ =	shalt  }
0x63: {  	_ =	shalt  }
0x64: {  	_ =	shalt  }
0x65: {  	_ =	shalt  }
0x66: {  	_ =	shalt  }
0x67: {  	_ =	shalt  }
0x68: {  	_ =	shalt  }
0x69: {  	_ =	shalt  }
0x6a: {  	_ =	shalt  }
0x6b: {  	_ =	shalt  }
0x6c: {  	_ =	shalt  }
0x6d: {  	_ =	shalt  }
0x6e: {  	_ =	shalt  }
0x6f: {  	_ =	shalt  }
0x70: {  	_ =	shalt  }
0x71: {  	_ =	shalt  }
0x72: {  	_ =	shalt  }
0x73: {  	_ =	shalt  }
0x74: {  	_ =	shalt  }
0x75: {  	_ =	shalt  }
0x76: {  	_ =	shalt  }
0x77: {  	_ =	shalt  }
0x78: {  	_ =	shalt  }
0x79: {  	_ =	shalt  }
0x7a: {  	_ =	shalt  }
0x7b: {  	_ =	shalt  }
0x7c: {  	_ =	shalt  }
0x7d: {  	_ =	shalt  }
0x7e: {  	_ =	shalt  }
0x7f: {  	_ =	shalt  }
0x80: {  	_ =	shalt  }
0x81: {  	_ =	shalt  }
0x82: {  	_ =	shalt  }
0x83: {  	_ =	shalt  }
0x84: {  	_ =	shalt  }
0x85: {  	_ =	shalt  }
0x86: {  	_ =	shalt  }
0x87: {  	_ =	shalt  }
.Lfunc_end0:
.L_simem_size_0:
called_computation_lowered:
.L_overlay_start_0:
0x88: {  	s2 =	sld [smem:$0x3FD9]  }
0x89: {  	s3 =	sld [smem:$0x3FFE];
	_ =	sdelay $0x1  }
0x8a: {  	s1 =	srdreg.scid  }
0x8b: {  	s0 =	sand.u32 $0x1, s1  }
0x8c: {  	s17 =	sshll.u32 s0, $0xA;
	s2 =	sadd.s32 s3, s2  }
0x8d: {  	s2 =	sadd.s32 s2, s17  }
0x8e: {  	[smem:$0x3FBE] =	sst s2  }
0x8f: {  	_ = 	snop  }
0x90: {  	s2 =	sld [smem:$0x3FC9]  }
0x91: {  	s18 =	sld [smem:$0x3FC8]  }
0x92: {  	s4 =	sld [smem:$0x3FC7]  }
0x93: {  	s5 =	sld [smem:$0x3FC5]  }
0x94: {  	s6 =	sld [smem:$0x3FC4]  }
0x95: {  	s7 =	sld [smem:$0x3FC3]  }
0x96: {  	s8 =	sld [smem:$0x3FC2]  }
0x97: {  	s9 =	sld [smem:$0x3FC0]  }
0x98: {  	s10 =	sld [smem:$0x3FD0];
	(tm) =	ssettm $0x1  }
0x99: {  	s11 =	sld [smem:$0x3FFB];
	_ =	sdelay $0x3  }
0x9a: {  	_ =	strace s11  }
0x9b: {  	s11 =	sld [smem:$0x3FFC];
	_ =	sdelay $0x3  }
0x9c: {  	_ =	strace s11  }
0x9d: {  	s11 =	sld [smem:$0x3FFD];
	_ =	sdelay $0x3  }
0x9e: {  	_ =	strace s11  }
0x9f: {  	_ =	strace $0x8FFFFFFF  }
0xa0: {  	s19 =	sld [smem:$0x3FDB];
	_ =	sdelay $0x1  }
0xa1: {  	s12 =	simm.s32 $_scs_section_size  }
0xa2: {  	s13 =	simm.s32 $_size__tile_overlayer_lowered;
	s14 =	simm.s32 $_tile_overlayer_lowered  }
0xa3: {  	s22 =	simm.s32 $0x1BFF;
	s21 =	sshll.u32 s14, $0x1;
	s11 =	sadd.s32 s12, s19  }
0xa4: {  	s15 =	simm.s32 $0x0;
	s20 =	sshll.u32 s13, $0x1;
	s13 =	sadd.s32 s21, s11  }
0xa5: {  	[timem:s15], [sflag:s22] =	dma.local [hbm:s13], s20  }
0xa6: {  	_ =	swait.ge [sflag:s22], s20  }
0xa7: {  	s12 =	ssub.s32 $0x0, s20;
	[sflag:s22] =	ssyncset.done $0x0  }
0xa8: {  	[sflag:s22] =	ssyncadd.s32 s12;
	_ =	sdelay $0x1  }
0xa9: {  	s23 =	simm.s32 $0x1B8B  }
0xaa: {  	_ =	swait.ge [sflag:s23], $0x1  }
0xab: {  	[sflag:s23] =	ssyncset.done $0x0  }
0xac: {  	s25 =	simm.s32 $0x1B8E;
	s24 =	sld [smem:$0x3FFE];
	[sflag:s23] =	ssyncadd.s32 $0xFFFFFFFF  }
0xad: {  	s26 =	simm.s32 $execute0_lowered;
	[smem:$0x3FD2] =	sst s25  }
0xae: {  	s13 =	sshll.u32 s26, $0x1;
	_ =	strace $0x80000046;
	[dreg:$0x1] =	wrdreg $0xFFFFFFFF  }
0xaf: {  	s28 =	simm.s32 $_size_execute0_lowered;
	s11 =	sadd.s32 s11, s13;
	[dreg:$0x0] =	wrdreg $0x0  }
0xb0: {  	s13 =	sshll.u32 s28, $0x1;
	[dreg:$0x2] =	wrdreg s11  }
0xb1: {  	[dreg:$0x3] =	wrdreg s13  }
0xb2: {  	[dreg:$0x4] =	wrdreg $0xC0  }
0xb3: {  	_ =	task [dreg:s15], $0x5FFFF  }
0xb4: {  	[dreg:$0x1] =	wrdreg $0xFFFFFFFF  }
0xb5: {  	[dreg:$0x0] =	wrdreg $0x60  }
0xb6: {  	[dreg:$0x2] =	wrdreg s2  }
0xb7: {  	[dreg:$0x3] =	wrdreg s18  }
0xb8: {  	[dreg:$0x4] =	wrdreg s4  }
0xb9: {  	[dreg:$0x5] =	wrdreg s10  }
0xba: {  	[dreg:$0x6] =	wrdreg s5  }
0xbb: {  	[dreg:$0x7] =	wrdreg s6  }
0xbc: {  	[dreg:$0x8] =	wrdreg s7  }
0xbd: {  	[dreg:$0x9] =	wrdreg s8  }
0xbe: {  	[dreg:$0xa] =	wrdreg s24  }
0xbf: {  	[dreg:$0xb] =	wrdreg s9  }
0xc0: {  	[dreg:$0xc] =	wrdreg $0x9  }
0xc1: {  	_ =	task.clear_ibuf [dreg:s15], $0xDFFFF;
	_ =	strace $0x90000046  }
0xc2: {  	s29 =	simm.s32 $0x9;
	_ =	strace $0x80000048  }
0xc3: {  	_ =	swait.ge [sflag:s29], $0x1  }
0xc4: {  	[sflag:s29] =	ssyncadd.s32 $0xFFFFFFFF  }
0xc5: {  	_ =	strace $0x90000048  }
0xc6: {  	_ =	sfence  }
0xc7: {  	s30 =	sld [smem:$0x0];
	_ =	sdelay $0x2  }
0xc8: {  	s31 =	sshll.u32 s1, $0xD;
	s1 =	sshrl.u32 s1, $0x2  }
0xc9: {  	s3 =	sand.u32 $0x4000, s31;
	s1 =	sadd.s32 s1, s30  }
0xca: {  	s0 =	sor.u32 s3, s0;
	s1 =	sshll.u32 s1, $0x11  }
0xcb: {  	s0 =	sor.u32 s1, s0  }
0xcc: {  	s0 =	sadd.s32 $0x8F2B, s0  }
0xcd: {  	[sflag:s0] =	ssyncadd.remote.s32 $0x1  }
0xce: {  	_ =	sfence.sel $0xFFFF  }
0xcf: {  	[dreg:$0x0] =	wrdreg $0xFFFFFFFF;
	(pc) =	sbr.abs _section_cstart, $3  }
0xd0: {  	[dreg:$0x1] =	wrdreg $0xFFFFFFFF  }
0xd1: {  	_ =	task.clear_ibuf [dreg:s15], $0x2FFFF;
	_ =	strace $0x9FFFFFFF  }
0xd2: {  	(tm) =	ssettm $0x7FFFFFFF  }
0xd3: {  	_ =	shalt  }
tec
execute0_lowered:
.L_overlay_start_1:
0x0: {  	(tag) =	ssettag $0x1  }
0x1: {  	s0 =	rddreg [dreg:$0x0]  }
0x2: {  	s1 =	rddreg [dreg:$0x1]  }
0x3: {  	s2 =	rddreg [dreg:$0x2]  }
0x4: {  	s3 =	rddreg [dreg:$0x3]  }
0x5: {  	s4 =	rddreg [dreg:$0x8]  }
0x6: {  	s5 =	srdreg.scid;
	s6 =	stileid.u32;
	s7 =	simm.s32 $0x0  }
0x7: {  	s15 =	simm.s32 $0x1;
	s17 =	simm.s32 $0x400;
	s18 =	simm.s32 $0x600  }
0x8: {  	s19 =	simm.s32 $0x1680;
	s20 =	simm.s32 $0x1A80;
	s21 =	simm.s32 $0x1E80  }
0x9: {  	s22 =	simm.s32 $0x1F00;
	s23 =	simm.s32 $0x2000;
	s24 =	simm.s32 $0x2080  }
0xa: {  	s25 =	simm.s32 $0x2100;
	s26 =	simm.s32 $0x0;
	s5 =	sand.u32 $0x1, s5  }
0xb: {  	s6 =	sshll.u32 s6, $0x1;
	[smem:$0x7FF] =	sst s7;
	s8 =	sadd.s32 $0x400, s4  }
0xc: {  	s6 =	sor.u32 s5, s6;
	_ =	strace $0x80000047;
	s5 =	ssub.s32 $0x2, s5  }
0xd: {  	s9 =	sshll.u32 s6, $0xD;
	s31 =	sshrl.u32 s5, $0x1;
	s11 =	sshll.u32 s6, $0x6  }
0xe: {  	s6 =	smul.u32 $0x180, s6;
	s4 =	sadd.s32 s9, s4;
	s5 =	ssub.s32 s5, s31  }
0xf: {  	s9 =	sadd.s32 s0, s11;
	s10 =	sadd.s32 s1, s11;
	s11 =	sadd.s32 s2, s11  }
0x10: {  	s12 =	sadd.s32 s3, s6;
	s13 =	sadd.s32 $0x600, s4;
	s14 =	smax.u32 s5, $0x1  }
.LBB2_1:
0x11: {  	[tilespmem:s7], [sflag:$0x1] =	stream.linear.gather [hbm4b:s9+s7], $0x200, $0x38;
	[tilespmem:$0x12100] =	vst v63  }
0x12: {  	_ =	swait.ge [sflag:s15], $0x200  }
0x13: {  	[sflag:s15] =	ssyncset.done $0x0  }
0x14: {  	s0 =	simm.s32 $0x200;
	[sflag:s15] =	ssyncadd.s32 $0xFFFFFE00  }
0x15: {  	[tilespmem:s0], [sflag:$0x1] =	stream.linear.gather [hbm4b:s10+s7], $0x200, $0x38;
	[tilespmem:$0x12100] =	vst v63  }
0x16: {  	_ =	swait.ge [sflag:s15], $0x200  }
0x17: {  	[sflag:s15] =	ssyncset.done $0x0  }
0x18: {  	[sflag:s15] =	ssyncadd.s32 $0xFFFFFE00  }
0x19: {  	[tilespmem:s17], [sflag:$0x1] =	stream.linear.gather [hbm4b:s11+s7], $0x200, $0x38;
	[tilespmem:$0x12100] =	vst v63  }
0x1a: {  	_ =	swait.ge [sflag:s15], $0x200  }
0x1b: {  	[sflag:s15] =	ssyncset.done $0x0  }
0x1c: {  	[sflag:s15] =	ssyncadd.s32 $0xFFFFFE00  }
0x1d: {  	[tilespmem:s18], [sflag:$0x1] =	stream.linear.gather [hbm4b:s12+s7], $0xC00, $0x38;
	[tilespmem:$0x12100] =	vst v63  }
0x1e: {  	_ =	swait.ge [sflag:s15], $0xC00  }
0x1f: {  	[sflag:s15] =	ssyncset.done $0x0  }
0x20: {  	[sflag:s15] =	ssyncadd.s32 $0xFFFFF400  }
0x21: {  	s3 =	rddreg [dreg:$0x4]  }
0x22: {  	[tilespmem:s19], [sflag:$0x1] =	stream.linear.gather [hbm4b:s3+s7], $0x300, $0x38;
	[tilespmem:$0x12100] =	vst v63  }
0x23: {  	_ =	swait.ge [sflag:s15], $0x300  }
0x24: {  	[sflag:s15] =	ssyncset.done $0x0  }
0x25: {  	[sflag:s15] =	ssyncadd.s32 $0xFFFFFD00  }
0x26: {  	s4 =	rddreg [dreg:$0x5]  }
0x27: {  	[tilespmem:s20], [sflag:$0x1] =	stream.linear.gather [hbm4b:s4+s7], $0x300, $0x38;
	[tilespmem:$0x12100] =	vst v63  }
0x28: {  	_ =	swait.ge [sflag:s15], $0x300  }
0x29: {  	[sflag:s15] =	ssyncset.done $0x0  }
0x2a: {  	[sflag:s15] =	ssyncadd.s32 $0xFFFFFD00  }
0x2b: {  	s5 =	rddreg [dreg:$0x6]  }
0x2c: {  	[tilespmem:s21], [sflag:$0x1] =	stream.linear.gather [hbm4b:s5+s7], $0x80, $0x38;
	[tilespmem:$0x12100] =	vst v63  }
0x2d: {  	_ =	swait.ge [sflag:s15], $0x80  }
0x2e: {  	[sflag:s15] =	ssyncset.done $0x0  }
0x2f: {  	[sflag:s15] =	ssyncadd.s32 $0xFFFFFF80  }
0x30: {  	[tilespmem:s22], [sflag:$0x1] =	stream.linear.gather [hbm4b:s8+s7], $0x100, $0x38;
	[tilespmem:$0x12100] =	vst v63  }
0x31: {  	_ =	swait.ge [sflag:s15], $0x100  }
0x32: {  	[sflag:s15] =	ssyncset.done $0x0  }
0x33: {  	[sflag:s15] =	ssyncadd.s32 $0xFFFFFF00  }
0x34: {  	s6 =	rddreg [dreg:$0x7]  }
0x35: {  	[tilespmem:s23], [sflag:$0x1] =	stream.linear.gather [hbm4b:s6+s7], $0x80, $0x38;
	[tilespmem:$0x12100] =	vst v63  }
0x36: {  	_ =	swait.ge [sflag:s15], $0x80  }
0x37: {  	[sflag:s15] =	ssyncset.done $0x0  }
0x38: {  	[sflag:s15] =	ssyncadd.s32 $0xFFFFFF80  }
0x39: {  	s16 =	rddreg [dreg:$0x9]  }
0x3a: {  	[tilespmem:s24], [sflag:$0x1] =	stream.linear.gather [hbm4b:s16+s7], $0x80, $0x38;
	[tilespmem:$0x12100] =	vst v63  }
0x3b: {  	_ =	swait.ge [sflag:s15], $0x80  }
0x3c: {  	[sflag:s15] =	ssyncset.done $0x0  }
0x3d: {  	[sflag:s15] =	ssyncadd.s32 $0xFFFFFF80  }
0x3e: {  	v0 =	vld [tilespmem:$0x1E80]  }
0x3f: {  	v1 =	vld [tilespmem:$0x1E90]  }
0x40: {  	v2 =	vld [tilespmem:$0x1F00]  }
0x41: {  	v3 =	vld [tilespmem:$0x1F10]  }
0x42: {  	v4 =	vld [tilespmem:$0x1F20]  }
0x43: {  	v5 =	vld [tilespmem:$0x1F30]  }
0x44: {  	v6 =	vld [tilespmem:$0x1F40]  }
0x45: {  	v7 =	vld [tilespmem:$0x2000]  }
0x46: {  	v8 =	vld [tilespmem:$0x2080]  }
0x47: {  	v9 =	vld [tilespmem:$0x2010]  }
0x48: {  	v10 =	vld [tilespmem:$0x2090]  }
0x49: {  	v11 =	vld [tilespmem:$0x1680]  }
0x4a: {  	v12 =	vld [tilespmem:$0x1690]  }
0x4b: {  	v13 =	vld [tilespmem:$0x1A80]  }
0x4c: {  	v14 =	vld [tilespmem:$0x1A90]  }
0x4d: {  	v15 =	vld [tilespmem:$0x1B00]  }
0x4e: {  	v16 =	vld [tilespmem:$0x1B10]  }
0x4f: {  	v17 =	vld [tilespmem:$0x1B80]  }
0x50: {  	v18 =	vld [tilespmem:$0x1B90]  }
0x51: {  	v19 =	vld [tilespmem:$0x1C00]  }
0x52: {  	v20 =	vld [tilespmem:$0x1C10]  }
0x53: {  	v21 =	vld [tilespmem:$0x1C80]  }
0x54: {  	v22 =	vld [tilespmem:$0x1C90]  }
0x55: {  	v23 =	vld [tilespmem:$0x1D00]  }
0x56: {  	v24 =	vld [tilespmem:$0x1D10];
	v8 =	vadd.f32 v8, v7  }
0x57: {  	v25 =	vld [tilespmem:$0x1A80];
	v7 =	vadd.f32 v10, v9  }
0x58: {  	v26 =	vld [tilespmem:$0x1A90];
	v10 =	vadd.f32 v11, v8  }
0x59: {  	v27 =	vld [tilespmem:$0x1B00];
	v12 =	vadd.f32 v12, v7  }
0x5a: {  	v61 =	vld [tilespmem:$0x1B80];
	v13 =	vadd.f32 v13, v10  }
0x5b: {  	v62 =	vld [tilespmem:$0x1B90];
	v14 =	vadd.f32 v14, v12  }
0x5c: {  	v63 =	vld [tilespmem:$0x1C00];
	[tilespmem:$0x1200] =	vst v13;
	v13 =	vadd.f32 v15, v10  }
0x5d: {  	v28 =	vld [tilespmem:$0x1C10];
	[tilespmem:$0x1210] =	vst v14;
	v14 =	vadd.f32 v16, v12  }
0x5e: {  	v29 =	vld [tilespmem:$0x1C80];
	[tilespmem:$0x1220] =	vst v13;
	v13 =	vadd.f32 v17, v10  }
0x5f: {  	v9 =	vld [tilespmem:$0x1700];
	[tilespmem:$0x1230] =	vst v14;
	v14 =	vadd.f32 v18, v12  }
0x60: {  	v11 =	vld [tilespmem:$0x1710];
	[tilespmem:$0x1240] =	vst v13;
	v13 =	vadd.f32 v19, v10  }
0x61: {  	v30 =	vld [tilespmem:$0x1C90];
	[tilespmem:$0x1250] =	vst v14;
	v14 =	vadd.f32 v20, v12  }
0x62: {  	v31 =	vld [tilespmem:$0x1D00];
	[tilespmem:$0x1260] =	vst v13;
	v13 =	vadd.f32 v21, v10  }
0x63: {  	v32 =	vld [tilespmem:$0x1790];
	[tilespmem:$0x1270] =	vst v14;
	v14 =	vadd.f32 v22, v12  }
0x64: {  	v9 =	vadd.f32 v9, v8;
	v15 =	vld [tilespmem:$0x1B10];
	v10 =	vadd.f32 v23, v10;
	[tilespmem:$0x1280] =	vst v13  }
0x65: {  	v33 =	vld [tilespmem:$0x1A80];
	v11 =	vadd.f32 v11, v7;
	v12 =	vadd.f32 v24, v12;
	[tilespmem:$0x1290] =	vst v14  }
0x66: {  	v34 =	vld [tilespmem:$0x1A90];
	[tilespmem:$0x12A0] =	vst v10;
	v10 =	vadd.f32 v25, v9  }
0x67: {  	v35 =	vld [tilespmem:$0x1B10];
	[tilespmem:$0x12B0] =	vst v12;
	v12 =	vadd.f32 v26, v11  }
0x68: {  	v36 =	vld [tilespmem:$0x1B80];
	[tilespmem:$0x12C0] =	vst v10;
	v10 =	vadd.f32 v27, v9  }
0x69: {  	v37 =	vld [tilespmem:$0x1B90];
	[tilespmem:$0x12D0] =	vst v12;
	v12 =	vadd.f32 v15, v11  }
0x6a: {  	v38 =	vld [tilespmem:$0x1C00];
	[tilespmem:$0x12E0] =	vst v10;
	v10 =	vadd.f32 v61, v9  }
0x6b: {  	v14 =	vld [tilespmem:$0x1780];
	[tilespmem:$0x12F0] =	vst v12;
	v12 =	vadd.f32 v62, v11  }
0x6c: {  	v13 =	vld [tilespmem:$0x1D10];
	[tilespmem:$0x1300] =	vst v10;
	v10 =	vadd.f32 v63, v9  }
0x6d: {  	v39 =	vld [tilespmem:$0x1C10];
	[tilespmem:$0x1310] =	vst v12;
	v12 =	vadd.f32 v28, v11  }
0x6e: {  	v40 =	vld [tilespmem:$0x1C80];
	[tilespmem:$0x1320] =	vst v10;
	v10 =	vadd.f32 v29, v9  }
0x6f: {  	v15 =	vld [tilespmem:$0x1B00];
	[tilespmem:$0x1330] =	vst v12;
	v12 =	vadd.f32 v30, v11  }
0x70: {  	v41 =	vld [tilespmem:$0x1D10];
	v9 =	vadd.f32 v31, v9;
	[tilespmem:$0x1340] =	vst v10;
	v10 =	vadd.f32 v14, v8  }
0x71: {  	v42 =	vld [tilespmem:$0x1800];
	v11 =	vadd.f32 v13, v11;
	[tilespmem:$0x1350] =	vst v12;
	v12 =	vadd.f32 v32, v7  }
0x72: {  	v43 =	vld [tilespmem:$0x1A80];
	[tilespmem:$0x1360] =	vst v9;
	v9 =	vadd.f32 v33, v10  }
0x73: {  	v44 =	vld [tilespmem:$0x1A90];
	[tilespmem:$0x1370] =	vst v11;
	v11 =	vadd.f32 v34, v12  }
0x74: {  	v45 =	vld [tilespmem:$0x1B00];
	[tilespmem:$0x1380] =	vst v9;
	v9 =	vadd.f32 v15, v10  }
0x75: {  	v46 =	vld [tilespmem:$0x1B10];
	[tilespmem:$0x1390] =	vst v11;
	v11 =	vadd.f32 v35, v12  }
0x76: {  	v14 =	vld [tilespmem:$0x1C90];
	[tilespmem:$0x13A0] =	vst v9;
	v9 =	vadd.f32 v36, v10  }
0x77: {  	v13 =	vld [tilespmem:$0x1D00];
	[tilespmem:$0x13B0] =	vst v11;
	v11 =	vadd.f32 v37, v12  }
0x78: {  	v15 =	vld [tilespmem:$0x1810];
	[tilespmem:$0x13C0] =	vst v9;
	v9 =	vadd.f32 v38, v10  }
0x79: {  	v47 =	vld [tilespmem:$0x1B80];
	[tilespmem:$0x13D0] =	vst v11;
	v11 =	vadd.f32 v39, v12  }
0x7a: {  	v48 =	vld [tilespmem:$0x1B90];
	[tilespmem:$0x13E0] =	vst v9;
	v9 =	vadd.f32 v40, v10  }
0x7b: {  	v49 =	vld [tilespmem:$0x1C90];
	[tilespmem:$0x13F0] =	vst v11;
	v11 =	vadd.f32 v14, v12  }
0x7c: {  	v50 =	vld [tilespmem:$0x1D00];
	[tilespmem:$0x1400] =	vst v9;
	v9 =	vadd.f32 v13, v10;
	v10 =	vadd.f32 v42, v8  }
0x7d: {  	v51 =	vld [tilespmem:$0x1D10];
	[tilespmem:$0x1410] =	vst v11;
	v11 =	vadd.f32 v41, v12;
	v12 =	vadd.f32 v15, v7  }
0x7e: {  	v52 =	vld [tilespmem:$0x1880];
	[tilespmem:$0x1420] =	vst v9;
	v9 =	vadd.f32 v43, v10  }
0x7f: {  	v14 =	vld [tilespmem:$0x1C00];
	[tilespmem:$0x1430] =	vst v11;
	v11 =	vadd.f32 v44, v12  }
0x80: {  	v13 =	vld [tilespmem:$0x1C10];
	[tilespmem:$0x1440] =	vst v9;
	v9 =	vadd.f32 v45, v10  }
0x81: {  	v15 =	vld [tilespmem:$0x1C80];
	[tilespmem:$0x1450] =	vst v11;
	v11 =	vadd.f32 v46, v12  }
0x82: {  	v53 =	vld [tilespmem:$0x1890];
	[tilespmem:$0x1460] =	vst v9;
	v9 =	vadd.f32 v47, v10  }
0x83: {  	v54 =	vld [tilespmem:$0x1A80];
	[tilespmem:$0x1470] =	vst v11;
	v11 =	vadd.f32 v48, v12  }
0x84: {  	v55 =	vld [tilespmem:$0x1B80];
	[tilespmem:$0x1480] =	vst v9;
	v9 =	vadd.f32 v14, v10  }
0x85: {  	v56 =	vld [tilespmem:$0x1B90];
	[tilespmem:$0x1490] =	vst v11;
	v11 =	vadd.f32 v13, v12  }
0x86: {  	v14 =	vld [tilespmem:$0x1A90];
	[tilespmem:$0x14A0] =	vst v9;
	v9 =	vadd.f32 v15, v10  }
0x87: {  	v13 =	vld [tilespmem:$0x1B00];
	[tilespmem:$0x14B0] =	vst v11;
	v11 =	vadd.f32 v49, v12  }
0x88: {  	v15 =	vld [tilespmem:$0x1B10];
	[tilespmem:$0x14C0] =	vst v9;
	v9 =	vadd.f32 v50, v10;
	v10 =	vadd.f32 v52, v8  }
0x89: {  	v57 =	vld [tilespmem:$0x1C00];
	[tilespmem:$0x14D0] =	vst v11;
	v11 =	vadd.f32 v51, v12;
	v12 =	vadd.f32 v53, v7  }
0x8a: {  	v58 =	vld [tilespmem:$0x1C10];
	[tilespmem:$0x14E0] =	vst v9;
	v9 =	vadd.f32 v54, v10  }
0x8b: {  	v59 =	vld [tilespmem:$0x1D10];
	[tilespmem:$0x14F0] =	vst v11;
	v11 =	vadd.f32 v14, v12  }
0x8c: {  	v60 =	vld [tilespmem:$0x1900];
	[tilespmem:$0x1500] =	vst v9;
	v9 =	vadd.f32 v13, v10  }
0x8d: {  	v14 =	vld [tilespmem:$0x1C80];
	[tilespmem:$0x1510] =	vst v11;
	v11 =	vadd.f32 v15, v12  }
0x8e: {  	v13 =	vld [tilespmem:$0x1C90];
	[tilespmem:$0x1520] =	vst v9;
	v9 =	vadd.f32 v55, v10  }
0x8f: {  	v15 =	vld [tilespmem:$0x1D00];
	[tilespmem:$0x1530] =	vst v11;
	v11 =	vadd.f32 v56, v12  }
0x90: {  	v61 =	vld [tilespmem:$0x1910];
	[tilespmem:$0x1540] =	vst v9;
	v9 =	vadd.f32 v57, v10  }
0x91: {  	v62 =	vld [tilespmem:$0x1A80];
	[tilespmem:$0x1550] =	vst v11;
	v11 =	vadd.f32 v58, v12  }
0x92: {  	[tilespmem:$0x1560] =	vst v9;
	v9 =	vadd.f32 v14, v10;
	v14 =	vld [tilespmem:$0x1A90]  }
0x93: {  	[tilespmem:$0x1570] =	vst v11;
	v11 =	vadd.f32 v13, v12;
	v13 =	vld [tilespmem:$0x1B00]  }
0x94: {  	[tilespmem:$0x1580] =	vst v9;
	v9 =	vadd.f32 v15, v10;
	v15 =	vadd.f32 v60, v8;
	v8 =	vld [tilespmem:$0x1B10]  }
0x95: {  	[tilespmem:$0x1590] =	vst v11;
	v10 =	vadd.f32 v59, v12;
	v12 =	vadd.f32 v61, v7;
	v7 =	vld [tilespmem:$0x1B80]  }
0x96: {  	v11 =	vld [tilespmem:$0x1B90];
	[tilespmem:$0x15A0] =	vst v9;
	v9 =	vadd.f32 v62, v15  }
0x97: {  	[tilespmem:$0x15B0] =	vst v10;
	v10 =	vadd.f32 v14, v12;
	v14 =	vld [tilespmem:$0x1C00]  }
0x98: {  	[tilespmem:$0x15C0] =	vst v9;
	v9 =	vadd.f32 v13, v15;
	v13 =	vld [tilespmem:$0x1C10]  }
0x99: {  	[tilespmem:$0x15D0] =	vst v10;
	v8 =	vadd.f32 v8, v12;
	v10 =	vld [tilespmem:$0x1C80]  }
0x9a: {  	v63 =	vld [tilespmem:$0x1C90];
	v7 =	vadd.f32 v7, v15;
	[tilespmem:$0x15E0] =	vst v9  }
0x9b: {  	[tilespmem:$0x15F0] =	vst v8;
	v8 =	vadd.f32 v11, v12;
	v11 =	vld [tilespmem:$0x1D00]  }
0x9c: {  	[tilespmem:$0x1600] =	vst v7;
	v9 =	vadd.f32 v14, v15;
	v14 =	vld [tilespmem:$0x1D10]  }
0x9d: {  	v7 =	vld [tilespmem:$0x1F50];
	[tilespmem:$0x1610] =	vst v8;
	v13 =	vadd.f32 v13, v12  }
0x9e: {  	v8 =	vld [tilespmem:$0x1F60];
	[tilespmem:$0x1620] =	vst v9;
	v17 =	vadd.f32 v10, v15  }
0x9f: {  	v9 =	vld [tilespmem:$0x1F70];
	[tilespmem:$0x1630] =	vst v13;
	v13 =	vadd.f32 v63, v12  }
0xa0: {  	v10 =	vld [tilespmem:$0x1F80];
	[tilespmem:$0x1640] =	vst v17;
	v15 =	vadd.f32 v11, v15  }
0xa1: {  	v11 =	vld [tilespmem:$0x1F90];
	[tilespmem:$0x1650] =	vst v13;
	v14 =	vadd.f32 v14, v12  }
0xa2: {  	s28 =	simm.s32 $0xFFFFFFFE;
	s29 =	simm.s32 $0x410;
	s30 =	simm.s32 $0x210;
	v12 =	vld [tilespmem:$0x1FA0];
	[tilespmem:$0x1660] =	vst v15  }
0xa3: {  	s31 =	simm.s32 $0x10;
	s0 =	simm.s32 $0x660;
	s5 =	simm.s32 $0x2900;
	v13 =	vld [tilespmem:$0x1FB0];
	[tilespmem:$0x1670] =	vst v14  }
.LBB2_2:
0xa4: {  	v14 =	vld [tilespmem:s31+$0xFFFFFFF0];
	_ =	sdelay $0x1  }
0xa5: {  	v15 =	vld [tilespmem:s30+$0xFFFFFFF0];
	_ =	sdelay $0x2  }
0xa6: {  	v14 =	vmul.u32 $0x6, v14;
	_ =	sdelay $0x1  }
0xa7: {  	v14 =	vadd.s32 v15, v14  }
0xa8: {  	v16 =	vshll.u32 v14, $0x5  }
0xa9: {  	(v2sf) =	vpush v16, $0x0  }
0xaa: {  	v21 =	vld [tilespmem:s0+$0xFFFFFFA0];
	_ =	sdelay $0x4  }
0xab: {  	v17 =	vbroadcast v21, $0x0  }
0xac: {  	v18 =	vbroadcast v21, $0x1;
	v24 =	vbroadcast v21, $0x2  }
0xad: {  	v25 =	vbroadcast v21, $0x3;
	v26 =	vbroadcast v21, $0x4  }
0xae: {  	v28 =	vbroadcast v21, $0x5;
	v54 =	vbroadcast v21, $0x6  }
0xaf: {  	v55 =	vbroadcast v21, $0x7;
	v60 =	vbroadcast v21, $0x8  }
0xb0: {  	v61 =	vbroadcast v21, $0x9;
	v62 =	vbroadcast v21, $0xA  }
0xb1: {  	v33 =	vbroadcast v21, $0xB;
	v15 =	vld [tilespmem:s29+$0xFFFFFFF0];
	v22 =	vmul.f32 v17, v2  }
0xb2: {  	v23 =	vmul.f32 v18, v4;
	v27 =	vmul.f32 v24, v6;
	(v2sf) =	vpush v16, $0x1  }
0xb3: {  	v30 =	vmul.f32 v25, v8;
	v31 =	vmul.f32 v26, v10  }
0xb4: {  	v47 =	vmul.f32 v28, v12;
	v17 =	vmul.f32 v17, v3;
	s1 =	spop (v2sf)  }
0xb5: {  	v18 =	vmul.f32 v18, v5;
	v24 =	vmul.f32 v24, v7;
	v19 =	vld [tilespmem:s1+$0x1200]  }
0xb6: {  	v25 =	vmul.f32 v25, v9;
	v14 =	vbroadcast v15, $0x0;
	v29 =	vld [tilespmem:s1+$0x1210]  }
0xb7: {  	v26 =	vmul.f32 v26, v11;
	v28 =	vmul.f32 v28, v13  }
0xb8: {  	v22 =	vadd.f32 v23, v22;
	v48 =	vadd.f32 v30, v27;
	v20 =	vmul.f32 v14, v0  }
0xb9: {  	v49 =	vadd.f32 v47, v31;
	v17 =	vadd.f32 v18, v17;
	v14 =	vmul.f32 v14, v1  }
0xba: {  	v44 =	vbroadcast v21, $0xC;
	v24 =	vadd.f32 v25, v24;
	v19 =	vadd.f32 v19, v20  }
0xbb: {  	v45 =	vbroadcast v21, $0xD;
	v50 =	vadd.f32 v28, v26;
	v14 =	vadd.f32 v29, v14  }
0xbc: {  	v58 =	vmul.f32 v54, v2;
	v18 =	vld [tilespmem:s0+$0xFFFFFFC0];
	v23 =	vadd.f32 v49, v48;
	v22 =	vadd.f32 v19, v22  }
0xbd: {  	v59 =	vmul.f32 v55, v4;
	v24 =	vadd.f32 v50, v24;
	v20 =	vld [tilespmem:s0+$0xFFFFFFB0];
	v51 =	vadd.f32 v14, v17  }
0xbe: {  	v32 =	vmul.f32 v60, v6;
	v35 =	vmul.f32 v61, v8;
	v19 =	vld [tilespmem:s0+$0xFFFFFFD0];
	v22 =	vadd.f32 v22, v23  }
0xbf: {  	v36 =	vmul.f32 v62, v10;
	(v2sf) =	vpush v16, $0x2;
	v17 =	vld [tilespmem:s0+$0xFFFFFFE0];
	v52 =	vadd.f32 v51, v24  }
0xc0: {  	v63 =	vmul.f32 v33, v12;
	v38 =	vmul.f32 v33, v13;
	v14 =	vld [tilespmem:s0+$0xFFFFFFF0];
	[tilespmem:s5+$0xFFFFF800] =	vst v22  }
0xc1: {  	v30 =	vmul.f32 v61, v9;
	v31 =	vmul.f32 v62, v11;
	s2 =	spop (v2sf);
	[tilespmem:s5+$0xFFFFF810] =	vst v52  }
0xc2: {  	v27 =	vadd.f32 v59, v58;
	v48 =	vmul.f32 v44, v2;
	v53 =	vbroadcast v15, $0x1;
	v56 =	vld [tilespmem:s2+$0x1200]  }
0xc3: {  	v37 =	vadd.f32 v35, v32;
	v49 =	vmul.f32 v45, v4;
	v50 =	vbroadcast v21, $0xE;
	v34 =	vld [tilespmem:s2+$0x1210]  }
0xc4: {  	v26 =	vadd.f32 v63, v36;
	v21 =	vbroadcast v21, $0xF;
	v57 =	vmul.f32 v53, v0  }
0xc5: {  	v40 =	vadd.f32 v38, v31;
	v29 =	vmul.f32 v60, v7;
	v24 =	vmul.f32 v54, v3  }
0xc6: {  	v26 =	vadd.f32 v26, v37;
	v23 =	vmul.f32 v55, v5;
	v22 =	vmul.f32 v53, v1  }
0xc7: {  	v43 =	vbroadcast v15, $0x2;
	v39 =	vadd.f32 v30, v29;
	v25 =	vadd.f32 v56, v57  }
0xc8: {  	v62 =	vbroadcast v15, $0x3;
	v23 =	vadd.f32 v23, v24;
	v22 =	vadd.f32 v34, v22  }
0xc9: {  	(v2sf) =	vpush v16, $0x3;
	v47 =	vmul.f32 v43, v0;
	v25 =	vadd.f32 v25, v27  }
0xca: {  	v38 =	vmul.f32 v62, v0;
	v41 =	vadd.f32 v40, v39;
	v22 =	vadd.f32 v22, v23  }
0xcb: {  	v29 =	vmul.f32 v50, v7;
	v55 =	vmul.f32 v21, v8;
	v42 =	vadd.f32 v25, v26  }
0xcc: {  	v51 =	vbroadcast v20, $0x0;
	v53 =	vbroadcast v20, $0x1;
	v22 =	vadd.f32 v22, v41  }
0xcd: {  	v21 =	vmul.f32 v21, v9;
	v63 =	vbroadcast v20, $0x2;
	[tilespmem:s5+$0xFFFFF880] =	vst v42  }
0xce: {  	s3 =	spop (v2sf);
	v30 =	vmul.f32 v51, v11;
	v59 =	vmul.f32 v53, v13;
	[tilespmem:s5+$0xFFFFF890] =	vst v22  }
0xcf: {  	(v2sf) =	vpush v16, $0x4;
	v36 =	vbroadcast v20, $0x3;
	v52 =	vmul.f32 v50, v6;
	v46 =	vld [tilespmem:s3+$0x1200]  }
0xd0: {  	v24 =	vmul.f32 v44, v3;
	v21 =	vadd.f32 v21, v29;
	v60 =	vadd.f32 v59, v30;
	v54 =	vld [tilespmem:s3+$0x1210]  }
0xd1: {  	v39 =	vmul.f32 v63, v2;
	v40 =	vmul.f32 v36, v4;
	v58 =	vadd.f32 v55, v52  }
0xd2: {  	v56 =	vmul.f32 v51, v10;
	v57 =	vmul.f32 v53, v12;
	v21 =	vadd.f32 v60, v21  }
0xd3: {  	v23 =	vmul.f32 v43, v1;
	v27 =	vadd.f32 v49, v48;
	v22 =	vmul.f32 v45, v5  }
0xd4: {  	v43 =	vbroadcast v20, $0x6;
	v26 =	vadd.f32 v57, v56;
	v25 =	vadd.f32 v46, v47  }
0xd5: {  	v41 =	vbroadcast v20, $0x4;
	v22 =	vadd.f32 v22, v24;
	v23 =	vadd.f32 v54, v23  }
0xd6: {  	v48 =	vmul.f32 v43, v10;
	v26 =	vadd.f32 v26, v58;
	v25 =	vadd.f32 v25, v27  }
0xd7: {  	v30 =	vmul.f32 v43, v11;
	v56 =	vbroadcast v15, $0x4;
	v22 =	vadd.f32 v23, v22  }
0xd8: {  	v42 =	vbroadcast v20, $0x5;
	v45 =	vbroadcast v20, $0x7;
	v61 =	vadd.f32 v25, v26  }
0xd9: {  	v57 =	vbroadcast v20, $0x8;
	v28 =	vmul.f32 v41, v7;
	v21 =	vadd.f32 v22, v21  }
0xda: {  	v29 =	vmul.f32 v42, v9;
	v51 =	vmul.f32 v45, v13;
	[tilespmem:s5+$0xFFFFF900] =	vst v61  }
0xdb: {  	s4 =	spop (v2sf);
	v44 =	vmul.f32 v41, v6;
	v58 =	vbroadcast v20, $0x9;
	[tilespmem:s5+$0xFFFFF910] =	vst v21  }
0xdc: {  	v52 =	vadd.f32 v29, v28;
	v53 =	vadd.f32 v51, v30;
	v51 =	vbroadcast v20, $0xE;
	v37 =	vld [tilespmem:s4+$0x1200]  }
0xdd: {  	(v2sf) =	vpush v16, $0x5;
	v60 =	vmul.f32 v56, v0;
	v47 =	vmul.f32 v42, v8;
	v46 =	vld [tilespmem:s4+$0x1210]  }
0xde: {  	v49 =	vmul.f32 v45, v12;
	v54 =	vadd.f32 v53, v52;
	v53 =	vmul.f32 v51, v2  }
0xdf: {  	v23 =	vmul.f32 v63, v3;
	v50 =	vadd.f32 v47, v44;
	v63 =	vbroadcast v20, $0xA  }
0xe0: {  	v22 =	vmul.f32 v62, v1;
	v26 =	vadd.f32 v40, v39;
	v21 =	vmul.f32 v36, v5  }
0xe1: {  	v25 =	vadd.f32 v49, v48;
	v62 =	vmul.f32 v58, v4;
	v24 =	vadd.f32 v37, v38  }
0xe2: {  	v39 =	vbroadcast v20, $0xD;
	v21 =	vadd.f32 v21, v23;
	v22 =	vadd.f32 v46, v22  }
0xe3: {  	v28 =	vmul.f32 v63, v7;
	v25 =	vadd.f32 v25, v50;
	v24 =	vadd.f32 v24, v26  }
0xe4: {  	v61 =	vmul.f32 v57, v2;
	v36 =	vbroadcast v20, $0xB;
	v21 =	vadd.f32 v22, v21  }
0xe5: {  	v43 =	vmul.f32 v39, v12;
	v45 =	vmul.f32 v39, v13;
	v55 =	vadd.f32 v24, v25  }
0xe6: {  	v50 =	vbroadcast v15, $0x5;
	v39 =	vbroadcast v15, $0x6;
	v21 =	vadd.f32 v21, v54  }
0xe7: {  	v41 =	vmul.f32 v36, v8;
	v23 =	vmul.f32 v57, v3;
	[tilespmem:s5+$0xFFFFF980] =	vst v55  }
0xe8: {  	s6 =	spop (v2sf);
	v29 =	vmul.f32 v36, v9;
	v52 =	vmul.f32 v50, v0;
	[tilespmem:s5+$0xFFFFF990] =	vst v21  }
0xe9: {  	v57 =	vbroadcast v18, $0x2;
	v37 =	vbroadcast v20, $0xC;
	v59 =	vld [tilespmem:s6+$0x1200]  }
0xea: {  	(v2sf) =	vpush v16, $0x6;
	v38 =	vmul.f32 v63, v6;
	v20 =	vbroadcast v20, $0xF;
	v40 =	vld [tilespmem:s6+$0x1210]  }
0xeb: {  	v46 =	vadd.f32 v29, v28;
	v29 =	vmul.f32 v57, v11;
	v42 =	vmul.f32 v37, v10  }
0xec: {  	v22 =	vmul.f32 v56, v1;
	v26 =	vadd.f32 v62, v61;
	v30 =	vmul.f32 v37, v11  }
0xed: {  	v44 =	vadd.f32 v41, v38;
	v25 =	vadd.f32 v43, v42;
	v21 =	vmul.f32 v58, v5  }
0xee: {  	v56 =	vbroadcast v18, $0x1;
	v47 =	vadd.f32 v45, v30;
	v24 =	vadd.f32 v59, v60  }
0xef: {  	v62 =	vmul.f32 v57, v10;
	v21 =	vadd.f32 v21, v23;
	v22 =	vadd.f32 v40, v22  }
0xf0: {  	v41 =	vbroadcast v18, $0x5;
	v25 =	vadd.f32 v25, v44;
	v24 =	vadd.f32 v24, v26  }
0xf1: {  	v54 =	vmul.f32 v20, v4;
	v48 =	vadd.f32 v47, v46;
	v21 =	vadd.f32 v22, v21  }
0xf2: {  	v61 =	vmul.f32 v56, v8;
	v20 =	vmul.f32 v20, v5;
	v49 =	vadd.f32 v24, v25  }
0xf3: {  	v28 =	vmul.f32 v56, v9;
	v43 =	vmul.f32 v39, v0;
	v21 =	vadd.f32 v21, v48  }
0xf4: {  	v45 =	vmul.f32 v41, v4;
	v55 =	vbroadcast v18, $0x0;
	[tilespmem:s5+$0xFFFFFA00] =	vst v49  }
0xf5: {  	s16 =	spop (v2sf);
	v30 =	vbroadcast v17, $0x1;
	v46 =	vbroadcast v18, $0x6;
	[tilespmem:s5+$0xFFFFFA10] =	vst v21  }
0xf6: {  	v58 =	vmul.f32 v55, v6;
	v23 =	vmul.f32 v51, v3;
	v21 =	vld [tilespmem:s16+$0x1200]  }
0xf7: {  	(v2sf) =	vpush v16, $0x7;
	v27 =	vmul.f32 v55, v7;
	v59 =	vbroadcast v18, $0x3;
	v60 =	vld [tilespmem:s16+$0x1210]  }
0xf8: {  	v47 =	vbroadcast v18, $0x7;
	v33 =	vadd.f32 v61, v58;
	v20 =	vadd.f32 v20, v23  }
0xf9: {  	v36 =	vadd.f32 v28, v27;
	v27 =	vmul.f32 v46, v7;
	v63 =	vmul.f32 v59, v12  }
0xfa: {  	v22 =	vmul.f32 v50, v1;
	v35 =	vmul.f32 v59, v13;
	v25 =	vadd.f32 v54, v53  }
0xfb: {  	v28 =	vmul.f32 v47, v9;
	v24 =	vadd.f32 v63, v62;
	v21 =	vadd.f32 v21, v52  }
0xfc: {  	v50 =	vbroadcast v18, $0x9;
	v37 =	vadd.f32 v35, v29;
	v22 =	vadd.f32 v60, v22  }
0xfd: {  	v48 =	vbroadcast v18, $0x8;
	v24 =	vadd.f32 v24, v33;
	v21 =	vadd.f32 v21, v25  }
0xfe: {  	v40 =	vbroadcast v18, $0x4;
	v38 =	vadd.f32 v37, v36;
	v20 =	vadd.f32 v22, v20  }
0xff: {  	v56 =	vmul.f32 v50, v13;
	v29 =	vmul.f32 v48, v11;
	v21 =	vadd.f32 v21, v24  }
0x100: {  	v61 =	vbroadcast v15, $0x7;
	v57 =	vadd.f32 v28, v27;
	v20 =	vadd.f32 v20, v38  }
0x101: {  	v44 =	vmul.f32 v40, v2;
	v54 =	vmul.f32 v50, v12;
	v58 =	vadd.f32 v56, v29;
	[tilespmem:s5+$0xFFFFFA80] =	vst v21  }
0x102: {  	s2 =	spop (v2sf);
	v62 =	vbroadcast v18, $0xA;
	v63 =	vbroadcast v18, $0xB;
	[tilespmem:s5+$0xFFFFFA90] =	vst v20  }
0x103: {  	v49 =	vmul.f32 v46, v6;
	v59 =	vadd.f32 v58, v57;
	v58 =	vbroadcast v19, $0x2;
	v42 =	vld [tilespmem:s2+$0x1200]  }
0x104: {  	v53 =	vmul.f32 v48, v10;
	v37 =	vmul.f32 v61, v0;
	v51 =	vld [tilespmem:s2+$0x1210]  }
0x105: {  	(v2sf) =	vpush v16, $0x8;
	v52 =	vmul.f32 v47, v8;
	v26 =	vmul.f32 v58, v7  }
0x106: {  	v25 =	vadd.f32 v45, v44;
	v22 =	vmul.f32 v40, v3;
	v40 =	vbroadcast v18, $0xC  }
0x107: {  	v55 =	vadd.f32 v52, v49;
	v21 =	vmul.f32 v39, v1;
	v20 =	vmul.f32 v41, v5  }
0x108: {  	v52 =	vbroadcast v19, $0x0;
	v24 =	vadd.f32 v54, v53;
	v23 =	vadd.f32 v42, v43  }
0x109: {  	v38 =	vmul.f32 v62, v2;
	v20 =	vadd.f32 v20, v22;
	v21 =	vadd.f32 v51, v21  }
0x10a: {  	v27 =	vmul.f32 v40, v7;
	v24 =	vadd.f32 v24, v55;
	v23 =	vadd.f32 v23, v25  }
0x10b: {  	v53 =	vbroadcast v19, $0x1;
	v41 =	vbroadcast v18, $0xD;
	v20 =	vadd.f32 v21, v20  }
0x10c: {  	v56 =	vmul.f32 v52, v2;
	v39 =	vmul.f32 v63, v4;
	v60 =	vadd.f32 v23, v24  }
0x10d: {  	v57 =	vmul.f32 v53, v4;
	v45 =	vmul.f32 v41, v8;
	v20 =	vadd.f32 v20, v59  }
0x10e: {  	v22 =	vmul.f32 v62, v3;
	v28 =	vmul.f32 v41, v9;
	[tilespmem:s5+$0xFFFFFB00] =	vst v60  }
0x10f: {  	s3 =	spop (v2sf);
	v62 =	vbroadcast v19, $0x5;
	v42 =	vbroadcast v18, $0xE;
	[tilespmem:s5+$0xFFFFFB10] =	vst v20  }
0x110: {  	(v2sf) =	vpush v16, $0x9;
	v43 =	vmul.f32 v40, v6;
	v18 =	vbroadcast v18, $0xF;
	v36 =	vld [tilespmem:s3+$0x1200]  }
0x111: {  	(v2sf) =	vpush v16, $0xA;
	v51 =	vbroadcast v15, $0x8;
	v46 =	vmul.f32 v42, v10;
	v44 =	vld [tilespmem:s3+$0x1210]  }
0x112: {  	v49 =	vadd.f32 v28, v27;
	v47 =	vmul.f32 v18, v12;
	v21 =	vmul.f32 v61, v1  }
0x113: {  	v25 =	vadd.f32 v39, v38;
	v29 =	vmul.f32 v42, v11;
	v18 =	vmul.f32 v18, v13  }
0x114: {  	v48 =	vadd.f32 v45, v43;
	v24 =	vadd.f32 v47, v46;
	v20 =	vmul.f32 v63, v5  }
0x115: {  	v40 =	vmul.f32 v62, v13;
	v18 =	vadd.f32 v18, v29;
	v23 =	vadd.f32 v36, v37  }
0x116: {  	v55 =	vmul.f32 v51, v0;
	v20 =	vadd.f32 v20, v22;
	v21 =	vadd.f32 v44, v21  }
0x117: {  	v61 =	vmul.f32 v58, v6;
	v24 =	vadd.f32 v24, v48;
	v23 =	vadd.f32 v23, v25  }
0x118: {  	v38 =	vmul.f32 v62, v12;
	v18 =	vadd.f32 v18, v49;
	v20 =	vadd.f32 v21, v20  }
0x119: {  	v45 =	vbroadcast v15, $0x9;
	v59 =	vbroadcast v19, $0x3;
	v50 =	vadd.f32 v23, v24  }
0x11a: {  	v46 =	vbroadcast v19, $0x6;
	v60 =	vbroadcast v19, $0x4;
	v18 =	vadd.f32 v20, v18  }
0x11b: {  	(v2sf) =	vpush v16, $0xB;
	v47 =	vbroadcast v19, $0x7;
	v29 =	vbroadcast v17, $0x0;
	[tilespmem:s5+$0xFFFFFB80] =	vst v50  }
0x11c: {  	(v2sf) =	vpush v16, $0xC;
	s4 =	spop (v2sf);
	v27 =	vmul.f32 v59, v9;
	v28 =	vmul.f32 v60, v11;
	[tilespmem:s5+$0xFFFFFB90] =	vst v18  }
0x11d: {  	(v2sf) =	vpush v16, $0xD;
	v48 =	vmul.f32 v45, v0;
	v49 =	vmul.f32 v46, v2;
	v54 =	vld [tilespmem:s4+$0x1200]  }
0x11e: {  	v41 =	vadd.f32 v27, v26;
	v42 =	vadd.f32 v40, v28;
	v36 =	vmul.f32 v59, v8;
	v63 =	vld [tilespmem:s4+$0x1210]  }
0x11f: {  	(v2sf) =	vpush v16, $0xE;
	v62 =	vmul.f32 v47, v5;
	v37 =	vmul.f32 v60, v10  }
0x120: {  	v43 =	vadd.f32 v42, v41;
	v21 =	vmul.f32 v52, v3;
	v39 =	vadd.f32 v36, v61  }
0x121: {  	v20 =	vmul.f32 v51, v1;
	v24 =	vadd.f32 v57, v56;
	v18 =	vmul.f32 v53, v5  }
0x122: {  	v61 =	vmul.f32 v46, v3;
	v23 =	vadd.f32 v38, v37;
	v22 =	vadd.f32 v54, v55  }
0x123: {  	v51 =	vbroadcast v19, $0x8;
	v18 =	vadd.f32 v18, v21;
	v20 =	vadd.f32 v63, v20  }
0x124: {  	v59 =	vld [tilespmem:s31+$0x0];
	v56 =	vbroadcast v19, $0xB;
	v23 =	vadd.f32 v23, v39;
	v22 =	vadd.f32 v22, v24  }
0x125: {  	v50 =	vmul.f32 v47, v4;
	v53 =	vbroadcast v19, $0x9;
	v18 =	vadd.f32 v20, v18  }
0x126: {  	v60 =	vmul.f32 v56, v12;
	v32 =	vmul.f32 v51, v7;
	v44 =	vadd.f32 v22, v23  }
0x127: {  	v37 =	vmul.f32 v56, v13;
	v57 =	vmul.f32 v53, v8;
	v18 =	vadd.f32 v18, v43  }
0x128: {  	(v2sf) =	vpush v16, $0xF;
	v35 =	vmul.f32 v53, v9;
	v54 =	vbroadcast v19, $0xA;
	[tilespmem:s5+$0xFFFFFC00] =	vst v44  }
0x129: {  	s6 =	spop (v2sf);
	v34 =	vmul.u32 $0x6, v59;
	v53 =	vmul.f32 v29, v10;
	v29 =	vmul.f32 v29, v11;
	[tilespmem:s5+$0xFFFFFC10] =	vst v18  }
0x12a: {  	v21 =	vadd.f32 v62, v61;
	v55 =	vmul.f32 v51, v6;
	v58 =	vmul.f32 v54, v10;
	v18 =	vld [tilespmem:s6+$0x1200]  }
0x12b: {  	v38 =	vadd.f32 v35, v32;
	v20 =	vmul.f32 v45, v1;
	v36 =	vmul.f32 v54, v11  }
0x12c: {  	v63 =	vld [tilespmem:s30+$0x0];
	v24 =	vadd.f32 v50, v49;
	v45 =	vbroadcast v19, $0xD;
	v50 =	vbroadcast v19, $0xE  }
0x12d: {  	v31 =	vadd.f32 v57, v55;
	v54 =	vmul.f32 v30, v12;
	v30 =	vmul.f32 v30, v13;
	v52 =	vld [tilespmem:s6+$0x1210]  }
0x12e: {  	v25 =	vadd.f32 v60, v58;
	v39 =	vadd.f32 v37, v36;
	v43 =	vbroadcast v15, $0xA  }
0x12f: {  	v49 =	vmul.f32 v45, v4;
	v51 =	vmul.f32 v50, v6;
	v23 =	vadd.f32 v18, v48  }
0x130: {  	v28 =	vmul.f32 v50, v7;
	v29 =	vadd.f32 v30, v29;
	v41 =	vadd.f32 v25, v31  }
0x131: {  	v44 =	vbroadcast v19, $0xC;
	v19 =	vbroadcast v19, $0xF;
	v40 =	vadd.f32 v23, v24;
	v24 =	vld [tilespmem:s0+$0x0]  }
0x132: {  	v22 =	vadd.s32 v63, v34;
	v16 =	vadd.f32 v39, v38;
	v20 =	vadd.f32 v52, v20  }
0x133: {  	v47 =	vmul.f32 v43, v0;
	v50 =	vmul.f32 v19, v9;
	v18 =	vshll.u32 v22, $0x5  }
0x134: {  	v48 =	vmul.f32 v44, v2;
	v52 =	vmul.f32 v19, v8;
	v20 =	vadd.f32 v20, v21  }
0x135: {  	v22 =	vmul.f32 v45, v5;
	(v2sf) =	vpush v18, $0x0;
	v21 =	vmul.f32 v44, v3  }
0x136: {  	v16 =	vadd.f32 v20, v16;
	v20 =	vmul.f32 v43, v1;
	v57 =	vbroadcast v24, $0x0  }
0x137: {  	v42 =	vadd.f32 v40, v41;
	v58 =	vbroadcast v24, $0x1;
	v39 =	vbroadcast v24, $0x2  }
0x138: {  	v25 =	vadd.f32 v54, v53;
	v61 =	vbroadcast v24, $0x3;
	v40 =	vbroadcast v24, $0x4  }
0x139: {  	v31 =	vadd.f32 v52, v51;
	[tilespmem:s5+$0xFFFFFC80] =	vst v42;
	v41 =	vbroadcast v24, $0x5;
	v52 =	vbroadcast v24, $0x6  }
0x13a: {  	s16 =	spop (v2sf);
	(v2sf) =	vpush v18, $0x1;
	[tilespmem:s5+$0xFFFFFC90] =	vst v16;
	v16 =	vld [tilespmem:s29+$0x0];
	v53 =	vbroadcast v24, $0x7;
	v37 =	vmul.f32 v57, v2  }
0x13b: {  	v28 =	vadd.f32 v50, v28;
	v46 =	vld [tilespmem:s16+$0x1200];
	v38 =	vmul.f32 v58, v4;
	v62 =	vmul.f32 v39, v6  }
0x13c: {  	v55 =	vld [tilespmem:s16+$0x1210];
	v45 =	vmul.f32 v61, v8;
	v43 =	vmul.f32 v40, v10  }
0x13d: {  	v28 =	vadd.f32 v29, v28;
	v35 =	vmul.f32 v57, v3;
	v33 =	vmul.f32 v61, v9  }
0x13e: {  	v26 =	vadd.f32 v49, v48;
	v48 =	vmul.f32 v40, v11;
	v49 =	vmul.f32 v41, v13  }
0x13f: {  	s6 =	spop (v2sf);
	v25 =	vadd.f32 v25, v31;
	v57 =	vmul.f32 v53, v4;
	v40 =	vbroadcast v17, $0x7  }
0x140: {  	s4 =	spop (v2sf);
	v42 =	vadd.f32 v22, v21;
	v56 =	vbroadcast v16, $0x0;
	v51 =	vbroadcast v16, $0x1  }
0x141: {  	s3 =	spop (v2sf);
	v23 =	vadd.f32 v46, v47;
	v27 =	vadd.f32 v55, v20;
	v46 =	vmul.f32 v41, v12  }
0x142: {  	s2 =	spop (v2sf);
	v20 =	vadd.f32 v45, v62;
	v47 =	vmul.f32 v39, v7;
	v62 =	vbroadcast v24, $0xB  }
0x143: {  	s1 =	spop (v2sf);
	v37 =	vadd.f32 v38, v37;
	v60 =	vmul.f32 v56, v0;
	v34 =	vmul.f32 v56, v1  }
0x144: {  	v38 =	vadd.f32 v49, v48;
	v55 =	vmul.f32 v51, v0;
	v56 =	vmul.f32 v52, v2;
	s16 =	spop (v2sf)  }
0x145: {  	v31 =	vmul.f32 v51, v1;
	v26 =	vadd.f32 v23, v26;
	v23 =	vmul.f32 v58, v5;
	v59 =	vld [tilespmem:s16+$0x1200]  }
0x146: {  	v36 =	vadd.f32 v46, v43;
	v33 =	vadd.f32 v33, v47;
	v58 =	vbroadcast v24, $0x8;
	v63 =	vld [tilespmem:s16+$0x1210]  }
0x147: {  	v27 =	vadd.f32 v27, v42;
	v46 =	vmul.f32 v62, v12;
	v49 =	vmul.f32 v62, v13  }
0x148: {  	v42 =	vbroadcast v17, $0x5;
	v35 =	vadd.f32 v23, v35;
	v36 =	vadd.f32 v36, v20  }
0x149: {  	v33 =	vadd.f32 v38, v33;
	v61 =	vmul.f32 v58, v6;
	s16 =	spop (v2sf);
	(v2sf) =	vpush v18, $0x2  }
0x14a: {  	v25 =	vadd.f32 v26, v25;
	v47 =	vmul.f32 v58, v7;
	v58 =	vbroadcast v24, $0xD  }
0x14b: {  	v32 =	vadd.f32 v59, v60;
	v34 =	vadd.f32 v63, v34;
	v59 =	vbroadcast v24, $0x9  }
0x14c: {  	v27 =	vadd.f32 v27, v28;
	v62 =	vmul.f32 v58, v4;
	v60 =	vbroadcast v24, $0xA  }
0x14d: {  	v23 =	vld [tilespmem:s0+$0x10];
	v32 =	vadd.f32 v32, v37;
	v34 =	vadd.f32 v34, v35;
	v44 =	vmul.f32 v59, v8  }
0x14e: {  	v45 =	vmul.f32 v60, v10;
	v35 =	vadd.f32 v57, v56;
	v29 =	vmul.f32 v59, v9  }
0x14f: {  	v19 =	vld [tilespmem:s0+$0x50];
	v48 =	vmul.f32 v60, v11;
	v56 =	vbroadcast v16, $0x2;
	v32 =	vadd.f32 v32, v36  }
0x150: {  	v22 =	vld [tilespmem:s0+$0x20];
	v57 =	vbroadcast v24, $0xC;
	v33 =	vadd.f32 v34, v33;
	v26 =	vadd.f32 v44, v61  }
0x151: {  	v21 =	vld [tilespmem:s0+$0x30];
	v34 =	vadd.f32 v46, v45;
	v36 =	vbroadcast v17, $0x2;
	v60 =	vmul.f32 v56, v0  }
0x152: {  	v20 =	vld [tilespmem:s0+$0x40];
	v51 =	vadd.f32 v49, v48;
	v61 =	vmul.f32 v57, v2;
	v48 =	vbroadcast v23, $0x0;
	[tilespmem:s5+$0x0] =	vst v32  }
0x153: {  	v29 =	vadd.f32 v29, v47;
	[tilespmem:s5+$0x10] =	vst v33;
	v32 =	vmul.f32 v52, v3;
	v33 =	vmul.f32 v53, v5  }
0x154: {  	v26 =	vadd.f32 v34, v26;
	v34 =	vbroadcast v17, $0x3;
	v53 =	vmul.f32 v36, v2;
	v63 =	vld [tilespmem:s16+$0x1210]  }
0x155: {  	v45 =	vmul.f32 v48, v10;
	v39 =	vadd.f32 v62, v61;
	v36 =	vmul.f32 v36, v3;
	v54 =	vld [tilespmem:s16+$0x1200]  }
0x156: {  	v61 =	vbroadcast v16, $0x3;
	v50 =	vadd.f32 v33, v32;
	v32 =	vbroadcast v15, $0xB  }
0x157: {  	v29 =	vadd.f32 v51, v29;
	v62 =	vbroadcast v23, $0x2;
	v33 =	vmul.f32 v57, v3  }
0x158: {  	v57 =	vmul.f32 v42, v8;
	v52 =	vmul.f32 v32, v0;
	s16 =	spop (v2sf);
	(v2sf) =	vpush v18, $0x3  }
0x159: {  	v32 =	vmul.f32 v32, v1;
	v28 =	vadd.f32 v63, v31;
	v63 =	vbroadcast v24, $0xE  }
0x15a: {  	[tilespmem:s5+$0xFFFFFD00] =	vst v25;
	v30 =	vadd.f32 v54, v55;
	v54 =	vmul.f32 v34, v4;
	v24 =	vbroadcast v24, $0xF  }
0x15b: {  	[tilespmem:s5+$0xFFFFFD10] =	vst v27;
	v28 =	vadd.f32 v28, v50;
	v49 =	vmul.f32 v63, v6;
	v50 =	vbroadcast v23, $0x1  }
0x15c: {  	v55 =	vld [tilespmem:s6+$0x1200];
	v27 =	vadd.f32 v54, v53;
	v51 =	vmul.f32 v24, v8;
	v53 =	vmul.f32 v63, v7  }
0x15d: {  	v30 =	vadd.f32 v30, v35;
	v24 =	vmul.f32 v24, v9;
	v54 =	vmul.f32 v48, v11  }
0x15e: {  	v63 =	vmul.f32 v34, v5;
	v48 =	vbroadcast v23, $0x3  }
0x15f: {  	v26 =	vadd.f32 v30, v26;
	v30 =	vbroadcast v17, $0x4;
	v28 =	vadd.f32 v28, v29  }
0x160: {  	v29 =	vadd.f32 v51, v49;
	v24 =	vadd.f32 v24, v53;
	v51 =	vmul.f32 v61, v0  }
0x161: {  	v53 =	vmul.f32 v48, v4;
	v25 =	vadd.f32 v55, v52;
	v52 =	vmul.f32 v50, v12  }
0x162: {  	v55 =	vmul.f32 v50, v13;
	[tilespmem:s5+$0x80] =	vst v26;
	v35 =	vmul.f32 v30, v6  }
0x163: {  	[tilespmem:s5+$0x90] =	vst v28;
	v26 =	vmul.f32 v56, v1;
	v28 =	vmul.f32 v58, v5  }
0x164: {  	v30 =	vmul.f32 v30, v7;
	v59 =	vld [tilespmem:s16+$0x1200];
	v38 =	vadd.f32 v52, v45;
	v56 =	vadd.f32 v55, v54  }
0x165: {  	v44 =	vld [tilespmem:s16+$0x1210];
	v25 =	vadd.f32 v25, v27;
	v52 =	vmul.f32 v62, v2;
	v54 =	vbroadcast v23, $0x4  }
0x166: {  	v55 =	vbroadcast v23, $0x5;
	v27 =	vadd.f32 v63, v36;
	v45 =	vmul.f32 v42, v9  }
0x167: {  	v28 =	vadd.f32 v28, v33;
	v33 =	vbroadcast v17, $0x6;
	v49 =	vadd.f32 v57, v35  }
0x168: {  	v24 =	vadd.f32 v56, v24;
	v56 =	vbroadcast v23, $0x6;
	v57 =	vmul.f32 v54, v6  }
0x169: {  	v29 =	vadd.f32 v38, v29;
	v46 =	vmul.f32 v55, v8;
	v31 =	vmul.f32 v55, v9  }
0x16a: {  	v58 =	vmul.f32 v33, v10;
	v37 =	vadd.f32 v59, v60;
	v26 =	vadd.f32 v44, v26  }
0x16b: {  	v33 =	vmul.f32 v33, v11;
	v59 =	vmul.f32 v40, v12;
	v60 =	vld [tilespmem:s6+$0x1210];
	s16 =	spop (v2sf);
	(v2sf) =	vpush v18, $0x4  }
0x16c: {  	v47 =	vmul.f32 v56, v10;
	v37 =	vadd.f32 v37, v39;
	v26 =	vadd.f32 v26, v28  }
0x16d: {  	v28 =	vadd.f32 v59, v58;
	v58 =	vbroadcast v23, $0x7;
	v39 =	vadd.f32 v53, v52  }
0x16e: {  	v29 =	vadd.f32 v37, v29;
	v24 =	vadd.f32 v26, v24;
	v37 =	vmul.f32 v62, v3  }
0x16f: {  	v62 =	vmul.f32 v56, v11;
	v63 =	vmul.f32 v58, v13;
	v28 =	vadd.f32 v28, v49  }
0x170: {  	v56 =	vbroadcast v23, $0xA;
	v26 =	vadd.f32 v60, v32;
	v60 =	vmul.f32 v58, v12  }
0x171: {  	v32 =	vadd.f32 v46, v57;
	v46 =	vmul.f32 v40, v13;
	v57 =	vbroadcast v23, $0xB  }
0x172: {  	v49 =	vadd.f32 v45, v30;
	v58 =	vbroadcast v23, $0xC;
	[tilespmem:s5+$0x100] =	vst v29;
	v29 =	vmul.f32 v61, v1  }
0x173: {  	[tilespmem:s5+$0x110] =	vst v24;
	v24 =	vmul.f32 v48, v5;
	v61 =	vmul.f32 v54, v7;
	v43 =	vadd.f32 v63, v62  }
0x174: {  	v48 =	vbroadcast v23, $0x8;
	v25 =	vadd.f32 v25, v28;
	v42 =	vmul.f32 v56, v7  }
0x175: {  	v50 =	vld [tilespmem:s16+$0x1200];
	v38 =	vadd.f32 v60, v47;
	v47 =	vbroadcast v16, $0x4;
	v60 =	vbroadcast v23, $0xD  }
0x176: {  	v59 =	vld [tilespmem:s16+$0x1210];
	v26 =	vadd.f32 v26, v27;
	v62 =	vmul.f32 v57, v8;
	v63 =	vmul.f32 v58, v10  }
0x177: {  	v30 =	vmul.f32 v57, v9;
	v57 =	vbroadcast v22, $0x1;
	v31 =	vadd.f32 v31, v61  }
0x178: {  	v24 =	vadd.f32 v24, v37;
	v54 =	vmul.f32 v48, v2;
	v32 =	vadd.f32 v38, v32  }
0x179: {  	v53 =	vmul.f32 v47, v0;
	v41 =	vmul.f32 v60, v12;
	v44 =	vadd.f32 v43, v31  }
0x17a: {  	v43 =	vmul.f32 v58, v11;
	v58 =	vbroadcast v22, $0x2;
	v35 =	vadd.f32 v50, v51  }
0x17b: {  	v29 =	vadd.f32 v59, v29;
	v50 =	vbroadcast v23, $0x9;
	v51 =	vadd.f32 v46, v33  }
0x17c: {  	v59 =	vmul.f32 v56, v6;
	v33 =	vadd.f32 v41, v63;
	v56 =	vbroadcast v22, $0x0  }
0x17d: {  	v63 =	vmul.f32 v58, v10;
	v41 =	vbroadcast v17, $0xB;
	v35 =	vadd.f32 v35, v39  }
0x17e: {  	v24 =	vadd.f32 v29, v24;
	v55 =	vmul.f32 v50, v4;
	v27 =	vadd.f32 v51, v49  }
0x17f: {  	v29 =	vmul.f32 v47, v1;
	v28 =	vadd.f32 v62, v59;
	v32 =	vadd.f32 v35, v32  }
0x180: {  	v51 =	vbroadcast v16, $0x5;
	v59 =	vmul.f32 v56, v6;
	v24 =	vadd.f32 v24, v44  }
0x181: {  	v62 =	vmul.f32 v57, v8;
	s16 =	spop (v2sf);
	(v2sf) =	vpush v18, $0x5;
	v44 =	vmul.f32 v60, v13;
	[tilespmem:s5+$0x180] =	vst v32  }
0x182: {  	v35 =	vbroadcast v17, $0x8;
	v28 =	vadd.f32 v33, v28;
	v33 =	vbroadcast v17, $0x9;
	[tilespmem:s5+$0x190] =	vst v24  }
0x183: {  	v60 =	vbroadcast v22, $0x3;
	v32 =	vmul.f32 v48, v3;
	v52 =	vld [tilespmem:s16+$0x1200]  }
0x184: {  	v26 =	vadd.f32 v26, v27;
	v48 =	vmul.f32 v35, v2;
	v49 =	vmul.f32 v33, v4;
	v61 =	vld [tilespmem:s16+$0x1210]  }
0x185: {  	v30 =	vadd.f32 v30, v42;
	v39 =	vbroadcast v17, $0xD;
	v24 =	vmul.f32 v50, v5  }
0x186: {  	v34 =	vadd.f32 v55, v54;
	[tilespmem:s5+$0xFFFFFD90] =	vst v26;
	v26 =	vadd.f32 v49, v48;
	v48 =	vmul.f32 v60, v12  }
0x187: {  	v45 =	vadd.f32 v44, v43;
	v24 =	vadd.f32 v24, v32;
	v49 =	vmul.f32 v56, v7  }
0x188: {  	v36 =	vadd.f32 v48, v63;
	v63 =	vbroadcast v22, $0x5;
	v31 =	vadd.f32 v52, v53  }
0x189: {  	[tilespmem:s5+$0xFFFFFD80] =	vst v25;
	v27 =	vadd.f32 v61, v29;
	v29 =	vbroadcast v15, $0xC;
	v52 =	vbroadcast v23, $0xE  }
0x18a: {  	v50 =	vld [tilespmem:s4+$0x1200];
	v46 =	vadd.f32 v45, v30;
	v23 =	vbroadcast v23, $0xF;
	v53 =	vmul.f32 v51, v0  }
0x18b: {  	v31 =	vadd.f32 v31, v34;
	v47 =	vmul.f32 v29, v0;
	v54 =	vmul.f32 v52, v2  }
0x18c: {  	v24 =	vadd.f32 v27, v24;
	v55 =	vmul.f32 v23, v4;
	v32 =	vmul.f32 v52, v3  }
0x18d: {  	v23 =	vmul.f32 v23, v5;
	v27 =	vadd.f32 v62, v59;
	v52 =	vmul.f32 v60, v13  }
0x18e: {  	v59 =	vmul.f32 v35, v3;
	v62 =	vmul.f32 v33, v5;
	v28 =	vadd.f32 v31, v28  }
0x18f: {  	v31 =	vbroadcast v17, $0xA;
	v24 =	vadd.f32 v24, v46;
	v25 =	vadd.f32 v50, v47  }
0x190: {  	v50 =	vmul.f32 v57, v9;
	v23 =	vadd.f32 v23, v32;
	v32 =	vbroadcast v17, $0xC;
	[tilespmem:s5+$0x200] =	vst v28  }
0x191: {  	v37 =	vadd.f32 v55, v54;
	v54 =	vmul.f32 v41, v8;
	v57 =	vmul.f32 v39, v12;
	[tilespmem:s5+$0x210] =	vst v24;
	s16 =	spop (v2sf)  }
0x192: {  	v27 =	vadd.f32 v36, v27;
	v47 =	vmul.f32 v41, v9;
	v34 =	vmul.f32 v31, v6;
	v24 =	vld [tilespmem:s16+$0x1200]  }
0x193: {  	v28 =	vmul.f32 v51, v1;
	v51 =	vmul.f32 v58, v11;
	v30 =	vadd.f32 v50, v49;
	v61 =	vld [tilespmem:s16+$0x1210]  }
0x194: {  	v56 =	vmul.f32 v32, v10;
	v58 =	vmul.f32 v29, v1;
	v25 =	vadd.f32 v25, v26  }
0x195: {  	v26 =	vadd.f32 v62, v59;
	v33 =	vadd.f32 v54, v34;
	v54 =	vbroadcast v22, $0x8  }
0x196: {  	v46 =	vmul.f32 v31, v7;
	v32 =	vmul.f32 v32, v11;
	(v2sf) =	vpush v18, $0x6  }
0x197: {  	v59 =	vmul.f32 v54, v10;
	v62 =	vmul.f32 v54, v11;
	v24 =	vadd.f32 v24, v53  }
0x198: {  	v28 =	vadd.f32 v61, v28;
	v53 =	vadd.f32 v52, v51;
	v61 =	vbroadcast v22, $0x4  }
0x199: {  	v60 =	vld [tilespmem:s4+$0x1210];
	v51 =	vmul.f32 v63, v4;
	v52 =	vbroadcast v22, $0x6;
	v24 =	vadd.f32 v24, v37  }
0x19a: {  	v23 =	vadd.f32 v28, v23;
	v55 =	vadd.f32 v53, v30;
	v50 =	vmul.f32 v61, v2  }
0x19b: {  	v30 =	vadd.f32 v57, v56;
	v53 =	vbroadcast v22, $0x7;
	v56 =	vbroadcast v22, $0x9  }
0x19c: {  	v35 =	vmul.f32 v61, v3;
	v61 =	vmul.f32 v52, v7  }
0x19d: {  	v24 =	vadd.f32 v24, v27;
	v23 =	vadd.f32 v23, v55;
	v55 =	vmul.f32 v52, v6  }
0x19e: {  	v27 =	vadd.f32 v60, v58;
	v58 =	vmul.f32 v53, v8;
	v60 =	vmul.f32 v56, v12  }
0x19f: {  	v38 =	vadd.f32 v51, v50;
	v37 =	vmul.f32 v53, v9;
	v50 =	vbroadcast v16, $0x7  }
0x1a0: {  	v51 =	vbroadcast v22, $0xA;
	v53 =	vbroadcast v22, $0xB;
	[tilespmem:s5+$0x280] =	vst v24  }
0x1a1: {  	v52 =	vadd.f32 v47, v46;
	v24 =	vbroadcast v16, $0x6;
	[tilespmem:s5+$0x290] =	vst v23;
	v23 =	vmul.f32 v63, v5  }
0x1a2: {  	v28 =	vadd.f32 v58, v55;
	v63 =	vmul.f32 v56, v13;
	v56 =	vmul.f32 v50, v0  }
0x1a3: {  	v36 =	vadd.f32 v60, v59;
	v59 =	vbroadcast v22, $0xC;
	v60 =	vbroadcast v22, $0xD  }
0x1a4: {  	v40 =	vadd.f32 v37, v61;
	v61 =	vbroadcast v22, $0xE;
	v22 =	vbroadcast v22, $0xF  }
0x1a5: {  	v26 =	vadd.f32 v27, v26;
	v58 =	vmul.f32 v53, v4;
	v37 =	vbroadcast v14, $0x3  }
0x1a6: {  	v49 =	vmul.f32 v24, v0;
	v44 =	vadd.f32 v63, v62;
	v42 =	vmul.f32 v22, v12;
	s16 =	spop (v2sf)  }
0x1a7: {  	v43 =	vmul.f32 v59, v7;
	v29 =	vmul.f32 v60, v9;
	(v2sf) =	vpush v18, $0x7;
	v48 =	vld [tilespmem:s16+$0x1200]  }
0x1a8: {  	v22 =	vmul.f32 v22, v13;
	v57 =	vld [tilespmem:s16+$0x1210];
	v45 =	vadd.f32 v44, v40;
	v44 =	vmul.f32 v61, v11  }
0x1a9: {  	v24 =	vmul.f32 v24, v1;
	v23 =	vadd.f32 v23, v35;
	v40 =	vmul.f32 v60, v8  }
0x1aa: {  	v29 =	vadd.f32 v29, v43;
	v60 =	vbroadcast v21, $0x5;
	v22 =	vadd.f32 v22, v44  }
0x1ab: {  	v28 =	vadd.f32 v36, v28;
	v62 =	vmul.f32 v59, v6;
	v41 =	vmul.f32 v61, v10  }
0x1ac: {  	v43 =	vmul.f32 v60, v12;
	v22 =	vadd.f32 v22, v29;
	v29 =	vbroadcast v14, $0x0  }
0x1ad: {  	v34 =	vadd.f32 v48, v49;
	v24 =	vadd.f32 v57, v24;
	v48 =	vmul.f32 v39, v13  }
0x1ae: {  	v49 =	vadd.f32 v30, v33;
	v57 =	vmul.f32 v51, v2;
	v30 =	vmul.f32 v51, v3  }
0x1af: {  	v51 =	vbroadcast v21, $0x1;
	v34 =	vadd.f32 v34, v38;
	v23 =	vadd.f32 v24, v23  }
0x1b0: {  	v39 =	vbroadcast v14, $0x1;
	v54 =	vadd.f32 v48, v32;
	v24 =	vadd.f32 v25, v49  }
0x1b1: {  	v33 =	vadd.f32 v58, v57;
	v25 =	vadd.f32 v40, v62;
	v49 =	vbroadcast v16, $0x8  }
0x1b2: {  	v32 =	vadd.f32 v42, v41;
	v57 =	vbroadcast v21, $0x3;
	v58 =	vbroadcast v21, $0x4  }
0x1b3: {  	v40 =	vbroadcast v21, $0xC;
	v42 =	vbroadcast v21, $0xD;
	v23 =	vadd.f32 v23, v45  }
0x1b4: {  	v38 =	vbroadcast v14, $0x7;
	v28 =	vadd.f32 v34, v28;
	v27 =	vadd.f32 v54, v52  }
0x1b5: {  	v25 =	vadd.f32 v32, v25;
	v32 =	vmul.f32 v29, v6;
	[tilespmem:s5+$0x310] =	vst v23;
	v23 =	vmul.f32 v53, v5  }
0x1b6: {  	v62 =	vmul.f32 v57, v8;
	v29 =	vmul.f32 v29, v7;
	[tilespmem:s5+$0x300] =	vst v28;
	s6 =	spop (v2sf);
	(v2sf) =	vpush v18, $0x8  }
0x1b7: {  	v23 =	vadd.f32 v23, v30;
	v30 =	vbroadcast v17, $0xE;
	v17 =	vbroadcast v17, $0xF;
	v55 =	vld [tilespmem:s6+$0x1200]  }
0x1b8: {  	v28 =	vmul.f32 v50, v1;
	v50 =	vbroadcast v21, $0x0;
	v63 =	vld [tilespmem:s6+$0x1210]  }
0x1b9: {  	v26 =	vadd.f32 v26, v27;
	v46 =	vmul.f32 v30, v2;
	v47 =	vmul.f32 v17, v4  }
0x1ba: {  	v53 =	vmul.f32 v49, v0;
	v54 =	vmul.f32 v50, v2  }
0x1bb: {  	[tilespmem:s5+$0xFFFFFE10] =	vst v26;
	v30 =	vmul.f32 v30, v3;
	v17 =	vmul.f32 v17, v5;
	v26 =	vadd.f32 v47, v46  }
0x1bc: {  	v46 =	vmul.f32 v58, v11;
	v47 =	vmul.f32 v60, v13;
	v31 =	vadd.f32 v55, v56  }
0x1bd: {  	v27 =	vadd.f32 v63, v28;
	v28 =	vbroadcast v15, $0xD;
	v55 =	vmul.f32 v51, v4  }
0x1be: {  	[tilespmem:s5+$0xFFFFFE00] =	vst v24;
	v56 =	vbroadcast v21, $0x2;
	v63 =	vmul.f32 v58, v10  }
0x1bf: {  	v48 =	vld [tilespmem:s3+$0x1200];
	v31 =	vadd.f32 v31, v33;
	v23 =	vadd.f32 v27, v23;
	v45 =	vmul.f32 v28, v0  }
0x1c0: {  	v59 =	vmul.f32 v56, v6;
	v35 =	vadd.f32 v55, v54;
	v44 =	vmul.f32 v56, v7  }
0x1c1: {  	v34 =	vadd.f32 v43, v63;
	v28 =	vmul.f32 v28, v1;
	v54 =	vbroadcast v16, $0x9  }
0x1c2: {  	v55 =	vbroadcast v21, $0x6;
	v56 =	vbroadcast v21, $0x7;
	v25 =	vadd.f32 v31, v25  }
0x1c3: {  	v63 =	vbroadcast v21, $0xA;
	v22 =	vadd.f32 v23, v22;
	v31 =	vmul.f32 v50, v3  }
0x1c4: {  	v23 =	vadd.f32 v48, v45;
	v45 =	vmul.f32 v57, v9;
	v58 =	vmul.f32 v54, v0;
	[tilespmem:s5+$0x380] =	vst v25  }
0x1c5: {  	v24 =	vadd.f32 v62, v59;
	v59 =	vmul.f32 v55, v2;
	v60 =	vmul.f32 v56, v4;
	[tilespmem:s5+$0x390] =	vst v22;
	s16 =	spop (v2sf)  }
0x1c6: {  	v48 =	vadd.f32 v47, v46;
	v62 =	vbroadcast v21, $0x9;
	v46 =	vmul.f32 v40, v2;
	v52 =	vld [tilespmem:s16+$0x1200]  }
0x1c7: {  	v47 =	vmul.f32 v42, v4;
	v22 =	vmul.f32 v51, v5;
	(v2sf) =	vpush v18, $0x9;
	v61 =	vld [tilespmem:s16+$0x1210]  }
0x1c8: {  	v25 =	vmul.f32 v49, v1;
	v27 =	vadd.f32 v45, v44;
	v24 =	vadd.f32 v34, v24  }
0x1c9: {  	v49 =	vmul.f32 v39, v8;
	v22 =	vadd.f32 v22, v31;
	v31 =	vbroadcast v14, $0x2  }
0x1ca: {  	v23 =	vadd.f32 v23, v26;
	v36 =	vadd.f32 v60, v59;
	v60 =	vmul.f32 v39, v9  }
0x1cb: {  	v26 =	vadd.f32 v49, v32;
	v49 =	vbroadcast v21, $0xB;
	v51 =	vmul.f32 v31, v10  }
0x1cc: {  	v33 =	vadd.f32 v52, v53;
	v25 =	vadd.f32 v61, v25;
	v61 =	vbroadcast v21, $0x8  }
0x1cd: {  	v50 =	vadd.f32 v48, v27;
	v31 =	vmul.f32 v31, v11;
	v52 =	vmul.f32 v37, v12  }
0x1ce: {  	v53 =	vld [tilespmem:s3+$0x1210];
	v33 =	vadd.f32 v33, v35;
	v22 =	vadd.f32 v25, v22;
	v48 =	vmul.f32 v61, v6  }
0x1cf: {  	v27 =	vadd.f32 v52, v51;
	v51 =	vmul.f32 v62, v8;
	v52 =	vmul.f32 v63, v10  }
0x1d0: {  	v35 =	vmul.f32 v62, v9;
	v24 =	vadd.f32 v33, v24;
	v33 =	vmul.f32 v55, v3  }
0x1d1: {  	v22 =	vadd.f32 v22, v50;
	v55 =	vmul.f32 v63, v11;
	v63 =	vbroadcast v16, $0xA  }
0x1d2: {  	v62 =	vadd.f32 v27, v26;
	v27 =	vmul.f32 v40, v3;
	v40 =	vmul.f32 v38, v8  }
0x1d3: {  	v38 =	vmul.f32 v38, v9;
	v25 =	vadd.f32 v53, v28;
	v53 =	vmul.f32 v49, v12  }
0x1d4: {  	v28 =	vadd.f32 v51, v48;
	v48 =	vbroadcast v21, $0xE;
	v21 =	vbroadcast v21, $0xF  }
0x1d5: {  	v51 =	vbroadcast v20, $0x1;
	[tilespmem:s5+$0x400] =	vst v24;
	v24 =	vmul.f32 v54, v1  }
0x1d6: {  	v17 =	vadd.f32 v17, v30;
	[tilespmem:s5+$0x410] =	vst v22;
	v22 =	vmul.f32 v56, v5;
	v54 =	vmul.f32 v61, v7;
	s4 =	spop (v2sf)  }
0x1d7: {  	v56 =	vmul.f32 v49, v13;
	v61 =	vmul.f32 v37, v13;
	(v2sf) =	vpush v18, $0xA;
	v57 =	vld [tilespmem:s4+$0x1200]  }
0x1d8: {  	v41 =	vadd.f32 v60, v29;
	v45 =	vmul.f32 v63, v0;
	v49 =	vbroadcast v20, $0x0;
	v50 =	vld [tilespmem:s4+$0x1210]  }
0x1d9: {  	v23 =	vadd.f32 v23, v62;
	v26 =	vmul.f32 v63, v1;
	v34 =	vadd.f32 v53, v52  }
0x1da: {  	v63 =	vbroadcast v16, $0xB;
	v17 =	vadd.f32 v25, v17;
	v43 =	vadd.f32 v61, v31  }
0x1db: {  	v53 =	vmul.f32 v21, v8;
	v22 =	vadd.f32 v22, v33;
	v31 =	vadd.f32 v47, v46  }
0x1dc: {  	v21 =	vmul.f32 v21, v9;
	v28 =	vadd.f32 v34, v28;
	v25 =	vadd.f32 v43, v41  }
0x1dd: {  	v47 =	vmul.f32 v63, v0;
	v32 =	vadd.f32 v57, v58;
	v24 =	vadd.f32 v50, v24  }
0x1de: {  	v57 =	vadd.f32 v35, v54;
	v58 =	vadd.f32 v56, v55;
	v50 =	vmul.f32 v48, v6  }
0x1df: {  	v54 =	vmul.f32 v49, v10;
	v55 =	vmul.f32 v51, v12;
	v32 =	vadd.f32 v32, v36  }
0x1e0: {  	v56 =	vmul.f32 v48, v7;
	v22 =	vadd.f32 v24, v22;
	v59 =	vadd.f32 v58, v57  }
0x1e1: {  	v24 =	vadd.f32 v53, v50;
	v57 =	vmul.f32 v51, v13;
	v50 =	vbroadcast v20, $0x4  }
0x1e2: {  	v30 =	vadd.f32 v55, v54;
	v51 =	vbroadcast v20, $0x5;
	v54 =	vbroadcast v20, $0x7  }
0x1e3: {  	v36 =	vbroadcast v14, $0x9;
	v28 =	vadd.f32 v32, v28;
	v22 =	vadd.f32 v22, v59  }
0x1e4: {  	v24 =	vadd.f32 v30, v24;
	v30 =	vbroadcast v14, $0x5;
	v53 =	vmul.f32 v50, v6  }
0x1e5: {  	v21 =	vadd.f32 v21, v56;
	v56 =	vmul.f32 v51, v8;
	[tilespmem:s5+$0x480] =	vst v28;
	v28 =	vmul.f32 v49, v11  }
0x1e6: {  	v43 =	vmul.f32 v36, v12;
	[tilespmem:s5+$0x490] =	vst v22;
	v22 =	vmul.f32 v42, v5;
	s6 =	spop (v2sf);
	(v2sf) =	vpush v18, $0xB  }
0x1e7: {  	v61 =	vmul.f32 v30, v4;
	v58 =	vadd.f32 v57, v28;
	v28 =	vbroadcast v14, $0x4;
	v52 =	vld [tilespmem:s6+$0x1210]  }
0x1e8: {  	[tilespmem:s5+$0xFFFFFE80] =	vst v23;
	v23 =	vadd.f32 v56, v53;
	v30 =	vmul.f32 v30, v5;
	v53 =	vbroadcast v20, $0xB;
	v44 =	vld [tilespmem:s6+$0x1200]  }
0x1e9: {  	v17 =	vadd.f32 v17, v25;
	v56 =	vbroadcast v20, $0xD;
	v60 =	vmul.f32 v28, v2  }
0x1ea: {  	v22 =	vadd.f32 v22, v27;
	v27 =	vbroadcast v14, $0x6;
	v21 =	vadd.f32 v58, v21  }
0x1eb: {  	[tilespmem:s5+$0xFFFFFE90] =	vst v17;
	v58 =	vmul.f32 v54, v12;
	v28 =	vmul.f32 v28, v3;
	v17 =	vadd.f32 v61, v60  }
0x1ec: {  	v60 =	vmul.f32 v51, v9;
	v25 =	vadd.f32 v52, v26;
	v26 =	vbroadcast v15, $0xE  }
0x1ed: {  	v29 =	vadd.f32 v44, v45;
	v44 =	vbroadcast v20, $0x2;
	v45 =	vbroadcast v20, $0x3  }
0x1ee: {  	v52 =	vbroadcast v20, $0x6;
	v15 =	vbroadcast v15, $0xF  }
0x1ef: {  	v62 =	vld [tilespmem:s2+$0x1200];
	v29 =	vadd.f32 v29, v31;
	v59 =	vmul.f32 v26, v0;
	v31 =	vmul.f32 v27, v6  }
0x1f0: {  	v48 =	vmul.f32 v44, v2;
	v49 =	vmul.f32 v45, v4  }
0x1f1: {  	v22 =	vadd.f32 v25, v22;
	v57 =	vmul.f32 v52, v10;
	v61 =	vmul.f32 v52, v11  }
0x1f2: {  	v26 =	vmul.f32 v26, v1;
	v52 =	vbroadcast v20, $0xA  }
0x1f3: {  	v27 =	vmul.f32 v27, v7;
	v24 =	vadd.f32 v29, v24;
	v21 =	vadd.f32 v22, v21  }
0x1f4: {  	v22 =	vadd.f32 v62, v59;
	v34 =	vadd.f32 v49, v48;
	v29 =	vmul.f32 v44, v3  }
0x1f5: {  	v59 =	vmul.f32 v50, v7;
	v62 =	vmul.f32 v54, v13;
	s16 =	spop (v2sf);
	(v2sf) =	vpush v18, $0xC  }
0x1f6: {  	v33 =	vadd.f32 v58, v57;
	v54 =	vbroadcast v20, $0xC;
	v58 =	vmul.f32 v53, v8;
	[tilespmem:s5+$0x500] =	vst v24  }
0x1f7: {  	v31 =	vadd.f32 v40, v31;
	[tilespmem:s5+$0x510] =	vst v21;
	v24 =	vmul.f32 v63, v1;
	v21 =	vmul.f32 v45, v5  }
0x1f8: {  	v25 =	vadd.f32 v60, v59;
	v63 =	vadd.f32 v62, v61;
	v45 =	vbroadcast v16, $0xC  }
0x1f9: {  	v59 =	vmul.f32 v54, v10;
	v21 =	vadd.f32 v21, v29;
	v29 =	vbroadcast v14, $0x8  }
0x1fa: {  	v23 =	vadd.f32 v33, v23;
	v60 =	vmul.f32 v56, v12;
	v61 =	vmul.f32 v52, v7  }
0x1fb: {  	v17 =	vadd.f32 v22, v17;
	v62 =	vmul.f32 v54, v11;
	v46 =	vld [tilespmem:s16+$0x1200];
	v42 =	vmul.f32 v29, v10  }
0x1fc: {  	v54 =	vbroadcast v19, $0x1;
	v41 =	vadd.f32 v63, v25;
	v49 =	vmul.f32 v45, v0;
	v55 =	vld [tilespmem:s16+$0x1210]  }
0x1fd: {  	v22 =	vmul.f32 v45, v1;
	v63 =	vmul.f32 v56, v13;
	v25 =	vadd.f32 v43, v42  }
0x1fe: {  	v33 =	vadd.f32 v60, v59;
	v59 =	vmul.f32 v54, v8;
	v29 =	vmul.f32 v29, v11  }
0x1ff: {  	v44 =	vld [tilespmem:s2+$0x1210];
	v43 =	vmul.f32 v36, v13;
	v25 =	vadd.f32 v25, v31;
	v31 =	vmul.f32 v53, v9  }
0x200: {  	v53 =	vbroadcast v19, $0x0;
	v32 =	vadd.f32 v46, v47;
	v46 =	vbroadcast v20, $0x8  }
0x201: {  	v24 =	vadd.f32 v55, v24;
	v47 =	vbroadcast v20, $0x9;
	v55 =	vmul.f32 v52, v6  }
0x202: {  	v17 =	vadd.f32 v17, v25;
	v56 =	vmul.f32 v53, v6;
	v32 =	vadd.f32 v32, v34  }
0x203: {  	v21 =	vadd.f32 v24, v21;
	v50 =	vmul.f32 v46, v2;
	v51 =	vmul.f32 v47, v4  }
0x204: {  	v24 =	vadd.f32 v44, v26;
	v44 =	vmul.f32 v15, v0;
	s3 =	spop (v2sf);
	(v2sf) =	vpush v18, $0xD  }
0x205: {  	v26 =	vadd.f32 v58, v55;
	v55 =	vbroadcast v19, $0x2;
	v15 =	vmul.f32 v15, v1  }
0x206: {  	v25 =	vadd.f32 v59, v56;
	v56 =	vbroadcast v19, $0x8;
	v23 =	vadd.f32 v32, v23  }
0x207: {  	v21 =	vadd.f32 v21, v41;
	v26 =	vadd.f32 v33, v26;
	v33 =	vbroadcast v14, $0xA  }
0x208: {  	v41 =	vadd.f32 v63, v62;
	v60 =	vmul.f32 v55, v10;
	v62 =	vmul.f32 v53, v7  }
0x209: {  	v28 =	vadd.f32 v30, v28;
	v36 =	vmul.f32 v55, v11;
	v53 =	vbroadcast v19, $0x6;
	[tilespmem:s5+$0x580] =	vst v23  }
0x20a: {  	v40 =	vadd.f32 v31, v61;
	[tilespmem:s5+$0x590] =	vst v21;
	v23 =	vmul.f32 v46, v3;
	v21 =	vmul.f32 v47, v5  }
0x20b: {  	v34 =	vadd.f32 v51, v50;
	v55 =	vbroadcast v19, $0x7;
	v46 =	vbroadcast v16, $0xD;
	v48 =	vld [tilespmem:s3+$0x1200]  }
0x20c: {  	v47 =	vbroadcast v20, $0xE;
	v20 =	vbroadcast v20, $0xF;
	v21 =	vadd.f32 v21, v23;
	v57 =	vld [tilespmem:s3+$0x1210]  }
0x20d: {  	v23 =	vadd.f32 v38, v27;
	v27 =	vbroadcast v14, $0xB;
	v50 =	vmul.f32 v46, v0  }
0x20e: {  	v45 =	vadd.f32 v24, v28;
	v51 =	vmul.f32 v47, v2;
	v52 =	vmul.f32 v20, v4  }
0x20f: {  	v42 =	vadd.f32 v41, v40;
	v24 =	vmul.f32 v46, v1;
	v46 =	vbroadcast v19, $0x4  }
0x210: {  	v20 =	vmul.f32 v20, v5;
	v30 =	vadd.f32 v52, v51;
	v32 =	vadd.f32 v48, v49  }
0x211: {  	v38 =	vmul.f32 v27, v4;
	v51 =	vmul.f32 v46, v2;
	v22 =	vadd.f32 v57, v22  }
0x212: {  	v48 =	vadd.f32 v43, v29;
	v57 =	vbroadcast v19, $0x3;
	v32 =	vadd.f32 v32, v34  }
0x213: {  	v27 =	vmul.f32 v27, v5;
	v21 =	vadd.f32 v22, v21;
	s4 =	spop (v2sf);
	(v2sf) =	vpush v18, $0xE  }
0x214: {  	v61 =	vmul.f32 v57, v12;
	v34 =	vbroadcast v14, $0xD;
	v26 =	vadd.f32 v32, v26  }
0x215: {  	v37 =	vmul.f32 v57, v13;
	v57 =	vmul.f32 v53, v6;
	v21 =	vadd.f32 v21, v42  }
0x216: {  	v32 =	vmul.f32 v33, v2;
	v63 =	vadd.f32 v61, v60;
	v42 =	vmul.f32 v34, v8;
	[tilespmem:s5+$0x600] =	vst v26  }
0x217: {  	v29 =	vadd.f32 v37, v36;
	v60 =	vmul.f32 v55, v8;
	v61 =	vmul.f32 v56, v10;
	[tilespmem:s5+$0x610] =	vst v21  }
0x218: {  	v21 =	vadd.f32 v48, v23;
	v26 =	vmul.f32 v47, v3;
	v23 =	vmul.f32 v54, v9;
	v49 =	vld [tilespmem:s4+$0x1200]  }
0x219: {  	[tilespmem:s5+$0xFFFFFF00] =	vst v17;
	v17 =	vadd.f32 v63, v25;
	v25 =	vbroadcast v14, $0xE;
	v48 =	vbroadcast v19, $0x5;
	v58 =	vld [tilespmem:s4+$0x1210]  }
0x21a: {  	v63 =	vmul.f32 v53, v7;
	v20 =	vadd.f32 v20, v26;
	v26 =	vbroadcast v14, $0xC  }
0x21b: {  	v21 =	vadd.f32 v45, v21;
	v43 =	vmul.f32 v25, v10;
	v14 =	vbroadcast v14, $0xF  }
0x21c: {  	v23 =	vadd.f32 v23, v62;
	v45 =	vbroadcast v16, $0xE;
	v52 =	vmul.f32 v48, v4  }
0x21d: {  	v25 =	vmul.f32 v25, v11;
	v16 =	vbroadcast v16, $0xF;
	v28 =	vadd.f32 v49, v50  }
0x21e: {  	v40 =	vadd.f32 v29, v23;
	v41 =	vmul.f32 v26, v6;
	v22 =	vadd.f32 v58, v24  }
0x21f: {  	[tilespmem:s5+$0xFFFFFF10] =	vst v21;
	v21 =	vadd.f32 v38, v32;
	v47 =	vmul.f32 v14, v12;
	v28 =	vadd.f32 v28, v30  }
0x220: {  	v32 =	vadd.f32 v52, v51;
	v14 =	vmul.f32 v14, v13;
	v39 =	vld [tilespmem:s1+$0x1200];
	v20 =	vadd.f32 v22, v20  }
0x221: {  	v51 =	vbroadcast v19, $0xD;
	v38 =	vld [tilespmem:s1+$0x1210];
	v23 =	vadd.f32 v42, v41;
	v17 =	vadd.f32 v28, v17  }
0x222: {  	v52 =	vbroadcast v19, $0xE;
	v20 =	vadd.f32 v20, v40;
	s6 =	spop (v2sf);
	(v2sf) =	vpush v18, $0xF  }
0x223: {  	v54 =	vadd.f32 v47, v43;
	v41 =	vmul.f32 v26, v7;
	v42 =	vmul.f32 v34, v9;
	[tilespmem:s5+$0x680] =	vst v17  }
0x224: {  	v43 =	vbroadcast v19, $0xA;
	v14 =	vadd.f32 v14, v25;
	v58 =	vbroadcast v19, $0x9;
	[tilespmem:s5+$0x690] =	vst v20  }
0x225: {  	v50 =	vmul.f32 v45, v0;
	v24 =	vmul.f32 v46, v3;
	v44 =	vadd.f32 v39, v44;
	v49 =	vld [tilespmem:s6+$0x1200]  }
0x226: {  	v15 =	vadd.f32 v38, v15;
	v62 =	vmul.f32 v58, v12;
	v30 =	vmul.f32 v56, v11;
	v59 =	vld [tilespmem:s6+$0x1210]  }
0x227: {  	v22 =	vadd.f32 v60, v57;
	v36 =	vmul.f32 v58, v13;
	v20 =	vmul.f32 v48, v5  }
0x228: {  	v21 =	vadd.f32 v44, v21;
	v28 =	vmul.f32 v55, v9;
	v31 =	vadd.f32 v62, v61  }
0x229: {  	v37 =	vadd.f32 v36, v30;
	v17 =	vmul.f32 v45, v1;
	v20 =	vadd.f32 v20, v24  }
0x22a: {  	v47 =	vmul.f32 v16, v0;
	v18 =	vadd.f32 v54, v23;
	v29 =	vadd.f32 v49, v50  }
0x22b: {  	v16 =	vmul.f32 v16, v1;
	v23 =	vadd.f32 v28, v63;
	v17 =	vadd.f32 v59, v17  }
0x22c: {  	v39 =	vmul.f32 v33, v3;
	v22 =	vadd.f32 v31, v22;
	v29 =	vadd.f32 v29, v32  }
0x22d: {  	v58 =	vmul.f32 v52, v11;
	v40 =	vadd.f32 v37, v23;
	v17 =	vadd.f32 v17, v20  }
0x22e: {  	v44 =	vadd.f32 v27, v39;
	v55 =	vmul.f32 v52, v10;
	v22 =	vadd.f32 v29, v22  }
0x22f: {  	v45 =	vbroadcast v19, $0xB;
	v23 =	vadd.f32 v42, v41;
	v17 =	vadd.f32 v17, v40  }
0x230: {  	v15 =	vadd.f32 v15, v44;
	v48 =	vmul.f32 v43, v2;
	v54 =	vmul.f32 v51, v8;
	[tilespmem:s5+$0x700] =	vst v22  }
0x231: {  	v14 =	vadd.f32 v14, v23;
	v50 =	vbroadcast v19, $0xC;
	v19 =	vbroadcast v19, $0xF;
	[tilespmem:s5+$0x710] =	vst v17;
	s16 =	spop (v2sf)  }
0x232: {  	v23 =	vmul.f32 v51, v9;
	v49 =	vmul.f32 v45, v4;
	v46 =	vld [tilespmem:s16+$0x1200]  }
0x233: {  	v14 =	vadd.f32 v15, v14;
	v53 =	vmul.f32 v50, v6;
	v56 =	vmul.f32 v19, v12;
	v15 =	vld [tilespmem:s16+$0x1210]  }
0x234: {  	v18 =	vadd.f32 v21, v18;
	v57 =	vmul.f32 v50, v7;
	v19 =	vmul.f32 v19, v13  }
0x235: {  	v20 =	vmul.f32 v43, v3;
	v21 =	vadd.f32 v54, v53;
	v25 =	vadd.f32 v56, v55  }
0x236: {  	v60 =	vadd.f32 v23, v57;
	v19 =	vadd.f32 v19, v58;
	v17 =	vmul.f32 v45, v5  }
0x237: {  	v22 =	vadd.f32 v49, v48;
	v24 =	vadd.f32 v46, v47  }
0x238: {  	s28 =	sadd.s32 $0x2, s28;
	v59 =	vadd.f32 v17, v20;
	v15 =	vadd.f32 v15, v16  }
0x239: {  	p0 =	slt.u32 s28, $0x1E;
	v21 =	vadd.f32 v25, v21;
	v61 =	vadd.f32 v24, v22  }
.Ltmp0:
0x23a: {  	v62 =	vadd.f32 v19, v60;
	v15 =	vadd.f32 v15, v59;
	(pc) =	sbr.rel @p0 .LBB2_2-.Ltmp0, $4  }
0x23b: {  	[tilespmem:s5+$0xFFFFFF80] =	vst v18;
	v63 =	vadd.f32 v61, v21  }
0x23c: {  	[tilespmem:s5+$0xFFFFFF90] =	vst v14;
	v14 =	vadd.f32 v15, v62  }
0x23d: {  	s31 =	sadd.s32 $0x20, s31;
	s30 =	sadd.s32 $0x20, s30;
	[tilespmem:s5+$0x780] =	vst v63  }
0x23e: {  	s29 =	sadd.s32 $0x20, s29;
	s0 =	sadd.s32 $0xC0, s0;
	[tilespmem:s5+$0x790] =	vst v14;
	s5 =	sadd.s32 $0x1000, s5  }
0x23f: {  	s26 =	sadd.s32 $0x1, s26  }
0x240: {  	p0 =	sne.s32 s26, s14  }
.Ltmp1:
0x241: {  	_ = 	snop;
	(pc) =	sbr.rel @p0 .LBB2_1-.Ltmp1, $4  }
0x242: {  	[hbm4b:s13+s7] =	stream.linear.scatter [tilespmem:s25], [sflag:$0x1], $0x10000, $0x38;
	[tilespmem:$0x12100] =	vst v63  }
0x243: {  	_ =	swait.ge [sflag:s15], $0x10000  }
0x244: {  	[sflag:s15] =	ssyncset.done $0x0  }
0x245: {  	[sflag:s15] =	ssyncadd.s32 $0xFFFF0000  }
0x246: {  	_ =	sfence.sel $0x180000  }
0x247: {  	[bflag:$0x0] =	sbarrier.arrive $0xFFFF  }
0x248: {  	_ =	strace $0x90000047  }
0x249: {  	s0 =	stileid.u32;
	[bflag:$0x2] =	sbarrier.arrive $0xFFFF  }
0x24a: {  	p0 =	sne.s32 s0, $0x0;
	s0 =	rddreg [dreg:$0xa]  }
0x24b: {  	s0 =	sadd.s32 @!p0 $0x100000, s0  }
0x24c: {  	[sflag:s0] =	ssyncadd.tile.s32 @!p0 $0x1;
	_ =	shalt  }
.Lfunc_end2:
_tile_overlayer_lowered:
.L_overlay_start_2:
0x24d: {  	(tag) =	ssettag $0x2  }
0x24e: {  	s0 =	rddreg [dreg:$0x0];
	s2 =	stileid.u32  }
0x24f: {  	s1 =	rddreg [dreg:$0x1];
	p0 =	sne.s32 s2, $0x0  }
0x250: {  	s3 =	rddreg [dreg:$0x2];
	[bflag:$0x3] =	sbarrier.arrive $0xFFFF;
	s2 =	simm.s32 @!p0 $0x1C01  }
0x251: {  	[timem:s3], [sflag:s2] =	dma.local @!p0 [hbm:s0], s1  }
0x252: {  	s0 =	simm.s32 @!p0 $0x1  }
0x253: {  	_ =	swait.ge @!p0 [sflag:s0], s1  }
0x254: {  	s1 =	ssub.s32 @!p0 $0x0, s1;
	[sflag:s0] =	ssyncset.done @!p0 $0x0  }
0x255: {  	[sflag:s0] =	ssyncadd.s32 @!p0 s1  }
0x256: {  	[bflag:$0x3] =	sbarrier.arrive $0xFFFF  }
0x257: {  	_ =	shalt  }

</sc_bundles>
